<compile_context>
chip_gen: v7x
topology: tpu7x:2x2x1
jax: 0.10.2.dev20260603
libtpu: 0.0.44.dev20260713+nightly
codegen_flags: <defaults>
</compile_context>

<pallas_src>
import jax
import jax.numpy as jnp
from jax import lax
from jax.experimental import pallas as pl
from jax.experimental.pallas import tpu as pltpu
from jax.experimental.pallas import tpu_sc as plsc

_N = 10000
_E = 320000
_D = 128

_info = plsc.get_sparse_core_info()
_NC = _info.num_cores
_NS = _info.num_subcores
_L = _info.num_lanes
_NW = _NC * _NS
_EPW = _E // _NW
_B = 80
_NB = _EPW // _B
_G = _B // _L
_DW = _D // 2


def _tec_body(x_hbm, eidx_hbm, out_hbm,
              sidx_v, didx_v, score_v,
              srow0, srow1, drow0, drow1, ptile, sem0, sem1):
    wid = lax.axis_index("s") * _NC + lax.axis_index("c")
    base = wid * _EPW
    lanes = lax.iota(jnp.int32, _L)
    srow = (srow0, srow1)
    drow = (drow0, drow1)
    sem = (sem0, sem1)

    pltpu.sync_copy(eidx_hbm.at[0, pl.ds(base, _EPW)], sidx_v)
    pltpu.sync_copy(eidx_hbm.at[1, pl.ds(base, _EPW)], didx_v)

    def fire(blk, b):
        off = blk * _B
        pltpu.async_copy(x_hbm.at[sidx_v.at[pl.ds(off, _B)]], srow[b], sem[b])
        pltpu.async_copy(x_hbm.at[didx_v.at[pl.ds(off, _B)]], drow[b], sem[b])

    def wait(b):
        pltpu.make_async_copy(x_hbm.at[sidx_v.at[pl.ds(0, _B)]], srow[b], sem[b]).wait()
        pltpu.make_async_copy(x_hbm.at[didx_v.at[pl.ds(0, _B)]], drow[b], sem[b]).wait()

    def compute(blk, b):
        sr, dr = srow[b], drow[b]

        @plsc.parallel_loop(0, _B, unroll=4)
        def edge_body(e):
            prods = []
            for c in range(_DW // _L):
                vs = plsc.bitcast(sr[e, pl.ds(c * _L, _L)], jnp.bfloat16)
                vd = plsc.bitcast(dr[e, pl.ds(c * _L, _L)], jnp.bfloat16)
                prods.append(vs * vd)
            while len(prods) > 1:
                prods = [prods[i] + prods[i + 1]
                         for i in range(0, len(prods), 2)]
            pa, pb = plsc.unpack(prods[0],
                                 format=plsc.PackFormat.INTERLEAVED,
                                 preferred_element_type=jnp.float32)
            ptile[e, pl.ds(0, _L)] = pa + pb

        for g in range(_G):
            rows = lanes + g * _L
            cols = [plsc.load_gather(ptile, [rows, lanes * 0 + l])
                    for l in range(_L)]
            while len(cols) > 1:
                cols = [cols[i] + cols[i + 1] for i in range(0, len(cols), 2)]
            s = cols[0]
            score_v[pl.ds(blk * _B + g * _L, _L)] = 1.0 / (1.0 + jnp.exp(-s))

    fire(0, 0)

    def outer(i, carry):
        j = i * 2
        for b in range(2):
            blk = j + b
            fire(blk + 1, 1 - b)
            wait(b)
            compute(blk, b)
        return carry

    lax.fori_loop(0, (_NB - 1) // 2, outer, 0)
    wait(0)
    compute(_NB - 1, 0)

    pltpu.sync_copy(score_v, out_hbm.at[pl.ds(base, _EPW)])


@jax.jit
def _run(x, eidx):
    mesh = plsc.VectorSubcoreMesh(core_axis_name="c", subcore_axis_name="s")
    return pl.kernel(
        _tec_body,
        out_type=jax.ShapeDtypeStruct((_E,), jnp.float32),
        mesh=mesh,
        scratch_types=[
            pltpu.VMEM((_EPW,), jnp.int32),
            pltpu.VMEM((_EPW,), jnp.int32),
            pltpu.VMEM((_EPW,), jnp.float32),
            pltpu.VMEM((_B, _DW), jnp.float32),
            pltpu.VMEM((_B, _DW), jnp.float32),
            pltpu.VMEM((_B, _DW), jnp.float32),
            pltpu.VMEM((_B, _DW), jnp.float32),
            pltpu.VMEM((_B, _L + 1), jnp.float32),
            pltpu.SemaphoreType.DMA,
            pltpu.SemaphoreType.DMA,
        ],
        compiler_params=pltpu.CompilerParams(needs_layout_passes=False,
                                             use_tc_tiling_on_sc=False),
    )(x, eidx)


def kernel(x, edge_index):
    b = jax.lax.bitcast_convert_type(x.astype(jnp.bfloat16), jnp.uint16)
    w = (b[:, :_DW].astype(jnp.uint32)
         | (b[:, _DW:].astype(jnp.uint32) << 16))
    xp = jax.lax.bitcast_convert_type(w, jnp.float32)
    return _run(xp, edge_index.astype(jnp.int32))

# --- scband reference (transcript-rebuilt; emitter-appended) ---
"""Pipeline reference for scband-edge-predictor-88407606821294 (READ-ONLY COPY).

The authoritative reference and input builder live on the scoring server;
editing this copy changes nothing except your own understanding.
"""

import jax, jax.numpy as jnp
import numpy as np

N = 10000
E = 320000
D = 128

def setup_inputs(seed: int = 0) -> dict:
    key = jax.random.key(seed)
    k1, k2 = jax.random.split(key)
    x = jax.random.normal(k1, (N, D), dtype=jnp.float32)
    edge_index = jax.random.randint(k2, (2, E), 0, N).astype(jnp.int64)
    return {"x": x, "edge_index": edge_index}

def reference(x, edge_index):
    # DGL fn.u_dot_v('h','h','score'): per-edge dot product of src and dst node features,
    # followed by sigmoid activation (loss_type == 'CONTRASTIVE').
    src = edge_index[0]
    dst = edge_index[1]
    h_src = jnp.take(x, src, axis=0)  # gather [E, D]
    h_dst = jnp.take(x, dst, axis=0)  # gather [E, D]
    scores = jnp.sum(h_src * h_dst, axis=-1)  # u_dot_v -> [E]
    return jax.nn.sigmoid(scores)

if __name__ == "__main__":
    import jax
    _d = setup_inputs()
    print(jax.jit(kernel)(*tuple(_d.values())))

</pallas_src>

<mosaic_0001>
#map = affine_map<(d0, d1) -> (0, 0)>
#map1 = affine_map<(d0, d1) -> (0)>
module attributes {stable_mosaic.version = 14 : i64} {
  func.func @_tec_body(%arg0: i32, %arg1: i32, %arg2: memref<10000x64xf32, #tpu.memory_space<hbm>>, %arg3: memref<2x320000xi32, #tpu.memory_space<hbm>>, %arg4: memref<320000xf32, #tpu.memory_space<hbm>>, %arg5: memref<10000xi32, #tpu.memory_space<vmem>>, %arg6: memref<10000xi32, #tpu.memory_space<vmem>>, %arg7: memref<10000xf32, #tpu.memory_space<vmem>>, %arg8: memref<80x64xf32, #tpu.memory_space<vmem>>, %arg9: memref<80x64xf32, #tpu.memory_space<vmem>>, %arg10: memref<80x64xf32, #tpu.memory_space<vmem>>, %arg11: memref<80x64xf32, #tpu.memory_space<vmem>>, %arg12: memref<80x17xf32, #tpu.memory_space<vmem>>, %arg13: memref<!tpu.dma_semaphore, #tpu.memory_space<semaphore_mem>>, %arg14: memref<!tpu.dma_semaphore, #tpu.memory_space<semaphore_mem>>) attributes {dimension_semantics = [#tpu.dimension_semantics<core_parallel>, #tpu.dimension_semantics<subcore_parallel>], iteration_bounds = array<i64: 2, 16>, scalar_prefetch = 0 : i64, scratch_operands = 10 : i64, tpu.core_type = #tpu.core_type<sc_vector_subcore>, window_params = [{transform_indices = #map}, {transform_indices = #map}, {transform_indices = #map1}]} {
    %mul3A = arith.constant 2 : i32
    %mul3A_0 = arith.muli %arg1, %mul3A : i32
    %add3A = arith.addi %mul3A_0, %arg0 : i32
    %mul3A_1 = arith.constant 10000 : i32
    %mul3A_2 = arith.muli %add3A, %mul3A_1 : i32
    %iota3A = tpu.iota {dimensions = array<i32: 0>} : vector<16xi32>
    %run_scoped3A = arith.constant 0 : i32
    "tpu.region"() ({
      %run_scoped3A_734 = tpu.sem_alloc : memref<!tpu.dma_semaphore, #tpu.memory_space<semaphore_mem>>
      %dma_start3A_735 = tpu.memref_slice %arg3[%run_scoped3A, %mul3A_2] : memref<2x320000xi32, #tpu.memory_space<hbm>> -> memref<1x10000xi32, #tpu.memory_space<hbm>>
      %dma_start3A_736 = tpu.memref_squeeze %dma_start3A_735 : memref<1x10000xi32, #tpu.memory_space<hbm>> -> memref<10000xi32, #tpu.memory_space<hbm>>
      %dma_start3A_737 = tpu.memref_slice %arg3[%run_scoped3A, %mul3A_2] : memref<2x320000xi32, #tpu.memory_space<hbm>> -> memref<1x10000xi32, #tpu.memory_space<hbm>>
      %dma_start3A_738 = tpu.memref_squeeze %dma_start3A_737 : memref<1x10000xi32, #tpu.memory_space<hbm>> -> memref<10000xi32, #tpu.memory_space<hbm>>
      tpu.enqueue_dma source(%dma_start3A_738 : memref<10000xi32, #tpu.memory_space<hbm>>) target(%arg5 : memref<10000xi32, #tpu.memory_space<vmem>>) target_semaphore(%run_scoped3A_734 : memref<!tpu.dma_semaphore, #tpu.memory_space<semaphore_mem>>)
      %dma_wait3A_739 = tpu.memref_slice %arg3[%run_scoped3A, %mul3A_2] : memref<2x320000xi32, #tpu.memory_space<hbm>> -> memref<1x10000xi32, #tpu.memory_space<hbm>>
      %dma_wait3A_740 = tpu.memref_squeeze %dma_wait3A_739 : memref<1x10000xi32, #tpu.memory_space<hbm>> -> memref<10000xi32, #tpu.memory_space<hbm>>
      %dma_wait3A_741 = tpu.memref_slice %arg3[%run_scoped3A, %mul3A_2] : memref<2x320000xi32, #tpu.memory_space<hbm>> -> memref<1x10000xi32, #tpu.memory_space<hbm>>
      %dma_wait3A_742 = tpu.memref_squeeze %dma_wait3A_741 : memref<1x10000xi32, #tpu.memory_space<hbm>> -> memref<10000xi32, #tpu.memory_space<hbm>>
      tpu.wait_dma2 semaphore(%run_scoped3A_734 : memref<!tpu.dma_semaphore, #tpu.memory_space<semaphore_mem>>) src(%dma_wait3A_742 : memref<10000xi32, #tpu.memory_space<hbm>>) dst(%arg5 : memref<10000xi32, #tpu.memory_space<vmem>>)
      tpu.yield
    }) : () -> ()
    %run_scoped3A_3 = arith.constant 1 : i32
    "tpu.region"() ({
      %run_scoped3A_734 = tpu.sem_alloc : memref<!tpu.dma_semaphore, #tpu.memory_space<semaphore_mem>>
      %dma_start3A_735 = tpu.memref_slice %arg3[%run_scoped3A_3, %mul3A_2] : memref<2x320000xi32, #tpu.memory_space<hbm>> -> memref<1x10000xi32, #tpu.memory_space<hbm>>
      %dma_start3A_736 = tpu.memref_squeeze %dma_start3A_735 : memref<1x10000xi32, #tpu.memory_space<hbm>> -> memref<10000xi32, #tpu.memory_space<hbm>>
      %dma_start3A_737 = tpu.memref_slice %arg3[%run_scoped3A_3, %mul3A_2] : memref<2x320000xi32, #tpu.memory_space<hbm>> -> memref<1x10000xi32, #tpu.memory_space<hbm>>
      %dma_start3A_738 = tpu.memref_squeeze %dma_start3A_737 : memref<1x10000xi32, #tpu.memory_space<hbm>> -> memref<10000xi32, #tpu.memory_space<hbm>>
      tpu.enqueue_dma source(%dma_start3A_738 : memref<10000xi32, #tpu.memory_space<hbm>>) target(%arg6 : memref<10000xi32, #tpu.memory_space<vmem>>) target_semaphore(%run_scoped3A_734 : memref<!tpu.dma_semaphore, #tpu.memory_space<semaphore_mem>>)
      %dma_wait3A_739 = tpu.memref_slice %arg3[%run_scoped3A_3, %mul3A_2] : memref<2x320000xi32, #tpu.memory_space<hbm>> -> memref<1x10000xi32, #tpu.memory_space<hbm>>
      %dma_wait3A_740 = tpu.memref_squeeze %dma_wait3A_739 : memref<1x10000xi32, #tpu.memory_space<hbm>> -> memref<10000xi32, #tpu.memory_space<hbm>>
      %dma_wait3A_741 = tpu.memref_slice %arg3[%run_scoped3A_3, %mul3A_2] : memref<2x320000xi32, #tpu.memory_space<hbm>> -> memref<1x10000xi32, #tpu.memory_space<hbm>>
      %dma_wait3A_742 = tpu.memref_squeeze %dma_wait3A_741 : memref<1x10000xi32, #tpu.memory_space<hbm>> -> memref<10000xi32, #tpu.memory_space<hbm>>
      tpu.wait_dma2 semaphore(%run_scoped3A_734 : memref<!tpu.dma_semaphore, #tpu.memory_space<semaphore_mem>>) src(%dma_wait3A_742 : memref<10000xi32, #tpu.memory_space<hbm>>) dst(%arg6 : memref<10000xi32, #tpu.memory_space<vmem>>)
      tpu.yield
    }) : () -> ()
    %dma_start3A = arith.constant 0 : i32
    %dma_start3A_4 = tpu.memref_slice %arg5[%dma_start3A] : memref<10000xi32, #tpu.memory_space<vmem>> -> memref<80xi32, #tpu.memory_space<vmem>>
    %dma_start3A_5 = arith.constant 0 : i32
    %dma_start3A_6 = arith.constant 0 : i32
    %dma_start3A_7 = tpu.memref_slice %arg2[%dma_start3A_5, %dma_start3A_6] : memref<10000x64xf32, #tpu.memory_space<hbm>> -> memref<10000x64xf32, #tpu.memory_space<hbm>>
    tpu.enqueue_indirect_dma source(%dma_start3A_7 : memref<10000x64xf32, #tpu.memory_space<hbm>>) target(%arg8 : memref<80x64xf32, #tpu.memory_space<vmem>>) offsets(%dma_start3A_4 : memref<80xi32, #tpu.memory_space<vmem>>) semaphore(%arg13 : memref<!tpu.dma_semaphore, #tpu.memory_space<semaphore_mem>>)
    %dma_start3A_8 = arith.constant 0 : i32
    %dma_start3A_9 = tpu.memref_slice %arg6[%dma_start3A_8] : memref<10000xi32, #tpu.memory_space<vmem>> -> memref<80xi32, #tpu.memory_space<vmem>>
    %dma_start3A_10 = arith.constant 0 : i32
    %dma_start3A_11 = arith.constant 0 : i32
    %dma_start3A_12 = tpu.memref_slice %arg2[%dma_start3A_10, %dma_start3A_11] : memref<10000x64xf32, #tpu.memory_space<hbm>> -> memref<10000x64xf32, #tpu.memory_space<hbm>>
    tpu.enqueue_indirect_dma source(%dma_start3A_12 : memref<10000x64xf32, #tpu.memory_space<hbm>>) target(%arg10 : memref<80x64xf32, #tpu.memory_space<vmem>>) offsets(%dma_start3A_9 : memref<80xi32, #tpu.memory_space<vmem>>) semaphore(%arg13 : memref<!tpu.dma_semaphore, #tpu.memory_space<semaphore_mem>>)
    %scan3A = arith.constant 0 : i32
    %scan3A_13 = arith.constant 0 : i32
    %scan3A_14 = arith.constant 62 : i32
    %scan3A_15 = arith.addi %scan3A_13, %scan3A_14 : i32
    %scan3A_16 = arith.constant 1 : i32
    scf.for %scan3A_734 = %scan3A_13 to %scan3A_15 step %scan3A_16  : i32 {
      %mul3A_735 = arith.constant 2 : i32
      %mul3A_736 = arith.muli %scan3A_734, %mul3A_735 : i32
      %add3A_737 = arith.constant 0 : i32
      %add3A_738 = arith.addi %mul3A_736, %add3A_737 : i32
      %add3A_739 = arith.constant 1 : i32
      %add3A_740 = arith.addi %add3A_738, %add3A_739 : i32
      %mul3A_741 = arith.constant 80 : i32
      %mul3A_742 = arith.muli %add3A_740, %mul3A_741 : i32
      %dma_start3A_743 = tpu.memref_slice %arg5[%mul3A_742] : memref<10000xi32, #tpu.memory_space<vmem>> -> memref<80xi32, #tpu.memory_space<vmem>>
      %dma_start3A_744 = arith.constant 0 : i32
      %dma_start3A_745 = arith.constant 0 : i32
      %dma_start3A_746 = tpu.memref_slice %arg2[%dma_start3A_744, %dma_start3A_745] : memref<10000x64xf32, #tpu.memory_space<hbm>> -> memref<10000x64xf32, #tpu.memory_space<hbm>>
      tpu.enqueue_indirect_dma source(%dma_start3A_746 : memref<10000x64xf32, #tpu.memory_space<hbm>>) target(%arg9 : memref<80x64xf32, #tpu.memory_space<vmem>>) offsets(%dma_start3A_743 : memref<80xi32, #tpu.memory_space<vmem>>) semaphore(%arg14 : memref<!tpu.dma_semaphore, #tpu.memory_space<semaphore_mem>>)
      %dma_start3A_747 = tpu.memref_slice %arg6[%mul3A_742] : memref<10000xi32, #tpu.memory_space<vmem>> -> memref<80xi32, #tpu.memory_space<vmem>>
      %dma_start3A_748 = arith.constant 0 : i32
      %dma_start3A_749 = arith.constant 0 : i32
      %dma_start3A_750 = tpu.memref_slice %arg2[%dma_start3A_748, %dma_start3A_749] : memref<10000x64xf32, #tpu.memory_space<hbm>> -> memref<10000x64xf32, #tpu.memory_space<hbm>>
      tpu.enqueue_indirect_dma source(%dma_start3A_750 : memref<10000x64xf32, #tpu.memory_space<hbm>>) target(%arg11 : memref<80x64xf32, #tpu.memory_space<vmem>>) offsets(%dma_start3A_747 : memref<80xi32, #tpu.memory_space<vmem>>) semaphore(%arg14 : memref<!tpu.dma_semaphore, #tpu.memory_space<semaphore_mem>>)
      %dma_wait3A_751 = arith.constant 0 : i32
      %dma_wait3A_752 = tpu.memref_slice %arg5[%dma_wait3A_751] : memref<10000xi32, #tpu.memory_space<vmem>> -> memref<80xi32, #tpu.memory_space<vmem>>
      %dma_wait3A_753 = arith.constant 0 : i32
      %dma_wait3A_754 = arith.constant 0 : i32
      %dma_wait3A_755 = tpu.memref_slice %arg2[%dma_wait3A_753, %dma_wait3A_754] : memref<10000x64xf32, #tpu.memory_space<hbm>> -> memref<10000x64xf32, #tpu.memory_space<hbm>>
      tpu.wait_indirect_dma semaphore(%arg13 : memref<!tpu.dma_semaphore, #tpu.memory_space<semaphore_mem>>) src(%dma_wait3A_755 : memref<10000x64xf32, #tpu.memory_space<hbm>>) dst(%arg8 : memref<80x64xf32, #tpu.memory_space<vmem>>)
      %dma_wait3A_756 = arith.constant 0 : i32
      %dma_wait3A_757 = tpu.memref_slice %arg6[%dma_wait3A_756] : memref<10000xi32, #tpu.memory_space<vmem>> -> memref<80xi32, #tpu.memory_space<vmem>>
      %dma_wait3A_758 = arith.constant 0 : i32
      %dma_wait3A_759 = arith.constant 0 : i32
      %dma_wait3A_760 = tpu.memref_slice %arg2[%dma_wait3A_758, %dma_wait3A_759] : memref<10000x64xf32, #tpu.memory_space<hbm>> -> memref<10000x64xf32, #tpu.memory_space<hbm>>
      tpu.wait_indirect_dma semaphore(%arg13 : memref<!tpu.dma_semaphore, #tpu.memory_space<semaphore_mem>>) src(%dma_wait3A_760 : memref<10000x64xf32, #tpu.memory_space<hbm>>) dst(%arg10 : memref<80x64xf32, #tpu.memory_space<vmem>>)
      %parallel_loop3A_761 = arith.constant 0 : i32
      %parallel_loop3A_762 = arith.constant 80 : i32
      %parallel_loop3A_763 = arith.constant 1 : i32
      scf.for %parallel_loop3A_2251 = %parallel_loop3A_761 to %parallel_loop3A_762 step %parallel_loop3A_763  : i32 {
        %parallel_loop3A_2252 = arith.index_cast %parallel_loop3A_2251 : i32 to index
        %parallel_loop3A_2253 = arith.constant 0 : index
        %parallel_loop3A_2254 = tpu.vector_load %arg8[%parallel_loop3A_2252, %parallel_loop3A_2253] {strides = array<i32>} : memref<80x64xf32, #tpu.memory_space<vmem>>, vector<16xf32>,
        %parallel_loop3A_2255 = vector.bitcast %parallel_loop3A_2254 : vector<16xf32> to vector<32xbf16>
        %parallel_loop3A_2256 = arith.index_cast %parallel_loop3A_2251 : i32 to index
        %parallel_loop3A_2257 = arith.constant 0 : index
        %parallel_loop3A_2258 = tpu.vector_load %arg10[%parallel_loop3A_2256, %parallel_loop3A_2257] {strides = array<i32>} : memref<80x64xf32, #tpu.memory_space<vmem>>, vector<16xf32>,
        %parallel_loop3A_2259 = vector.bitcast %parallel_loop3A_2258 : vector<16xf32> to vector<32xbf16>
        %parallel_loop3A_2260 = arith.mulf %parallel_loop3A_2255, %parallel_loop3A_2259 : vector<32xbf16>
        %parallel_loop3A_2261 = arith.index_cast %parallel_loop3A_2251 : i32 to index
        %parallel_loop3A_2262 = arith.constant 16 : index
        %parallel_loop3A_2263 = tpu.vector_load %arg8[%parallel_loop3A_2261, %parallel_loop3A_2262] {strides = array<i32>} : memref<80x64xf32, #tpu.memory_space<vmem>>, vector<16xf32>,
        %parallel_loop3A_2264 = vector.bitcast %parallel_loop3A_2263 : vector<16xf32> to vector<32xbf16>
        %parallel_loop3A_2265 = arith.index_cast %parallel_loop3A_2251 : i32 to index
        %parallel_loop3A_2266 = arith.constant 16 : index
        %parallel_loop3A_2267 = tpu.vector_load %arg10[%parallel_loop3A_2265, %parallel_loop3A_2266] {strides = array<i32>} : memref<80x64xf32, #tpu.memory_space<vmem>>, vector<16xf32>,
        %parallel_loop3A_2268 = vector.bitcast %parallel_loop3A_2267 : vector<16xf32> to vector<32xbf16>
        %parallel_loop3A_2269 = arith.mulf %parallel_loop3A_2264, %parallel_loop3A_2268 : vector<32xbf16>
        %parallel_loop3A_2270 = arith.index_cast %parallel_loop3A_2251 : i32 to index
        %parallel_loop3A_2271 = arith.constant 32 : index
        %parallel_loop3A_2272 = tpu.vector_load %arg8[%parallel_loop3A_2270, %parallel_loop3A_2271] {strides = array<i32>} : memref<80x64xf32, #tpu.memory_space<vmem>>, vector<16xf32>,
        %parallel_loop3A_2273 = vector.bitcast %parallel_loop3A_2272 : vector<16xf32> to vector<32xbf16>
        %parallel_loop3A_2274 = arith.index_cast %parallel_loop3A_2251 : i32 to index
        %parallel_loop3A_2275 = arith.constant 32 : index
        %parallel_loop3A_2276 = tpu.vector_load %arg10[%parallel_loop3A_2274, %parallel_loop3A_2275] {strides = array<i32>} : memref<80x64xf32, #tpu.memory_space<vmem>>, vector<16xf32>,
        %parallel_loop3A_2277 = vector.bitcast %parallel_loop3A_2276 : vector<16xf32> to vector<32xbf16>
        %parallel_loop3A_2278 = arith.mulf %parallel_loop3A_2273, %parallel_loop3A_2277 : vector<32xbf16>
        %parallel_loop3A_2279 = arith.index_cast %parallel_loop3A_2251 : i32 to index
        %parallel_loop3A_2280 = arith.constant 48 : index
        %parallel_loop3A_2281 = tpu.vector_load %arg8[%parallel_loop3A_2279, %parallel_loop3A_2280] {strides = array<i32>} : memref<80x64xf32, #tpu.memory_space<vmem>>, vector<16xf32>,
        %parallel_loop3A_2282 = vector.bitcast %parallel_loop3A_2281 : vector<16xf32> to vector<32xbf16>
        %parallel_loop3A_2283 = arith.index_cast %parallel_loop3A_2251 : i32 to index
        %parallel_loop3A_2284 = arith.constant 48 : index
        %parallel_loop3A_2285 = tpu.vector_load %arg10[%parallel_loop3A_2283, %parallel_loop3A_2284] {strides = array<i32>} : memref<80x64xf32, #tpu.memory_space<vmem>>, vector<16xf32>,
        %parallel_loop3A_2286 = vector.bitcast %parallel_loop3A_2285 : vector<16xf32> to vector<32xbf16>
        %parallel_loop3A_2287 = arith.mulf %parallel_loop3A_2282, %parallel_loop3A_2286 : vector<32xbf16>
        %parallel_loop3A_2288 = arith.addf %parallel_loop3A_2260, %parallel_loop3A_2269 : vector<32xbf16>
        %parallel_loop3A_2289 = arith.addf %parallel_loop3A_2278, %parallel_loop3A_2287 : vector<32xbf16>
        %parallel_loop3A_2290 = arith.addf %parallel_loop3A_2288, %parallel_loop3A_2289 : vector<32xbf16>
        %parallel_loop3A_2291 = tpu.unpack_subelements %parallel_loop3A_2290, 0 {pack_format = #tpu.pack_format<interleaved>} : vector<32xbf16> -> vector<16xf32>
        %parallel_loop3A_2292 = tpu.unpack_subelements %parallel_loop3A_2290, 1 {pack_format = #tpu.pack_format<interleaved>} : vector<32xbf16> -> vector<16xf32>
        %parallel_loop3A_2293 = arith.addf %parallel_loop3A_2291, %parallel_loop3A_2292 : vector<16xf32>
        %parallel_loop3A_2294 = arith.index_cast %parallel_loop3A_2251 : i32 to index
        %parallel_loop3A_2295 = arith.constant 0 : index
        %parallel_loop3A_2296 = tpu.vector_load %arg12[%parallel_loop3A_2294, %parallel_loop3A_2295] {strides = array<i32>} : memref<80x17xf32, #tpu.memory_space<vmem>>, vector<16xf32>,
        tpu.vector_store %arg12[%parallel_loop3A_2294, %parallel_loop3A_2295], %parallel_loop3A_2293 {strides = array<i32>} : memref<80x17xf32, #tpu.memory_space<vmem>>, vector<16xf32>,
      } {sc.loop_unroll_factor = 4 : i64, sc.parallel_access}
      %add3A_764 = arith.constant 0 : i32
      %add3A_765 = vector.broadcast %add3A_764 : i32 to vector<16xi32>
      %add3A_766 = arith.addi %iota3A, %add3A_765 : vector<16xi32>
      %mul3A_767 = arith.constant 0 : i32
      %mul3A_768 = vector.broadcast %mul3A_767 : i32 to vector<16xi32>
      %mul3A_769 = arith.muli %iota3A, %mul3A_768 : vector<16xi32>
      %add3A_770 = arith.constant 0 : i32
      %add3A_771 = vector.broadcast %add3A_770 : i32 to vector<16xi32>
      %add3A_772 = arith.addi %mul3A_769, %add3A_771 : vector<16xi32>
      %gather3A_773 = tpu.vector_load_idx %arg12[%add3A_766, %add3A_772] : memref<80x17xf32, #tpu.memory_space<vmem>>[vector<16xi32>, vector<16xi32>], vector<16xf32>,
      %mul3A_774 = arith.constant 0 : i32
      %mul3A_775 = vector.broadcast %mul3A_774 : i32 to vector<16xi32>
      %mul3A_776 = arith.muli %iota3A, %mul3A_775 : vector<16xi32>
      %add3A_777 = arith.constant 1 : i32
      %add3A_778 = vector.broadcast %add3A_777 : i32 to vector<16xi32>
      %add3A_779 = arith.addi %mul3A_776, %add3A_778 : vector<16xi32>
      %gather3A_780 = tpu.vector_load_idx %arg12[%add3A_766, %add3A_779] : memref<80x17xf32, #tpu.memory_space<vmem>>[vector<16xi32>, vector<16xi32>], vector<16xf32>,
      %mul3A_781 = arith.constant 0 : i32
      %mul3A_782 = vector.broadcast %mul3A_781 : i32 to vector<16xi32>
      %mul3A_783 = arith.muli %iota3A, %mul3A_782 : vector<16xi32>
      %add3A_784 = arith.constant 2 : i32
      %add3A_785 = vector.broadcast %add3A_784 : i32 to vector<16xi32>
      %add3A_786 = arith.addi %mul3A_783, %add3A_785 : vector<16xi32>
      %gather3A_787 = tpu.vector_load_idx %arg12[%add3A_766, %add3A_786] : memref<80x17xf32, #tpu.memory_space<vmem>>[vector<16xi32>, vector<16xi32>], vector<16xf32>,
      %mul3A_788 = arith.constant 0 : i32
      %mul3A_789 = vector.broadcast %mul3A_788 : i32 to vector<16xi32>
      %mul3A_790 = arith.muli %iota3A, %mul3A_789 : vector<16xi32>
      %add3A_791 = arith.constant 3 : i32
      %add3A_792 = vector.broadcast %add3A_791 : i32 to vector<16xi32>
      %add3A_793 = arith.addi %mul3A_790, %add3A_792 : vector<16xi32>
      %gather3A_794 = tpu.vector_load_idx %arg12[%add3A_766, %add3A_793] : memref<80x17xf32, #tpu.memory_space<vmem>>[vector<16xi32>, vector<16xi32>], vector<16xf32>,
      %mul3A_795 = arith.constant 0 : i32
      %mul3A_796 = vector.broadcast %mul3A_795 : i32 to vector<16xi32>
      %mul3A_797 = arith.muli %iota3A, %mul3A_796 : vector<16xi32>
      %add3A_798 = arith.constant 4 : i32
      %add3A_799 = vector.broadcast %add3A_798 : i32 to vector<16xi32>
      %add3A_800 = arith.addi %mul3A_797, %add3A_799 : vector<16xi32>
      %gather3A_801 = tpu.vector_load_idx %arg12[%add3A_766, %add3A_800] : memref<80x17xf32, #tpu.memory_space<vmem>>[vector<16xi32>, vector<16xi32>], vector<16xf32>,
      %mul3A_802 = arith.constant 0 : i32
      %mul3A_803 = vector.broadcast %mul3A_802 : i32 to vector<16xi32>
      %mul3A_804 = arith.muli %iota3A, %mul3A_803 : vector<16xi32>
      %add3A_805 = arith.constant 5 : i32
      %add3A_806 = vector.broadcast %add3A_805 : i32 to vector<16xi32>
      %add3A_807 = arith.addi %mul3A_804, %add3A_806 : vector<16xi32>
      %gather3A_808 = tpu.vector_load_idx %arg12[%add3A_766, %add3A_807] : memref<80x17xf32, #tpu.memory_space<vmem>>[vector<16xi32>, vector<16xi32>], vector<16xf32>,
      %mul3A_809 = arith.constant 0 : i32
      %mul3A_810 = vector.broadcast %mul3A_809 : i32 to vector<16xi32>
      %mul3A_811 = arith.muli %iota3A, %mul3A_810 : vector<16xi32>
      %add3A_812 = arith.constant 6 : i32
      %add3A_813 = vector.broadcast %add3A_812 : i32 to vector<16xi32>
      %add3A_814 = arith.addi %mul3A_811, %add3A_813 : vector<16xi32>
      %gather3A_815 = tpu.vector_load_idx %arg12[%add3A_766, %add3A_814] : memref<80x17xf32, #tpu.memory_space<vmem>>[vector<16xi32>, vector<16xi32>], vector<16xf32>,
      %mul3A_816 = arith.constant 0 : i32
      %mul3A_817 = vector.broadcast %mul3A_816 : i32 to vector<16xi32>
      %mul3A_818 = arith.muli %iota3A, %mul3A_817 : vector<16xi32>
      %add3A_819 = arith.constant 7 : i32
      %add3A_820 = vector.broadcast %add3A_819 : i32 to vector<16xi32>
      %add3A_821 = arith.addi %mul3A_818, %add3A_820 : vector<16xi32>
      %gather3A_822 = tpu.vector_load_idx %arg12[%add3A_766, %add3A_821] : memref<80x17xf32, #tpu.memory_space<vmem>>[vector<16xi32>, vector<16xi32>], vector<16xf32>,
      %mul3A_823 = arith.constant 0 : i32
      %mul3A_824 = vector.broadcast %mul3A_823 : i32 to vector<16xi32>
      %mul3A_825 = arith.muli %iota3A, %mul3A_824 : vector<16xi32>
      %add3A_826 = arith.constant 8 : i32
      %add3A_827 = vector.broadcast %add3A_826 : i32 to vector<16xi32>
      %add3A_828 = arith.addi %mul3A_825, %add3A_827 : vector<16xi32>
      %gather3A_829 = tpu.vector_load_idx %arg12[%add3A_766, %add3A_828] : memref<80x17xf32, #tpu.memory_space<vmem>>[vector<16xi32>, vector<16xi32>], vector<16xf32>,
      %mul3A_830 = arith.constant 0 : i32
      %mul3A_831 = vector.broadcast %mul3A_830 : i32 to vector<16xi32>
      %mul3A_832 = arith.muli %iota3A, %mul3A_831 : vector<16xi32>
      %add3A_833 = arith.constant 9 : i32
      %add3A_834 = vector.broadcast %add3A_833 : i32 to vector<16xi32>
      %add3A_835 = arith.addi %mul3A_832, %add3A_834 : vector<16xi32>
      %gather3A_836 = tpu.vector_load_idx %arg12[%add3A_766, %add3A_835] : memref<80x17xf32, #tpu.memory_space<vmem>>[vector<16xi32>, vector<16xi32>], vector<16xf32>,
      %mul3A_837 = arith.constant 0 : i32
      %mul3A_838 = vector.broadcast %mul3A_837 : i32 to vector<16xi32>
      %mul3A_839 = arith.muli %iota3A, %mul3A_838 : vector<16xi32>
      %add3A_840 = arith.constant 10 : i32
      %add3A_841 = vector.broadcast %add3A_840 : i32 to vector<16xi32>
      %add3A_842 = arith.addi %mul3A_839, %add3A_841 : vector<16xi32>
      %gather3A_843 = tpu.vector_load_idx %arg12[%add3A_766, %add3A_842] : memref<80x17xf32, #tpu.memory_space<vmem>>[vector<16xi32>, vector<16xi32>], vector<16xf32>,
      %mul3A_844 = arith.constant 0 : i32
      %mul3A_845 = vector.broadcast %mul3A_844 : i32 to vector<16xi32>
      %mul3A_846 = arith.muli %iota3A, %mul3A_845 : vector<16xi32>
      %add3A_847 = arith.constant 11 : i32
      %add3A_848 = vector.broadcast %add3A_847 : i32 to vector<16xi32>
      %add3A_849 = arith.addi %mul3A_846, %add3A_848 : vector<16xi32>
      %gather3A_850 = tpu.vector_load_idx %arg12[%add3A_766, %add3A_849] : memref<80x17xf32, #tpu.memory_space<vmem>>[vector<16xi32>, vector<16xi32>], vector<16xf32>,
      %mul3A_851 = arith.constant 0 : i32
      %mul3A_852 = vector.broadcast %mul3A_851 : i32 to vector<16xi32>
      %mul3A_853 = arith.muli %iota3A, %mul3A_852 : vector<16xi32>
      %add3A_854 = arith.constant 12 : i32
      %add3A_855 = vector.broadcast %add3A_854 : i32 to vector<16xi32>
      %add3A_856 = arith.addi %mul3A_853, %add3A_855 : vector<16xi32>
      %gather3A_857 = tpu.vector_load_idx %arg12[%add3A_766, %add3A_856] : memref<80x17xf32, #tpu.memory_space<vmem>>[vector<16xi32>, vector<16xi32>], vector<16xf32>,
      %mul3A_858 = arith.constant 0 : i32
      %mul3A_859 = vector.broadcast %mul3A_858 : i32 to vector<16xi32>
      %mul3A_860 = arith.muli %iota3A, %mul3A_859 : vector<16xi32>
      %add3A_861 = arith.constant 13 : i32
      %add3A_862 = vector.broadcast %add3A_861 : i32 to vector<16xi32>
      %add3A_863 = arith.addi %mul3A_860, %add3A_862 : vector<16xi32>
      %gather3A_864 = tpu.vector_load_idx %arg12[%add3A_766, %add3A_863] : memref<80x17xf32, #tpu.memory_space<vmem>>[vector<16xi32>, vector<16xi32>], vector<16xf32>,
      %mul3A_865 = arith.constant 0 : i32
      %mul3A_866 = vector.broadcast %mul3A_865 : i32 to vector<16xi32>
      %mul3A_867 = arith.muli %iota3A, %mul3A_866 : vector<16xi32>
      %add3A_868 = arith.constant 14 : i32
      %add3A_869 = vector.broadcast %add3A_868 : i32 to vector<16xi32>
      %add3A_870 = arith.addi %mul3A_867, %add3A_869 : vector<16xi32>
      %gather3A_871 = tpu.vector_load_idx %arg12[%add3A_766, %add3A_870] : memref<80x17xf32, #tpu.memory_space<vmem>>[vector<16xi32>, vector<16xi32>], vector<16xf32>,
      %mul3A_872 = arith.constant 0 : i32
      %mul3A_873 = vector.broadcast %mul3A_872 : i32 to vector<16xi32>
      %mul3A_874 = arith.muli %iota3A, %mul3A_873 : vector<16xi32>
      %add3A_875 = arith.constant 15 : i32
      %add3A_876 = vector.broadcast %add3A_875 : i32 to vector<16xi32>
      %add3A_877 = arith.addi %mul3A_874, %add3A_876 : vector<16xi32>
      %gather3A_878 = tpu.vector_load_idx %arg12[%add3A_766, %add3A_877] : memref<80x17xf32, #tpu.memory_space<vmem>>[vector<16xi32>, vector<16xi32>], vector<16xf32>,
      %add3A_879 = arith.addf %gather3A_773, %gather3A_780 : vector<16xf32>
      %add3A_880 = arith.addf %gather3A_787, %gather3A_794 : vector<16xf32>
      %add3A_881 = arith.addf %gather3A_801, %gather3A_808 : vector<16xf32>
      %add3A_882 = arith.addf %gather3A_815, %gather3A_822 : vector<16xf32>
      %add3A_883 = arith.addf %gather3A_829, %gather3A_836 : vector<16xf32>
      %add3A_884 = arith.addf %gather3A_843, %gather3A_850 : vector<16xf32>
      %add3A_885 = arith.addf %gather3A_857, %gather3A_864 : vector<16xf32>
      %add3A_886 = arith.addf %gather3A_871, %gather3A_878 : vector<16xf32>
      %add3A_887 = arith.addf %add3A_879, %add3A_880 : vector<16xf32>
      %add3A_888 = arith.addf %add3A_881, %add3A_882 : vector<16xf32>
      %add3A_889 = arith.addf %add3A_883, %add3A_884 : vector<16xf32>
      %add3A_890 = arith.addf %add3A_885, %add3A_886 : vector<16xf32>
      %add3A_891 = arith.addf %add3A_887, %add3A_888 : vector<16xf32>
      %add3A_892 = arith.addf %add3A_889, %add3A_890 : vector<16xf32>
      %add3A_893 = arith.addf %add3A_891, %add3A_892 : vector<16xf32>
      %neg3A_894 = arith.constant 0.000000e+00 : f32
      %neg3A_895 = vector.broadcast %neg3A_894 : f32 to vector<16xf32>
      %neg3A_896 = arith.subf %neg3A_895, %add3A_893 : vector<16xf32>
      %exp3A_897 = math.exp %neg3A_896 : vector<16xf32>
      %add3A_898 = arith.constant 1.000000e+00 : f32
      %add3A_899 = vector.broadcast %add3A_898 : f32 to vector<16xf32>
      %add3A_900 = arith.addf %add3A_899, %exp3A_897 : vector<16xf32>
      %div3A_901 = arith.constant 1.000000e+00 : f32
      %div3A_902 = vector.broadcast %div3A_901 : f32 to vector<16xf32>
      %div3A_903 = arith.divf %div3A_902, %add3A_900 : vector<16xf32>
      %mul3A_904 = arith.constant 80 : i32
      %mul3A_905 = arith.muli %add3A_738, %mul3A_904 : i32
      %add3A_906 = arith.constant 0 : i32
      %add3A_907 = arith.addi %mul3A_905, %add3A_906 : i32
      %swap3A_908 = arith.index_cast %add3A_907 : i32 to index
      %swap3A_909 = tpu.vector_load %arg7[%swap3A_908] {strides = array<i32>} : memref<10000xf32, #tpu.memory_space<vmem>>, vector<16xf32>,
      tpu.vector_store %arg7[%swap3A_908], %div3A_903 {strides = array<i32>} : memref<10000xf32, #tpu.memory_space<vmem>>, vector<16xf32>,
      %add3A_910 = arith.constant 16 : i32
      %add3A_911 = vector.broadcast %add3A_910 : i32 to vector<16xi32>
      %add3A_912 = arith.addi %iota3A, %add3A_911 : vector<16xi32>
      %mul3A_913 = arith.constant 0 : i32
      %mul3A_914 = vector.broadcast %mul3A_913 : i32 to vector<16xi32>
      %mul3A_915 = arith.muli %iota3A, %mul3A_914 : vector<16xi32>
      %add3A_916 = arith.constant 0 : i32
      %add3A_917 = vector.broadcast %add3A_916 : i32 to vector<16xi32>
      %add3A_918 = arith.addi %mul3A_915, %add3A_917 : vector<16xi32>
      %gather3A_919 = tpu.vector_load_idx %arg12[%add3A_912, %add3A_918] : memref<80x17xf32, #tpu.memory_space<vmem>>[vector<16xi32>, vector<16xi32>], vector<16xf32>,
      %mul3A_920 = arith.constant 0 : i32
      %mul3A_921 = vector.broadcast %mul3A_920 : i32 to vector<16xi32>
      %mul3A_922 = arith.muli %iota3A, %mul3A_921 : vector<16xi32>
      %add3A_923 = arith.constant 1 : i32
      %add3A_924 = vector.broadcast %add3A_923 : i32 to vector<16xi32>
      %add3A_925 = arith.addi %mul3A_922, %add3A_924 : vector<16xi32>
      %gather3A_926 = tpu.vector_load_idx %arg12[%add3A_912, %add3A_925] : memref<80x17xf32, #tpu.memory_space<vmem>>[vector<16xi32>, vector<16xi32>], vector<16xf32>,
      %mul3A_927 = arith.constant 0 : i32
      %mul3A_928 = vector.broadcast %mul3A_927 : i32 to vector<16xi32>
      %mul3A_929 = arith.muli %iota3A, %mul3A_928 : vector<16xi32>
      %add3A_930 = arith.constant 2 : i32
      %add3A_931 = vector.broadcast %add3A_930 : i32 to vector<16xi32>
      %add3A_932 = arith.addi %mul3A_929, %add3A_931 : vector<16xi32>
      %gather3A_933 = tpu.vector_load_idx %arg12[%add3A_912, %add3A_932] : memref<80x17xf32, #tpu.memory_space<vmem>>[vector<16xi32>, vector<16xi32>], vector<16xf32>,
      %mul3A_934 = arith.constant 0 : i32
      %mul3A_935 = vector.broadcast %mul3A_934 : i32 to vector<16xi32>
      %mul3A_936 = arith.muli %iota3A, %mul3A_935 : vector<16xi32>
      %add3A_937 = arith.constant 3 : i32
      %add3A_938 = vector.broadcast %add3A_937 : i32 to vector<16xi32>
      %add3A_939 = arith.addi %mul3A_936, %add3A_938 : vector<16xi32>
      %gather3A_940 = tpu.vector_load_idx %arg12[%add3A_912, %add3A_939] : memref<80x17xf32, #tpu.memory_space<vmem>>[vector<16xi32>, vector<16xi32>], vector<16xf32>,
      %mul3A_941 = arith.constant 0 : i32
      %mul3A_942 = vector.broadcast %mul3A_941 : i32 to vector<16xi32>
      %mul3A_943 = arith.muli %iota3A, %mul3A_942 : vector<16xi32>
      %add3A_944 = arith.constant 4 : i32
      %add3A_945 = vector.broadcast %add3A_944 : i32 to vector<16xi32>
      %add3A_946 = arith.addi %mul3A_943, %add3A_945 : vector<16xi32>
      %gather3A_947 = tpu.vector_load_idx %arg12[%add3A_912, %add3A_946] : memref<80x17xf32, #tpu.memory_space<vmem>>[vector<16xi32>, vector<16xi32>], vector<16xf32>,
      %mul3A_948 = arith.constant 0 : i32
      %mul3A_949 = vector.broadcast %mul3A_948 : i32 to vector<16xi32>
      %mul3A_950 = arith.muli %iota3A, %mul3A_949 : vector<16xi32>
      %add3A_951 = arith.constant 5 : i32
      %add3A_952 = vector.broadcast %add3A_951 : i32 to vector<16xi32>
      %add3A_953 = arith.addi %mul3A_950, %add3A_952 : vector<16xi32>
      %gather3A_954 = tpu.vector_load_idx %arg12[%add3A_912, %add3A_953] : memref<80x17xf32, #tpu.memory_space<vmem>>[vector<16xi32>, vector<16xi32>], vector<16xf32>,
      %mul3A_955 = arith.constant 0 : i32
      %mul3A_956 = vector.broadcast %mul3A_955 : i32 to vector<16xi32>
      %mul3A_957 = arith.muli %iota3A, %mul3A_956 : vector<16xi32>
      %add3A_958 = arith.constant 6 : i32
      %add3A_959 = vector.broadcast %add3A_958 : i32 to vector<16xi32>
      %add3A_960 = arith.addi %mul3A_957, %add3A_959 : vector<16xi32>
      %gather3A_961 = tpu.vector_load_idx %arg12[%add3A_912, %add3A_960] : memref<80x17xf32, #tpu.memory_space<vmem>>[vector<16xi32>, vector<16xi32>], vector<16xf32>,
      %mul3A_962 = arith.constant 0 : i32
      %mul3A_963 = vector.broadcast %mul3A_962 : i32 to vector<16xi32>
      %mul3A_964 = arith.muli %iota3A, %mul3A_963 : vector<16xi32>
      %add3A_965 = arith.constant 7 : i32
      %add3A_966 = vector.broadcast %add3A_965 : i32 to vector<16xi32>
      %add3A_967 = arith.addi %mul3A_964, %add3A_966 : vector<16xi32>
      %gather3A_968 = tpu.vector_load_idx %arg12[%add3A_912, %add3A_967] : memref<80x17xf32, #tpu.memory_space<vmem>>[vector<16xi32>, vector<16xi32>], vector<16xf32>,
      %mul3A_969 = arith.constant 0 : i32
      %mul3A_970 = vector.broadcast %mul3A_969 : i32 to vector<16xi32>
      %mul3A_971 = arith.muli %iota3A, %mul3A_970 : vector<16xi32>
      %add3A_972 = arith.constant 8 : i32
      %add3A_973 = vector.broadcast %add3A_972 : i32 to vector<16xi32>
      %add3A_974 = arith.addi %mul3A_971, %add3A_973 : vector<16xi32>
      %gather3A_975 = tpu.vector_load_idx %arg12[%add3A_912, %add3A_974] : memref<80x17xf32, #tpu.memory_space<vmem>>[vector<16xi32>, vector<16xi32>], vector<16xf32>,
      %mul3A_976 = arith.constant 0 : i32
      %mul3A_977 = vector.broadcast %mul3A_976 : i32 to vector<16xi32>
      %mul3A_978 = arith.muli %iota3A, %mul3A_977 : vector<16xi32>
      %add3A_979 = arith.constant 9 : i32
      %add3A_980 = vector.broadcast %add3A_979 : i32 to vector<16xi32>
      %add3A_981 = arith.addi %mul3A_978, %add3A_980 : vector<16xi32>
      %gather3A_982 = tpu.vector_load_idx %arg12[%add3A_912, %add3A_981] : memref<80x17xf32, #tpu.memory_space<vmem>>[vector<16xi32>, vector<16xi32>], vector<16xf32>,
      %mul3A_983 = arith.constant 0 : i32
      %mul3A_984 = vector.broadcast %mul3A_983 : i32 to vector<16xi32>
      %mul3A_985 = arith.muli %iota3A, %mul3A_984 : vector<16xi32>
      %add3A_986 = arith.constant 10 : i32
      %add3A_987 = vector.broadcast %add3A_986 : i32 to vector<16xi32>
      %add3A_988 = arith.addi %mul3A_985, %add3A_987 : vector<16xi32>
      %gather3A_989 = tpu.vector_load_idx %arg12[%add3A_912, %add3A_988] : memref<80x17xf32, #tpu.memory_space<vmem>>[vector<16xi32>, vector<16xi32>], vector<16xf32>,
      %mul3A_990 = arith.constant 0 : i32
      %mul3A_991 = vector.broadcast %mul3A_990 : i32 to vector<16xi32>
      %mul3A_992 = arith.muli %iota3A, %mul3A_991 : vector<16xi32>
      %add3A_993 = arith.constant 11 : i32
      %add3A_994 = vector.broadcast %add3A_993 : i32 to vector<16xi32>
      %add3A_995 = arith.addi %mul3A_992, %add3A_994 : vector<16xi32>
      %gather3A_996 = tpu.vector_load_idx %arg12[%add3A_912, %add3A_995] : memref<80x17xf32, #tpu.memory_space<vmem>>[vector<16xi32>, vector<16xi32>], vector<16xf32>,
      %mul3A_997 = arith.constant 0 : i32
      %mul3A_998 = vector.broadcast %mul3A_997 : i32 to vector<16xi32>
      %mul3A_999 = arith.muli %iota3A, %mul3A_998 : vector<16xi32>
      %add3A_1000 = arith.constant 12 : i32
      %add3A_1001 = vector.broadcast %add3A_1000 : i32 to vector<16xi32>
      %add3A_1002 = arith.addi %mul3A_999, %add3A_1001 : vector<16xi32>
      %gather3A_1003 = tpu.vector_load_idx %arg12[%add3A_912, %add3A_1002] : memref<80x17xf32, #tpu.memory_space<vmem>>[vector<16xi32>, vector<16xi32>], vector<16xf32>,
      %mul3A_1004 = arith.constant 0 : i32
      %mul3A_1005 = vector.broadcast %mul3A_1004 : i32 to vector<16xi32>
      %mul3A_1006 = arith.muli %iota3A, %mul3A_1005 : vector<16xi32>
      %add3A_1007 = arith.constant 13 : i32
      %add3A_1008 = vector.broadcast %add3A_1007 : i32 to vector<16xi32>
      %add3A_1009 = arith.addi %mul3A_1006, %add3A_1008 : vector<16xi32>
      %gather3A_1010 = tpu.vector_load_idx %arg12[%add3A_912, %add3A_1009] : memref<80x17xf32, #tpu.memory_space<vmem>>[vector<16xi32>, vector<16xi32>], vector<16xf32>,
      %mul3A_1011 = arith.constant 0 : i32
      %mul3A_1012 = vector.broadcast %mul3A_1011 : i32 to vector<16xi32>
      %mul3A_1013 = arith.muli %iota3A, %mul3A_1012 : vector<16xi32>
      %add3A_1014 = arith.constant 14 : i32
      %add3A_1015 = vector.broadcast %add3A_1014 : i32 to vector<16xi32>
      %add3A_1016 = arith.addi %mul3A_1013, %add3A_1015 : vector<16xi32>
      %gather3A_1017 = tpu.vector_load_idx %arg12[%add3A_912, %add3A_1016] : memref<80x17xf32, #tpu.memory_space<vmem>>[vector<16xi32>, vector<16xi32>], vector<16xf32>,
      %mul3A_1018 = arith.constant 0 : i32
      %mul3A_1019 = vector.broadcast %mul3A_1018 : i32 to vector<16xi32>
      %mul3A_1020 = arith.muli %iota3A, %mul3A_1019 : vector<16xi32>
      %add3A_1021 = arith.constant 15 : i32
      %add3A_1022 = vector.broadcast %add3A_1021 : i32 to vector<16xi32>
      %add3A_1023 = arith.addi %mul3A_1020, %add3A_1022 : vector<16xi32>
      %gather3A_1024 = tpu.vector_load_idx %arg12[%add3A_912, %add3A_1023] : memref<80x17xf32, #tpu.memory_space<vmem>>[vector<16xi32>, vector<16xi32>], vector<16xf32>,
      %add3A_1025 = arith.addf %gather3A_919, %gather3A_926 : vector<16xf32>
      %add3A_1026 = arith.addf %gather3A_933, %gather3A_940 : vector<16xf32>
      %add3A_1027 = arith.addf %gather3A_947, %gather3A_954 : vector<16xf32>
      %add3A_1028 = arith.addf %gather3A_961, %gather3A_968 : vector<16xf32>
      %add3A_1029 = arith.addf %gather3A_975, %gather3A_982 : vector<16xf32>
      %add3A_1030 = arith.addf %gather3A_989, %gather3A_996 : vector<16xf32>
      %add3A_1031 = arith.addf %gather3A_1003, %gather3A_1010 : vector<16xf32>
      %add3A_1032 = arith.addf %gather3A_1017, %gather3A_1024 : vector<16xf32>
      %add3A_1033 = arith.addf %add3A_1025, %add3A_1026 : vector<16xf32>
      %add3A_1034 = arith.addf %add3A_1027, %add3A_1028 : vector<16xf32>
      %add3A_1035 = arith.addf %add3A_1029, %add3A_1030 : vector<16xf32>
      %add3A_1036 = arith.addf %add3A_1031, %add3A_1032 : vector<16xf32>
      %add3A_1037 = arith.addf %add3A_1033, %add3A_1034 : vector<16xf32>
      %add3A_1038 = arith.addf %add3A_1035, %add3A_1036 : vector<16xf32>
      %add3A_1039 = arith.addf %add3A_1037, %add3A_1038 : vector<16xf32>
      %neg3A_1040 = arith.constant 0.000000e+00 : f32
      %neg3A_1041 = vector.broadcast %neg3A_1040 : f32 to vector<16xf32>
      %neg3A_1042 = arith.subf %neg3A_1041, %add3A_1039 : vector<16xf32>
      %exp3A_1043 = math.exp %neg3A_1042 : vector<16xf32>
      %add3A_1044 = arith.constant 1.000000e+00 : f32
      %add3A_1045 = vector.broadcast %add3A_1044 : f32 to vector<16xf32>
      %add3A_1046 = arith.addf %add3A_1045, %exp3A_1043 : vector<16xf32>
      %div3A_1047 = arith.constant 1.000000e+00 : f32
      %div3A_1048 = vector.broadcast %div3A_1047 : f32 to vector<16xf32>
      %div3A_1049 = arith.divf %div3A_1048, %add3A_1046 : vector<16xf32>
      %mul3A_1050 = arith.constant 80 : i32
      %mul3A_1051 = arith.muli %add3A_738, %mul3A_1050 : i32
      %add3A_1052 = arith.constant 16 : i32
      %add3A_1053 = arith.addi %mul3A_1051, %add3A_1052 : i32
      %swap3A_1054 = arith.index_cast %add3A_1053 : i32 to index
      %swap3A_1055 = tpu.vector_load %arg7[%swap3A_1054] {strides = array<i32>} : memref<10000xf32, #tpu.memory_space<vmem>>, vector<16xf32>,
      tpu.vector_store %arg7[%swap3A_1054], %div3A_1049 {strides = array<i32>} : memref<10000xf32, #tpu.memory_space<vmem>>, vector<16xf32>,
      %add3A_1056 = arith.constant 32 : i32
      %add3A_1057 = vector.broadcast %add3A_1056 : i32 to vector<16xi32>
      %add3A_1058 = arith.addi %iota3A, %add3A_1057 : vector<16xi32>
      %mul3A_1059 = arith.constant 0 : i32
      %mul3A_1060 = vector.broadcast %mul3A_1059 : i32 to vector<16xi32>
      %mul3A_1061 = arith.muli %iota3A, %mul3A_1060 : vector<16xi32>
      %add3A_1062 = arith.constant 0 : i32
      %add3A_1063 = vector.broadcast %add3A_1062 : i32 to vector<16xi32>
      %add3A_1064 = arith.addi %mul3A_1061, %add3A_1063 : vector<16xi32>
      %gather3A_1065 = tpu.vector_load_idx %arg12[%add3A_1058, %add3A_1064] : memref<80x17xf32, #tpu.memory_space<vmem>>[vector<16xi32>, vector<16xi32>], vector<16xf32>,
      %mul3A_1066 = arith.constant 0 : i32
      %mul3A_1067 = vector.broadcast %mul3A_1066 : i32 to vector<16xi32>
      %mul3A_1068 = arith.muli %iota3A, %mul3A_1067 : vector<16xi32>
      %add3A_1069 = arith.constant 1 : i32
      %add3A_1070 = vector.broadcast %add3A_1069 : i32 to vector<16xi32>
      %add3A_1071 = arith.addi %mul3A_1068, %add3A_1070 : vector<16xi32>
      %gather3A_1072 = tpu.vector_load_idx %arg12[%add3A_1058, %add3A_1071] : memref<80x17xf32, #tpu.memory_space<vmem>>[vector<16xi32>, vector<16xi32>], vector<16xf32>,
      %mul3A_1073 = arith.constant 0 : i32
      %mul3A_1074 = vector.broadcast %mul3A_1073 : i32 to vector<16xi32>
      %mul3A_1075 = arith.muli %iota3A, %mul3A_1074 : vector<16xi32>
      %add3A_1076 = arith.constant 2 : i32
      %add3A_1077 = vector.broadcast %add3A_1076 : i32 to vector<16xi32>
      %add3A_1078 = arith.addi %mul3A_1075, %add3A_1077 : vector<16xi32>
      %gather3A_1079 = tpu.vector_load_idx %arg12[%add3A_1058, %add3A_1078] : memref<80x17xf32, #tpu.memory_space<vmem>>[vector<16xi32>, vector<16xi32>], vector<16xf32>,
      %mul3A_1080 = arith.constant 0 : i32
      %mul3A_1081 = vector.broadcast %mul3A_1080 : i32 to vector<16xi32>
      %mul3A_1082 = arith.muli %iota3A, %mul3A_1081 : vector<16xi32>
      %add3A_1083 = arith.constant 3 : i32
      %add3A_1084 = vector.broadcast %add3A_1083 : i32 to vector<16xi32>
      %add3A_1085 = arith.addi %mul3A_1082, %add3A_1084 : vector<16xi32>
      %gather3A_1086 = tpu.vector_load_idx %arg12[%add3A_1058, %add3A_1085] : memref<80x17xf32, #tpu.memory_space<vmem>>[vector<16xi32>, vector<16xi32>], vector<16xf32>,
      %mul3A_1087 = arith.constant 0 : i32
      %mul3A_1088 = vector.broadcast %mul3A_1087 : i32 to vector<16xi32>
      %mul3A_1089 = arith.muli %iota3A, %mul3A_1088 : vector<16xi32>
      %add3A_1090 = arith.constant 4 : i32
      %add3A_1091 = vector.broadcast %add3A_1090 : i32 to vector<16xi32>
      %add3A_1092 = arith.addi %mul3A_1089, %add3A_1091 : vector<16xi32>
      %gather3A_1093 = tpu.vector_load_idx %arg12[%add3A_1058, %add3A_1092] : memref<80x17xf32, #tpu.memory_space<vmem>>[vector<16xi32>, vector<16xi32>], vector<16xf32>,
      %mul3A_1094 = arith.constant 0 : i32
      %mul3A_1095 = vector.broadcast %mul3A_1094 : i32 to vector<16xi32>
      %mul3A_1096 = arith.muli %iota3A, %mul3A_1095 : vector<16xi32>
      %add3A_1097 = arith.constant 5 : i32
      %add3A_1098 = vector.broadcast %add3A_1097 : i32 to vector<16xi32>
      %add3A_1099 = arith.addi %mul3A_1096, %add3A_1098 : vector<16xi32>
      %gather3A_1100 = tpu.vector_load_idx %arg12[%add3A_1058, %add3A_1099] : memref<80x17xf32, #tpu.memory_space<vmem>>[vector<16xi32>, vector<16xi32>], vector<16xf32>,
      %mul3A_1101 = arith.constant 0 : i32
      %mul3A_1102 = vector.broadcast %mul3A_1101 : i32 to vector<16xi32>
      %mul3A_1103 = arith.muli %iota3A, %mul3A_1102 : vector<16xi32>
      %add3A_1104 = arith.constant 6 : i32
      %add3A_1105 = vector.broadcast %add3A_1104 : i32 to vector<16xi32>
      %add3A_1106 = arith.addi %mul3A_1103, %add3A_1105 : vector<16xi32>
      %gather3A_1107 = tpu.vector_load_idx %arg12[%add3A_1058, %add3A_1106] : memref<80x17xf32, #tpu.memory_space<vmem>>[vector<16xi32>, vector<16xi32>], vector<16xf32>,
      %mul3A_1108 = arith.constant 0 : i32
      %mul3A_1109 = vector.broadcast %mul3A_1108 : i32 to vector<16xi32>
      %mul3A_1110 = arith.muli %iota3A, %mul3A_1109 : vector<16xi32>
      %add3A_1111 = arith.constant 7 : i32
      %add3A_1112 = vector.broadcast %add3A_1111 : i32 to vector<16xi32>
      %add3A_1113 = arith.addi %mul3A_1110, %add3A_1112 : vector<16xi32>
      %gather3A_1114 = tpu.vector_load_idx %arg12[%add3A_1058, %add3A_1113] : memref<80x17xf32, #tpu.memory_space<vmem>>[vector<16xi32>, vector<16xi32>], vector<16xf32>,
      %mul3A_1115 = arith.constant 0 : i32
      %mul3A_1116 = vector.broadcast %mul3A_1115 : i32 to vector<16xi32>
      %mul3A_1117 = arith.muli %iota3A, %mul3A_1116 : vector<16xi32>
      %add3A_1118 = arith.constant 8 : i32
      %add3A_1119 = vector.broadcast %add3A_1118 : i32 to vector<16xi32>
      %add3A_1120 = arith.addi %mul3A_1117, %add3A_1119 : vector<16xi32>
      %gather3A_1121 = tpu.vector_load_idx %arg12[%add3A_1058, %add3A_1120] : memref<80x17xf32, #tpu.memory_space<vmem>>[vector<16xi32>, vector<16xi32>], vector<16xf32>,
      %mul3A_1122 = arith.constant 0 : i32
      %mul3A_1123 = vector.broadcast %mul3A_1122 : i32 to vector<16xi32>
      %mul3A_1124 = arith.muli %iota3A, %mul3A_1123 : vector<16xi32>
      %add3A_1125 = arith.constant 9 : i32
      %add3A_1126 = vector.broadcast %add3A_1125 : i32 to vector<16xi32>
      %add3A_1127 = arith.addi %mul3A_1124, %add3A_1126 : vector<16xi32>
      %gather3A_1128 = tpu.vector_load_idx %arg12[%add3A_1058, %add3A_1127] : memref<80x17xf32, #tpu.memory_space<vmem>>[vector<16xi32>, vector<16xi32>], vector<16xf32>,
      %mul3A_1129 = arith.constant 0 : i32
      %mul3A_1130 = vector.broadcast %mul3A_1129 : i32 to vector<16xi32>
      %mul3A_1131 = arith.muli %iota3A, %mul3A_1130 : vector<16xi32>
      %add3A_1132 = arith.constant 10 : i32
      %add3A_1133 = vector.broadcast %add3A_1132 : i32 to vector<16xi32>
      %add3A_1134 = arith.addi %mul3A_1131, %add3A_1133 : vector<16xi32>
      %gather3A_1135 = tpu.vector_load_idx %arg12[%add3A_1058, %add3A_1134] : memref<80x17xf32, #tpu.memory_space<vmem>>[vector<16xi32>, vector<16xi32>], vector<16xf32>,
      %mul3A_1136 = arith.constant 0 : i32
      %mul3A_1137 = vector.broadcast %mul3A_1136 : i32 to vector<16xi32>
      %mul3A_1138 = arith.muli %iota3A, %mul3A_1137 : vector<16xi32>
      %add3A_1139 = arith.constant 11 : i32
      %add3A_1140 = vector.broadcast %add3A_1139 : i32 to vector<16xi32>
      %add3A_1141 = arith.addi %mul3A_1138, %add3A_1140 : vector<16xi32>
      %gather3A_1142 = tpu.vector_load_idx %arg12[%add3A_1058, %add3A_1141] : memref<80x17xf32, #tpu.memory_space<vmem>>[vector<16xi32>, vector<16xi32>], vector<16xf32>,
      %mul3A_1143 = arith.constant 0 : i32
      %mul3A_1144 = vector.broadcast %mul3A_1143 : i32 to vector<16xi32>
      %mul3A_1145 = arith.muli %iota3A, %mul3A_1144 : vector<16xi32>
      %add3A_1146 = arith.constant 12 : i32
      %add3A_1147 = vector.broadcast %add3A_1146 : i32 to vector<16xi32>
      %add3A_1148 = arith.addi %mul3A_1145, %add3A_1147 : vector<16xi32>
      %gather3A_1149 = tpu.vector_load_idx %arg12[%add3A_1058, %add3A_1148] : memref<80x17xf32, #tpu.memory_space<vmem>>[vector<16xi32>, vector<16xi32>], vector<16xf32>,
      %mul3A_1150 = arith.constant 0 : i32
      %mul3A_1151 = vector.broadcast %mul3A_1150 : i32 to vector<16xi32>
      %mul3A_1152 = arith.muli %iota3A, %mul3A_1151 : vector<16xi32>
      %add3A_1153 = arith.constant 13 : i32
      %add3A_1154 = vector.broadcast %add3A_1153 : i32 to vector<16xi32>
      %add3A_1155 = arith.addi %mul3A_1152, %add3A_1154 : vector<16xi32>
      %gather3A_1156 = tpu.vector_load_idx %arg12[%add3A_1058, %add3A_1155] : memref<80x17xf32, #tpu.memory_space<vmem>>[vector<16xi32>, vector<16xi32>], vector<16xf32>,
      %mul3A_1157 = arith.constant 0 : i32
      %mul3A_1158 = vector.broadcast %mul3A_1157 : i32 to vector<16xi32>
      %mul3A_1159 = arith.muli %iota3A, %mul3A_1158 : vector<16xi32>
      %add3A_1160 = arith.constant 14 : i32
      %add3A_1161 = vector.broadcast %add3A_1160 : i32 to vector<16xi32>
      %add3A_1162 = arith.addi %mul3A_1159, %add3A_1161 : vector<16xi32>
      %gather3A_1163 = tpu.vector_load_idx %arg12[%add3A_1058, %add3A_1162] : memref<80x17xf32, #tpu.memory_space<vmem>>[vector<16xi32>, vector<16xi32>], vector<16xf32>,
      %mul3A_1164 = arith.constant 0 : i32
      %mul3A_1165 = vector.broadcast %mul3A_1164 : i32 to vector<16xi32>
      %mul3A_1166 = arith.muli %iota3A, %mul3A_1165 : vector<16xi32>
      %add3A_1167 = arith.constant 15 : i32
      %add3A_1168 = vector.broadcast %add3A_1167 : i32 to vector<16xi32>
      %add3A_1169 = arith.addi %mul3A_1166, %add3A_1168 : vector<16xi32>
      %gather3A_1170 = tpu.vector_load_idx %arg12[%add3A_1058, %add3A_1169] : memref<80x17xf32, #tpu.memory_space<vmem>>[vector<16xi32>, vector<16xi32>], vector<16xf32>,
      %add3A_1171 = arith.addf %gather3A_1065, %gather3A_1072 : vector<16xf32>
      %add3A_1172 = arith.addf %gather3A_1079, %gather3A_1086 : vector<16xf32>
      %add3A_1173 = arith.addf %gather3A_1093, %gather3A_1100 : vector<16xf32>
      %add3A_1174 = arith.addf %gather3A_1107, %gather3A_1114 : vector<16xf32>
      %add3A_1175 = arith.addf %gather3A_1121, %gather3A_1128 : vector<16xf32>
      %add3A_1176 = arith.addf %gather3A_1135, %gather3A_1142 : vector<16xf32>
      %add3A_1177 = arith.addf %gather3A_1149, %gather3A_1156 : vector<16xf32>
      %add3A_1178 = arith.addf %gather3A_1163, %gather3A_1170 : vector<16xf32>
      %add3A_1179 = arith.addf %add3A_1171, %add3A_1172 : vector<16xf32>
      %add3A_1180 = arith.addf %add3A_1173, %add3A_1174 : vector<16xf32>
      %add3A_1181 = arith.addf %add3A_1175, %add3A_1176 : vector<16xf32>
      %add3A_1182 = arith.addf %add3A_1177, %add3A_1178 : vector<16xf32>
      %add3A_1183 = arith.addf %add3A_1179, %add3A_1180 : vector<16xf32>
      %add3A_1184 = arith.addf %add3A_1181, %add3A_1182 : vector<16xf32>
      %add3A_1185 = arith.addf %add3A_1183, %add3A_1184 : vector<16xf32>
      %neg3A_1186 = arith.constant 0.000000e+00 : f32
      %neg3A_1187 = vector.broadcast %neg3A_1186 : f32 to vector<16xf32>
      %neg3A_1188 = arith.subf %neg3A_1187, %add3A_1185 : vector<16xf32>
      %exp3A_1189 = math.exp %neg3A_1188 : vector<16xf32>
      %add3A_1190 = arith.constant 1.000000e+00 : f32
      %add3A_1191 = vector.broadcast %add3A_1190 : f32 to vector<16xf32>
      %add3A_1192 = arith.addf %add3A_1191, %exp3A_1189 : vector<16xf32>
      %div3A_1193 = arith.constant 1.000000e+00 : f32
      %div3A_1194 = vector.broadcast %div3A_1193 : f32 to vector<16xf32>
      %div3A_1195 = arith.divf %div3A_1194, %add3A_1192 : vector<16xf32>
      %mul3A_1196 = arith.constant 80 : i32
      %mul3A_1197 = arith.muli %add3A_738, %mul3A_1196 : i32
      %add3A_1198 = arith.constant 32 : i32
      %add3A_1199 = arith.addi %mul3A_1197, %add3A_1198 : i32
      %swap3A_1200 = arith.index_cast %add3A_1199 : i32 to index
      %swap3A_1201 = tpu.vector_load %arg7[%swap3A_1200] {strides = array<i32>} : memref<10000xf32, #tpu.memory_space<vmem>>, vector<16xf32>,
      tpu.vector_store %arg7[%swap3A_1200], %div3A_1195 {strides = array<i32>} : memref<10000xf32, #tpu.memory_space<vmem>>, vector<16xf32>,
      %add3A_1202 = arith.constant 48 : i32
      %add3A_1203 = vector.broadcast %add3A_1202 : i32 to vector<16xi32>
      %add3A_1204 = arith.addi %iota3A, %add3A_1203 : vector<16xi32>
      %mul3A_1205 = arith.constant 0 : i32
      %mul3A_1206 = vector.broadcast %mul3A_1205 : i32 to vector<16xi32>
      %mul3A_1207 = arith.muli %iota3A, %mul3A_1206 : vector<16xi32>
      %add3A_1208 = arith.constant 0 : i32
      %add3A_1209 = vector.broadcast %add3A_1208 : i32 to vector<16xi32>
      %add3A_1210 = arith.addi %mul3A_1207, %add3A_1209 : vector<16xi32>
      %gather3A_1211 = tpu.vector_load_idx %arg12[%add3A_1204, %add3A_1210] : memref<80x17xf32, #tpu.memory_space<vmem>>[vector<16xi32>, vector<16xi32>], vector<16xf32>,
      %mul3A_1212 = arith.constant 0 : i32
      %mul3A_1213 = vector.broadcast %mul3A_1212 : i32 to vector<16xi32>
      %mul3A_1214 = arith.muli %iota3A, %mul3A_1213 : vector<16xi32>
      %add3A_1215 = arith.constant 1 : i32
      %add3A_1216 = vector.broadcast %add3A_1215 : i32 to vector<16xi32>
      %add3A_1217 = arith.addi %mul3A_1214, %add3A_1216 : vector<16xi32>
      %gather3A_1218 = tpu.vector_load_idx %arg12[%add3A_1204, %add3A_1217] : memref<80x17xf32, #tpu.memory_space<vmem>>[vector<16xi32>, vector<16xi32>], vector<16xf32>,
      %mul3A_1219 = arith.constant 0 : i32
      %mul3A_1220 = vector.broadcast %mul3A_1219 : i32 to vector<16xi32>
      %mul3A_1221 = arith.muli %iota3A, %mul3A_1220 : vector<16xi32>
      %add3A_1222 = arith.constant 2 : i32
      %add3A_1223 = vector.broadcast %add3A_1222 : i32 to vector<16xi32>
      %add3A_1224 = arith.addi %mul3A_1221, %add3A_1223 : vector<16xi32>
      %gather3A_1225 = tpu.vector_load_idx %arg12[%add3A_1204, %add3A_1224] : memref<80x17xf32, #tpu.memory_space<vmem>>[vector<16xi32>, vector<16xi32>], vector<16xf32>,
      %mul3A_1226 = arith.constant 0 : i32
      %mul3A_1227 = vector.broadcast %mul3A_1226 : i32 to vector<16xi32>
      %mul3A_1228 = arith.muli %iota3A, %mul3A_1227 : vector<16xi32>
      %add3A_1229 = arith.constant 3 : i32
      %add3A_1230 = vector.broadcast %add3A_1229 : i32 to vector<16xi32>
      %add3A_1231 = arith.addi %mul3A_1228, %add3A_1230 : vector<16xi32>
      %gather3A_1232 = tpu.vector_load_idx %arg12[%add3A_1204, %add3A_1231] : memref<80x17xf32, #tpu.memory_space<vmem>>[vector<16xi32>, vector<16xi32>], vector<16xf32>,
      %mul3A_1233 = arith.constant 0 : i32
      %mul3A_1234 = vector.broadcast %mul3A_1233 : i32 to vector<16xi32>
      %mul3A_1235 = arith.muli %iota3A, %mul3A_1234 : vector<16xi32>
      %add3A_1236 = arith.constant 4 : i32
      %add3A_1237 = vector.broadcast %add3A_1236 : i32 to vector<16xi32>
      %add3A_1238 = arith.addi %mul3A_1235, %add3A_1237 : vector<16xi32>
      %gather3A_1239 = tpu.vector_load_idx %arg12[%add3A_1204, %add3A_1238] : memref<80x17xf32, #tpu.memory_space<vmem>>[vector<16xi32>, vector<16xi32>], vector<16xf32>,
      %mul3A_1240 = arith.constant 0 : i32
      %mul3A_1241 = vector.broadcast %mul3A_1240 : i32 to vector<16xi32>
      %mul3A_1242 = arith.muli %iota3A, %mul3A_1241 : vector<16xi32>
      %add3A_1243 = arith.constant 5 : i32
      %add3A_1244 = vector.broadcast %add3A_1243 : i32 to vector<16xi32>
      %add3A_1245 = arith.addi %mul3A_1242, %add3A_1244 : vector<16xi32>
      %gather3A_1246 = tpu.vector_load_idx %arg12[%add3A_1204, %add3A_1245] : memref<80x17xf32, #tpu.memory_space<vmem>>[vector<16xi32>, vector<16xi32>], vector<16xf32>,
      %mul3A_1247 = arith.constant 0 : i32
      %mul3A_1248 = vector.broadcast %mul3A_1247 : i32 to vector<16xi32>
      %mul3A_1249 = arith.muli %iota3A, %mul3A_1248 : vector<16xi32>
      %add3A_1250 = arith.constant 6 : i32
      %add3A_1251 = vector.broadcast %add3A_1250 : i32 to vector<16xi32>
      %add3A_1252 = arith.addi %mul3A_1249, %add3A_1251 : vector<16xi32>
      %gather3A_1253 = tpu.vector_load_idx %arg12[%add3A_1204, %add3A_1252] : memref<80x17xf32, #tpu.memory_space<vmem>>[vector<16xi32>, vector<16xi32>], vector<16xf32>,
      %mul3A_1254 = arith.constant 0 : i32
      %mul3A_1255 = vector.broadcast %mul3A_1254 : i32 to vector<16xi32>
      %mul3A_1256 = arith.muli %iota3A, %mul3A_1255 : vector<16xi32>
      %add3A_1257 = arith.constant 7 : i32
      %add3A_1258 = vector.broadcast %add3A_1257 : i32 to vector<16xi32>
      %add3A_1259 = arith.addi %mul3A_1256, %add3A_1258 : vector<16xi32>
      %gather3A_1260 = tpu.vector_load_idx %arg12[%add3A_1204, %add3A_1259] : memref<80x17xf32, #tpu.memory_space<vmem>>[vector<16xi32>, vector<16xi32>], vector<16xf32>,
      %mul3A_1261 = arith.constant 0 : i32
      %mul3A_1262 = vector.broadcast %mul3A_1261 : i32 to vector<16xi32>
      %mul3A_1263 = arith.muli %iota3A, %mul3A_1262 : vector<16xi32>
      %add3A_1264 = arith.constant 8 : i32
      %add3A_1265 = vector.broadcast %add3A_1264 : i32 to vector<16xi32>
      %add3A_1266 = arith.addi %mul3A_1263, %add3A_1265 : vector<16xi32>
      %gather3A_1267 = tpu.vector_load_idx %arg12[%add3A_1204, %add3A_1266] : memref<80x17xf32, #tpu.memory_space<vmem>>[vector<16xi32>, vector<16xi32>], vector<16xf32>,
      %mul3A_1268 = arith.constant 0 : i32
      %mul3A_1269 = vector.broadcast %mul3A_1268 : i32 to vector<16xi32>
      %mul3A_1270 = arith.muli %iota3A, %mul3A_1269 : vector<16xi32>
      %add3A_1271 = arith.constant 9 : i32
      %add3A_1272 = vector.broadcast %add3A_1271 : i32 to vector<16xi32>
      %add3A_1273 = arith.addi %mul3A_1270, %add3A_1272 : vector<16xi32>
      %gather3A_1274 = tpu.vector_load_idx %arg12[%add3A_1204, %add3A_1273] : memref<80x17xf32, #tpu.memory_space<vmem>>[vector<16xi32>, vector<16xi32>], vector<16xf32>,
      %mul3A_1275 = arith.constant 0 : i32
      %mul3A_1276 = vector.broadcast %mul3A_1275 : i32 to vector<16xi32>
      %mul3A_1277 = arith.muli %iota3A, %mul3A_1276 : vector<16xi32>
      %add3A_1278 = arith.constant 10 : i32
      %add3A_1279 = vector.broadcast %add3A_1278 : i32 to vector<16xi32>
      %add3A_1280 = arith.addi %mul3A_1277, %add3A_1279 : vector<16xi32>
      %gather3A_1281 = tpu.vector_load_idx %arg12[%add3A_1204, %add3A_1280] : memref<80x17xf32, #tpu.memory_space<vmem>>[vector<16xi32>, vector<16xi32>], vector<16xf32>,
      %mul3A_1282 = arith.constant 0 : i32
      %mul3A_1283 = vector.broadcast %mul3A_1282 : i32 to vector<16xi32>
      %mul3A_1284 = arith.muli %iota3A, %mul3A_1283 : vector<16xi32>
      %add3A_1285 = arith.constant 11 : i32
      %add3A_1286 = vector.broadcast %add3A_1285 : i32 to vector<16xi32>
      %add3A_1287 = arith.addi %mul3A_1284, %add3A_1286 : vector<16xi32>
      %gather3A_1288 = tpu.vector_load_idx %arg12[%add3A_1204, %add3A_1287] : memref<80x17xf32, #tpu.memory_space<vmem>>[vector<16xi32>, vector<16xi32>], vector<16xf32>,
      %mul3A_1289 = arith.constant 0 : i32
      %mul3A_1290 = vector.broadcast %mul3A_1289 : i32 to vector<16xi32>
      %mul3A_1291 = arith.muli %iota3A, %mul3A_1290 : vector<16xi32>
      %add3A_1292 = arith.constant 12 : i32
      %add3A_1293 = vector.broadcast %add3A_1292 : i32 to vector<16xi32>
      %add3A_1294 = arith.addi %mul3A_1291, %add3A_1293 : vector<16xi32>
      %gather3A_1295 = tpu.vector_load_idx %arg12[%add3A_1204, %add3A_1294] : memref<80x17xf32, #tpu.memory_space<vmem>>[vector<16xi32>, vector<16xi32>], vector<16xf32>,
      %mul3A_1296 = arith.constant 0 : i32
      %mul3A_1297 = vector.broadcast %mul3A_1296 : i32 to vector<16xi32>
      %mul3A_1298 = arith.muli %iota3A, %mul3A_1297 : vector<16xi32>
      %add3A_1299 = arith.constant 13 : i32
      %add3A_1300 = vector.broadcast %add3A_1299 : i32 to vector<16xi32>
      %add3A_1301 = arith.addi %mul3A_1298, %add3A_1300 : vector<16xi32>
      %gather3A_1302 = tpu.vector_load_idx %arg12[%add3A_1204, %add3A_1301] : memref<80x17xf32, #tpu.memory_space<vmem>>[vector<16xi32>, vector<16xi32>], vector<16xf32>,
      %mul3A_1303 = arith.constant 0 : i32
      %mul3A_1304 = vector.broadcast %mul3A_1303 : i32 to vector<16xi32>
      %mul3A_1305 = arith.muli %iota3A, %mul3A_1304 : vector<16xi32>
      %add3A_1306 = arith.constant 14 : i32
      %add3A_1307 = vector.broadcast %add3A_1306 : i32 to vector<16xi32>
      %add3A_1308 = arith.addi %mul3A_1305, %add3A_1307 : vector<16xi32>
      %gather3A_1309 = tpu.vector_load_idx %arg12[%add3A_1204, %add3A_1308] : memref<80x17xf32, #tpu.memory_space<vmem>>[vector<16xi32>, vector<16xi32>], vector<16xf32>,
      %mul3A_1310 = arith.constant 0 : i32
      %mul3A_1311 = vector.broadcast %mul3A_1310 : i32 to vector<16xi32>
      %mul3A_1312 = arith.muli %iota3A, %mul3A_1311 : vector<16xi32>
      %add3A_1313 = arith.constant 15 : i32
      %add3A_1314 = vector.broadcast %add3A_1313 : i32 to vector<16xi32>
      %add3A_1315 = arith.addi %mul3A_1312, %add3A_1314 : vector<16xi32>
      %gather3A_1316 = tpu.vector_load_idx %arg12[%add3A_1204, %add3A_1315] : memref<80x17xf32, #tpu.memory_space<vmem>>[vector<16xi32>, vector<16xi32>], vector<16xf32>,
      %add3A_1317 = arith.addf %gather3A_1211, %gather3A_1218 : vector<16xf32>
      %add3A_1318 = arith.addf %gather3A_1225, %gather3A_1232 : vector<16xf32>
      %add3A_1319 = arith.addf %gather3A_1239, %gather3A_1246 : vector<16xf32>
      %add3A_1320 = arith.addf %gather3A_1253, %gather3A_1260 : vector<16xf32>
      %add3A_1321 = arith.addf %gather3A_1267, %gather3A_1274 : vector<16xf32>
      %add3A_1322 = arith.addf %gather3A_1281, %gather3A_1288 : vector<16xf32>
      %add3A_1323 = arith.addf %gather3A_1295, %gather3A_1302 : vector<16xf32>
      %add3A_1324 = arith.addf %gather3A_1309, %gather3A_1316 : vector<16xf32>
      %add3A_1325 = arith.addf %add3A_1317, %add3A_1318 : vector<16xf32>
      %add3A_1326 = arith.addf %add3A_1319, %add3A_1320 : vector<16xf32>
      %add3A_1327 = arith.addf %add3A_1321, %add3A_1322 : vector<16xf32>
      %add3A_1328 = arith.addf %add3A_1323, %add3A_1324 : vector<16xf32>
      %add3A_1329 = arith.addf %add3A_1325, %add3A_1326 : vector<16xf32>
      %add3A_1330 = arith.addf %add3A_1327, %add3A_1328 : vector<16xf32>
      %add3A_1331 = arith.addf %add3A_1329, %add3A_1330 : vector<16xf32>
      %neg3A_1332 = arith.constant 0.000000e+00 : f32
      %neg3A_1333 = vector.broadcast %neg3A_1332 : f32 to vector<16xf32>
      %neg3A_1334 = arith.subf %neg3A_1333, %add3A_1331 : vector<16xf32>
      %exp3A_1335 = math.exp %neg3A_1334 : vector<16xf32>
      %add3A_1336 = arith.constant 1.000000e+00 : f32
      %add3A_1337 = vector.broadcast %add3A_1336 : f32 to vector<16xf32>
      %add3A_1338 = arith.addf %add3A_1337, %exp3A_1335 : vector<16xf32>
      %div3A_1339 = arith.constant 1.000000e+00 : f32
      %div3A_1340 = vector.broadcast %div3A_1339 : f32 to vector<16xf32>
      %div3A_1341 = arith.divf %div3A_1340, %add3A_1338 : vector<16xf32>
      %mul3A_1342 = arith.constant 80 : i32
      %mul3A_1343 = arith.muli %add3A_738, %mul3A_1342 : i32
      %add3A_1344 = arith.constant 48 : i32
      %add3A_1345 = arith.addi %mul3A_1343, %add3A_1344 : i32
      %swap3A_1346 = arith.index_cast %add3A_1345 : i32 to index
      %swap3A_1347 = tpu.vector_load %arg7[%swap3A_1346] {strides = array<i32>} : memref<10000xf32, #tpu.memory_space<vmem>>, vector<16xf32>,
      tpu.vector_store %arg7[%swap3A_1346], %div3A_1341 {strides = array<i32>} : memref<10000xf32, #tpu.memory_space<vmem>>, vector<16xf32>,
      %add3A_1348 = arith.constant 64 : i32
      %add3A_1349 = vector.broadcast %add3A_1348 : i32 to vector<16xi32>
      %add3A_1350 = arith.addi %iota3A, %add3A_1349 : vector<16xi32>
      %mul3A_1351 = arith.constant 0 : i32
      %mul3A_1352 = vector.broadcast %mul3A_1351 : i32 to vector<16xi32>
      %mul3A_1353 = arith.muli %iota3A, %mul3A_1352 : vector<16xi32>
      %add3A_1354 = arith.constant 0 : i32
      %add3A_1355 = vector.broadcast %add3A_1354 : i32 to vector<16xi32>
      %add3A_1356 = arith.addi %mul3A_1353, %add3A_1355 : vector<16xi32>
      %gather3A_1357 = tpu.vector_load_idx %arg12[%add3A_1350, %add3A_1356] : memref<80x17xf32, #tpu.memory_space<vmem>>[vector<16xi32>, vector<16xi32>], vector<16xf32>,
      %mul3A_1358 = arith.constant 0 : i32
      %mul3A_1359 = vector.broadcast %mul3A_1358 : i32 to vector<16xi32>
      %mul3A_1360 = arith.muli %iota3A, %mul3A_1359 : vector<16xi32>
      %add3A_1361 = arith.constant 1 : i32
      %add3A_1362 = vector.broadcast %add3A_1361 : i32 to vector<16xi32>
      %add3A_1363 = arith.addi %mul3A_1360, %add3A_1362 : vector<16xi32>
      %gather3A_1364 = tpu.vector_load_idx %arg12[%add3A_1350, %add3A_1363] : memref<80x17xf32, #tpu.memory_space<vmem>>[vector<16xi32>, vector<16xi32>], vector<16xf32>,
      %mul3A_1365 = arith.constant 0 : i32
      %mul3A_1366 = vector.broadcast %mul3A_1365 : i32 to vector<16xi32>
      %mul3A_1367 = arith.muli %iota3A, %mul3A_1366 : vector<16xi32>
      %add3A_1368 = arith.constant 2 : i32
      %add3A_1369 = vector.broadcast %add3A_1368 : i32 to vector<16xi32>
      %add3A_1370 = arith.addi %mul3A_1367, %add3A_1369 : vector<16xi32>
      %gather3A_1371 = tpu.vector_load_idx %arg12[%add3A_1350, %add3A_1370] : memref<80x17xf32, #tpu.memory_space<vmem>>[vector<16xi32>, vector<16xi32>], vector<16xf32>,
      %mul3A_1372 = arith.constant 0 : i32
      %mul3A_1373 = vector.broadcast %mul3A_1372 : i32 to vector<16xi32>
      %mul3A_1374 = arith.muli %iota3A, %mul3A_1373 : vector<16xi32>
      %add3A_1375 = arith.constant 3 : i32
      %add3A_1376 = vector.broadcast %add3A_1375 : i32 to vector<16xi32>
      %add3A_1377 = arith.addi %mul3A_1374, %add3A_1376 : vector<16xi32>
      %gather3A_1378 = tpu.vector_load_idx %arg12[%add3A_1350, %add3A_1377] : memref<80x17xf32, #tpu.memory_space<vmem>>[vector<16xi32>, vector<16xi32>], vector<16xf32>,
      %mul3A_1379 = arith.constant 0 : i32
      %mul3A_1380 = vector.broadcast %mul3A_1379 : i32 to vector<16xi32>
      %mul3A_1381 = arith.muli %iota3A, %mul3A_1380 : vector<16xi32>
      %add3A_1382 = arith.constant 4 : i32
      %add3A_1383 = vector.broadcast %add3A_1382 : i32 to vector<16xi32>
      %add3A_1384 = arith.addi %mul3A_1381, %add3A_1383 : vector<16xi32>
      %gather3A_1385 = tpu.vector_load_idx %arg12[%add3A_1350, %add3A_1384] : memref<80x17xf32, #tpu.memory_space<vmem>>[vector<16xi32>, vector<16xi32>], vector<16xf32>,
      %mul3A_1386 = arith.constant 0 : i32
      %mul3A_1387 = vector.broadcast %mul3A_1386 : i32 to vector<16xi32>
      %mul3A_1388 = arith.muli %iota3A, %mul3A_1387 : vector<16xi32>
      %add3A_1389 = arith.constant 5 : i32
      %add3A_1390 = vector.broadcast %add3A_1389 : i32 to vector<16xi32>
      %add3A_1391 = arith.addi %mul3A_1388, %add3A_1390 : vector<16xi32>
      %gather3A_1392 = tpu.vector_load_idx %arg12[%add3A_1350, %add3A_1391] : memref<80x17xf32, #tpu.memory_space<vmem>>[vector<16xi32>, vector<16xi32>], vector<16xf32>,
      %mul3A_1393 = arith.constant 0 : i32
      %mul3A_1394 = vector.broadcast %mul3A_1393 : i32 to vector<16xi32>
      %mul3A_1395 = arith.muli %iota3A, %mul3A_1394 : vector<16xi32>
      %add3A_1396 = arith.constant 6 : i32
      %add3A_1397 = vector.broadcast %add3A_1396 : i32 to vector<16xi32>
      %add3A_1398 = arith.addi %mul3A_1395, %add3A_1397 : vector<16xi32>
      %gather3A_1399 = tpu.vector_load_idx %arg12[%add3A_1350, %add3A_1398] : memref<80x17xf32, #tpu.memory_space<vmem>>[vector<16xi32>, vector<16xi32>], vector<16xf32>,
      %mul3A_1400 = arith.constant 0 : i32
      %mul3A_1401 = vector.broadcast %mul3A_1400 : i32 to vector<16xi32>
      %mul3A_1402 = arith.muli %iota3A, %mul3A_1401 : vector<16xi32>
      %add3A_1403 = arith.constant 7 : i32
      %add3A_1404 = vector.broadcast %add3A_1403 : i32 to vector<16xi32>
      %add3A_1405 = arith.addi %mul3A_1402, %add3A_1404 : vector<16xi32>
      %gather3A_1406 = tpu.vector_load_idx %arg12[%add3A_1350, %add3A_1405] : memref<80x17xf32, #tpu.memory_space<vmem>>[vector<16xi32>, vector<16xi32>], vector<16xf32>,
      %mul3A_1407 = arith.constant 0 : i32
      %mul3A_1408 = vector.broadcast %mul3A_1407 : i32 to vector<16xi32>
      %mul3A_1409 = arith.muli %iota3A, %mul3A_1408 : vector<16xi32>
      %add3A_1410 = arith.constant 8 : i32
      %add3A_1411 = vector.broadcast %add3A_1410 : i32 to vector<16xi32>
      %add3A_1412 = arith.addi %mul3A_1409, %add3A_1411 : vector<16xi32>
      %gather3A_1413 = tpu.vector_load_idx %arg12[%add3A_1350, %add3A_1412] : memref<80x17xf32, #tpu.memory_space<vmem>>[vector<16xi32>, vector<16xi32>], vector<16xf32>,
      %mul3A_1414 = arith.constant 0 : i32
      %mul3A_1415 = vector.broadcast %mul3A_1414 : i32 to vector<16xi32>
      %mul3A_1416 = arith.muli %iota3A, %mul3A_1415 : vector<16xi32>
      %add3A_1417 = arith.constant 9 : i32
      %add3A_1418 = vector.broadcast %add3A_1417 : i32 to vector<16xi32>
      %add3A_1419 = arith.addi %mul3A_1416, %add3A_1418 : vector<16xi32>
      %gather3A_1420 = tpu.vector_load_idx %arg12[%add3A_1350, %add3A_1419] : memref<80x17xf32, #tpu.memory_space<vmem>>[vector<16xi32>, vector<16xi32>], vector<16xf32>,
      %mul3A_1421 = arith.constant 0 : i32
      %mul3A_1422 = vector.broadcast %mul3A_1421 : i32 to vector<16xi32>
      %mul3A_1423 = arith.muli %iota3A, %mul3A_1422 : vector<16xi32>
      %add3A_1424 = arith.constant 10 : i32
      %add3A_1425 = vector.broadcast %add3A_1424 : i32 to vector<16xi32>
      %add3A_1426 = arith.addi %mul3A_1423, %add3A_1425 : vector<16xi32>
      %gather3A_1427 = tpu.vector_load_idx %arg12[%add3A_1350, %add3A_1426] : memref<80x17xf32, #tpu.memory_space<vmem>>[vector<16xi32>, vector<16xi32>], vector<16xf32>,
      %mul3A_1428 = arith.constant 0 : i32
      %mul3A_1429 = vector.broadcast %mul3A_1428 : i32 to vector<16xi32>
      %mul3A_1430 = arith.muli %iota3A, %mul3A_1429 : vector<16xi32>
      %add3A_1431 = arith.constant 11 : i32
      %add3A_1432 = vector.broadcast %add3A_1431 : i32 to vector<16xi32>
      %add3A_1433 = arith.addi %mul3A_1430, %add3A_1432 : vector<16xi32>
      %gather3A_1434 = tpu.vector_load_idx %arg12[%add3A_1350, %add3A_1433] : memref<80x17xf32, #tpu.memory_space<vmem>>[vector<16xi32>, vector<16xi32>], vector<16xf32>,
      %mul3A_1435 = arith.constant 0 : i32
      %mul3A_1436 = vector.broadcast %mul3A_1435 : i32 to vector<16xi32>
      %mul3A_1437 = arith.muli %iota3A, %mul3A_1436 : vector<16xi32>
      %add3A_1438 = arith.constant 12 : i32
      %add3A_1439 = vector.broadcast %add3A_1438 : i32 to vector<16xi32>
      %add3A_1440 = arith.addi %mul3A_1437, %add3A_1439 : vector<16xi32>
      %gather3A_1441 = tpu.vector_load_idx %arg12[%add3A_1350, %add3A_1440] : memref<80x17xf32, #tpu.memory_space<vmem>>[vector<16xi32>, vector<16xi32>], vector<16xf32>,
      %mul3A_1442 = arith.constant 0 : i32
      %mul3A_1443 = vector.broadcast %mul3A_1442 : i32 to vector<16xi32>
      %mul3A_1444 = arith.muli %iota3A, %mul3A_1443 : vector<16xi32>
      %add3A_1445 = arith.constant 13 : i32
      %add3A_1446 = vector.broadcast %add3A_1445 : i32 to vector<16xi32>
      %add3A_1447 = arith.addi %mul3A_1444, %add3A_1446 : vector<16xi32>
      %gather3A_1448 = tpu.vector_load_idx %arg12[%add3A_1350, %add3A_1447] : memref<80x17xf32, #tpu.memory_space<vmem>>[vector<16xi32>, vector<16xi32>], vector<16xf32>,
      %mul3A_1449 = arith.constant 0 : i32
      %mul3A_1450 = vector.broadcast %mul3A_1449 : i32 to vector<16xi32>
      %mul3A_1451 = arith.muli %iota3A, %mul3A_1450 : vector<16xi32>
      %add3A_1452 = arith.constant 14 : i32
      %add3A_1453 = vector.broadcast %add3A_1452 : i32 to vector<16xi32>
      %add3A_1454 = arith.addi %mul3A_1451, %add3A_1453 : vector<16xi32>
      %gather3A_1455 = tpu.vector_load_idx %arg12[%add3A_1350, %add3A_1454] : memref<80x17xf32, #tpu.memory_space<vmem>>[vector<16xi32>, vector<16xi32>], vector<16xf32>,
      %mul3A_1456 = arith.constant 0 : i32
      %mul3A_1457 = vector.broadcast %mul3A_1456 : i32 to vector<16xi32>
      %mul3A_1458 = arith.muli %iota3A, %mul3A_1457 : vector<16xi32>
      %add3A_1459 = arith.constant 15 : i32
      %add3A_1460 = vector.broadcast %add3A_1459 : i32 to vector<16xi32>
      %add3A_1461 = arith.addi %mul3A_1458, %add3A_1460 : vector<16xi32>
      %gather3A_1462 = tpu.vector_load_idx %arg12[%add3A_1350, %add3A_1461] : memref<80x17xf32, #tpu.memory_space<vmem>>[vector<16xi32>, vector<16xi32>], vector<16xf32>,
      %add3A_1463 = arith.addf %gather3A_1357, %gather3A_1364 : vector<16xf32>
      %add3A_1464 = arith.addf %gather3A_1371, %gather3A_1378 : vector<16xf32>
      %add3A_1465 = arith.addf %gather3A_1385, %gather3A_1392 : vector<16xf32>
      %add3A_1466 = arith.addf %gather3A_1399, %gather3A_1406 : vector<16xf32>
      %add3A_1467 = arith.addf %gather3A_1413, %gather3A_1420 : vector<16xf32>
      %add3A_1468 = arith.addf %gather3A_1427, %gather3A_1434 : vector<16xf32>
      %add3A_1469 = arith.addf %gather3A_1441, %gather3A_1448 : vector<16xf32>
      %add3A_1470 = arith.addf %gather3A_1455, %gather3A_1462 : vector<16xf32>
      %add3A_1471 = arith.addf %add3A_1463, %add3A_1464 : vector<16xf32>
      %add3A_1472 = arith.addf %add3A_1465, %add3A_1466 : vector<16xf32>
      %add3A_1473 = arith.addf %add3A_1467, %add3A_1468 : vector<16xf32>
      %add3A_1474 = arith.addf %add3A_1469, %add3A_1470 : vector<16xf32>
      %add3A_1475 = arith.addf %add3A_1471, %add3A_1472 : vector<16xf32>
      %add3A_1476 = arith.addf %add3A_1473, %add3A_1474 : vector<16xf32>
      %add3A_1477 = arith.addf %add3A_1475, %add3A_1476 : vector<16xf32>
      %neg3A_1478 = arith.constant 0.000000e+00 : f32
      %neg3A_1479 = vector.broadcast %neg3A_1478 : f32 to vector<16xf32>
      %neg3A_1480 = arith.subf %neg3A_1479, %add3A_1477 : vector<16xf32>
      %exp3A_1481 = math.exp %neg3A_1480 : vector<16xf32>
      %add3A_1482 = arith.constant 1.000000e+00 : f32
      %add3A_1483 = vector.broadcast %add3A_1482 : f32 to vector<16xf32>
      %add3A_1484 = arith.addf %add3A_1483, %exp3A_1481 : vector<16xf32>
      %div3A_1485 = arith.constant 1.000000e+00 : f32
      %div3A_1486 = vector.broadcast %div3A_1485 : f32 to vector<16xf32>
      %div3A_1487 = arith.divf %div3A_1486, %add3A_1484 : vector<16xf32>
      %mul3A_1488 = arith.constant 80 : i32
      %mul3A_1489 = arith.muli %add3A_738, %mul3A_1488 : i32
      %add3A_1490 = arith.constant 64 : i32
      %add3A_1491 = arith.addi %mul3A_1489, %add3A_1490 : i32
      %swap3A_1492 = arith.index_cast %add3A_1491 : i32 to index
      %swap3A_1493 = tpu.vector_load %arg7[%swap3A_1492] {strides = array<i32>} : memref<10000xf32, #tpu.memory_space<vmem>>, vector<16xf32>,
      tpu.vector_store %arg7[%swap3A_1492], %div3A_1487 {strides = array<i32>} : memref<10000xf32, #tpu.memory_space<vmem>>, vector<16xf32>,
      %add3A_1494 = arith.constant 1 : i32
      %add3A_1495 = arith.addi %mul3A_736, %add3A_1494 : i32
      %add3A_1496 = arith.constant 1 : i32
      %add3A_1497 = arith.addi %add3A_1495, %add3A_1496 : i32
      %mul3A_1498 = arith.constant 80 : i32
      %mul3A_1499 = arith.muli %add3A_1497, %mul3A_1498 : i32
      %dma_start3A_1500 = tpu.memref_slice %arg5[%mul3A_1499] : memref<10000xi32, #tpu.memory_space<vmem>> -> memref<80xi32, #tpu.memory_space<vmem>>
      %dma_start3A_1501 = arith.constant 0 : i32
      %dma_start3A_1502 = arith.constant 0 : i32
      %dma_start3A_1503 = tpu.memref_slice %arg2[%dma_start3A_1501, %dma_start3A_1502] : memref<10000x64xf32, #tpu.memory_space<hbm>> -> memref<10000x64xf32, #tpu.memory_space<hbm>>
      tpu.enqueue_indirect_dma source(%dma_start3A_1503 : memref<10000x64xf32, #tpu.memory_space<hbm>>) target(%arg8 : memref<80x64xf32, #tpu.memory_space<vmem>>) offsets(%dma_start3A_1500 : memref<80xi32, #tpu.memory_space<vmem>>) semaphore(%arg13 : memref<!tpu.dma_semaphore, #tpu.memory_space<semaphore_mem>>)
      %dma_start3A_1504 = tpu.memref_slice %arg6[%mul3A_1499] : memref<10000xi32, #tpu.memory_space<vmem>> -> memref<80xi32, #tpu.memory_space<vmem>>
      %dma_start3A_1505 = arith.constant 0 : i32
      %dma_start3A_1506 = arith.constant 0 : i32
      %dma_start3A_1507 = tpu.memref_slice %arg2[%dma_start3A_1505, %dma_start3A_1506] : memref<10000x64xf32, #tpu.memory_space<hbm>> -> memref<10000x64xf32, #tpu.memory_space<hbm>>
      tpu.enqueue_indirect_dma source(%dma_start3A_1507 : memref<10000x64xf32, #tpu.memory_space<hbm>>) target(%arg10 : memref<80x64xf32, #tpu.memory_space<vmem>>) offsets(%dma_start3A_1504 : memref<80xi32, #tpu.memory_space<vmem>>) semaphore(%arg13 : memref<!tpu.dma_semaphore, #tpu.memory_space<semaphore_mem>>)
      %dma_wait3A_1508 = arith.constant 0 : i32
      %dma_wait3A_1509 = tpu.memref_slice %arg5[%dma_wait3A_1508] : memref<10000xi32, #tpu.memory_space<vmem>> -> memref<80xi32, #tpu.memory_space<vmem>>
      %dma_wait3A_1510 = arith.constant 0 : i32
      %dma_wait3A_1511 = arith.constant 0 : i32
      %dma_wait3A_1512 = tpu.memref_slice %arg2[%dma_wait3A_1510, %dma_wait3A_1511] : memref<10000x64xf32, #tpu.memory_space<hbm>> -> memref<10000x64xf32, #tpu.memory_space<hbm>>
      tpu.wait_indirect_dma semaphore(%arg14 : memref<!tpu.dma_semaphore, #tpu.memory_space<semaphore_mem>>) src(%dma_wait3A_1512 : memref<10000x64xf32, #tpu.memory_space<hbm>>) dst(%arg9 : memref<80x64xf32, #tpu.memory_space<vmem>>)
      %dma_wait3A_1513 = arith.constant 0 : i32
      %dma_wait3A_1514 = tpu.memref_slice %arg6[%dma_wait3A_1513] : memref<10000xi32, #tpu.memory_space<vmem>> -> memref<80xi32, #tpu.memory_space<vmem>>
      %dma_wait3A_1515 = arith.constant 0 : i32
      %dma_wait3A_1516 = arith.constant 0 : i32
      %dma_wait3A_1517 = tpu.memref_slice %arg2[%dma_wait3A_1515, %dma_wait3A_1516] : memref<10000x64xf32, #tpu.memory_space<hbm>> -> memref<10000x64xf32, #tpu.memory_space<hbm>>
      tpu.wait_indirect_dma semaphore(%arg14 : memref<!tpu.dma_semaphore, #tpu.memory_space<semaphore_mem>>) src(%dma_wait3A_1517 : memref<10000x64xf32, #tpu.memory_space<hbm>>) dst(%arg11 : memref<80x64xf32, #tpu.memory_space<vmem>>)
      %parallel_loop3A_1518 = arith.constant 0 : i32
      %parallel_loop3A_1519 = arith.constant 80 : i32
      %parallel_loop3A_1520 = arith.constant 1 : i32
      scf.for %parallel_loop3A_2251 = %parallel_loop3A_1518 to %parallel_loop3A_1519 step %parallel_loop3A_1520  : i32 {
        %parallel_loop3A_2252 = arith.index_cast %parallel_loop3A_2251 : i32 to index
        %parallel_loop3A_2253 = arith.constant 0 : index
        %parallel_loop3A_2254 = tpu.vector_load %arg9[%parallel_loop3A_2252, %parallel_loop3A_2253] {strides = array<i32>} : memref<80x64xf32, #tpu.memory_space<vmem>>, vector<16xf32>,
        %parallel_loop3A_2255 = vector.bitcast %parallel_loop3A_2254 : vector<16xf32> to vector<32xbf16>
        %parallel_loop3A_2256 = arith.index_cast %parallel_loop3A_2251 : i32 to index
        %parallel_loop3A_2257 = arith.constant 0 : index
        %parallel_loop3A_2258 = tpu.vector_load %arg11[%parallel_loop3A_2256, %parallel_loop3A_2257] {strides = array<i32>} : memref<80x64xf32, #tpu.memory_space<vmem>>, vector<16xf32>,
        %parallel_loop3A_2259 = vector.bitcast %parallel_loop3A_2258 : vector<16xf32> to vector<32xbf16>
        %parallel_loop3A_2260 = arith.mulf %parallel_loop3A_2255, %parallel_loop3A_2259 : vector<32xbf16>
        %parallel_loop3A_2261 = arith.index_cast %parallel_loop3A_2251 : i32 to index
        %parallel_loop3A_2262 = arith.constant 16 : index
        %parallel_loop3A_2263 = tpu.vector_load %arg9[%parallel_loop3A_2261, %parallel_loop3A_2262] {strides = array<i32>} : memref<80x64xf32, #tpu.memory_space<vmem>>, vector<16xf32>,
        %parallel_loop3A_2264 = vector.bitcast %parallel_loop3A_2263 : vector<16xf32> to vector<32xbf16>
        %parallel_loop3A_2265 = arith.index_cast %parallel_loop3A_2251 : i32 to index
        %parallel_loop3A_2266 = arith.constant 16 : index
        %parallel_loop3A_2267 = tpu.vector_load %arg11[%parallel_loop3A_2265, %parallel_loop3A_2266] {strides = array<i32>} : memref<80x64xf32, #tpu.memory_space<vmem>>, vector<16xf32>,
        %parallel_loop3A_2268 = vector.bitcast %parallel_loop3A_2267 : vector<16xf32> to vector<32xbf16>
        %parallel_loop3A_2269 = arith.mulf %parallel_loop3A_2264, %parallel_loop3A_2268 : vector<32xbf16>
        %parallel_loop3A_2270 = arith.index_cast %parallel_loop3A_2251 : i32 to index
        %parallel_loop3A_2271 = arith.constant 32 : index
        %parallel_loop3A_2272 = tpu.vector_load %arg9[%parallel_loop3A_2270, %parallel_loop3A_2271] {strides = array<i32>} : memref<80x64xf32, #tpu.memory_space<vmem>>, vector<16xf32>,
        %parallel_loop3A_2273 = vector.bitcast %parallel_loop3A_2272 : vector<16xf32> to vector<32xbf16>
        %parallel_loop3A_2274 = arith.index_cast %parallel_loop3A_2251 : i32 to index
        %parallel_loop3A_2275 = arith.constant 32 : index
        %parallel_loop3A_2276 = tpu.vector_load %arg11[%parallel_loop3A_2274, %parallel_loop3A_2275] {strides = array<i32>} : memref<80x64xf32, #tpu.memory_space<vmem>>, vector<16xf32>,
        %parallel_loop3A_2277 = vector.bitcast %parallel_loop3A_2276 : vector<16xf32> to vector<32xbf16>
        %parallel_loop3A_2278 = arith.mulf %parallel_loop3A_2273, %parallel_loop3A_2277 : vector<32xbf16>
        %parallel_loop3A_2279 = arith.index_cast %parallel_loop3A_2251 : i32 to index
        %parallel_loop3A_2280 = arith.constant 48 : index
        %parallel_loop3A_2281 = tpu.vector_load %arg9[%parallel_loop3A_2279, %parallel_loop3A_2280] {strides = array<i32>} : memref<80x64xf32, #tpu.memory_space<vmem>>, vector<16xf32>,
        %parallel_loop3A_2282 = vector.bitcast %parallel_loop3A_2281 : vector<16xf32> to vector<32xbf16>
        %parallel_loop3A_2283 = arith.index_cast %parallel_loop3A_2251 : i32 to index
        %parallel_loop3A_2284 = arith.constant 48 : index
        %parallel_loop3A_2285 = tpu.vector_load %arg11[%parallel_loop3A_2283, %parallel_loop3A_2284] {strides = array<i32>} : memref<80x64xf32, #tpu.memory_space<vmem>>, vector<16xf32>,
        %parallel_loop3A_2286 = vector.bitcast %parallel_loop3A_2285 : vector<16xf32> to vector<32xbf16>
        %parallel_loop3A_2287 = arith.mulf %parallel_loop3A_2282, %parallel_loop3A_2286 : vector<32xbf16>
        %parallel_loop3A_2288 = arith.addf %parallel_loop3A_2260, %parallel_loop3A_2269 : vector<32xbf16>
        %parallel_loop3A_2289 = arith.addf %parallel_loop3A_2278, %parallel_loop3A_2287 : vector<32xbf16>
        %parallel_loop3A_2290 = arith.addf %parallel_loop3A_2288, %parallel_loop3A_2289 : vector<32xbf16>
        %parallel_loop3A_2291 = tpu.unpack_subelements %parallel_loop3A_2290, 0 {pack_format = #tpu.pack_format<interleaved>} : vector<32xbf16> -> vector<16xf32>
        %parallel_loop3A_2292 = tpu.unpack_subelements %parallel_loop3A_2290, 1 {pack_format = #tpu.pack_format<interleaved>} : vector<32xbf16> -> vector<16xf32>
        %parallel_loop3A_2293 = arith.addf %parallel_loop3A_2291, %parallel_loop3A_2292 : vector<16xf32>
        %parallel_loop3A_2294 = arith.index_cast %parallel_loop3A_2251 : i32 to index
        %parallel_loop3A_2295 = arith.constant 0 : index
        %parallel_loop3A_2296 = tpu.vector_load %arg12[%parallel_loop3A_2294, %parallel_loop3A_2295] {strides = array<i32>} : memref<80x17xf32, #tpu.memory_space<vmem>>, vector<16xf32>,
        tpu.vector_store %arg12[%parallel_loop3A_2294, %parallel_loop3A_2295], %parallel_loop3A_2293 {strides = array<i32>} : memref<80x17xf32, #tpu.memory_space<vmem>>, vector<16xf32>,
      } {sc.loop_unroll_factor = 4 : i64, sc.parallel_access}
      %add3A_1521 = arith.constant 0 : i32
      %add3A_1522 = vector.broadcast %add3A_1521 : i32 to vector<16xi32>
      %add3A_1523 = arith.addi %iota3A, %add3A_1522 : vector<16xi32>
      %mul3A_1524 = arith.constant 0 : i32
      %mul3A_1525 = vector.broadcast %mul3A_1524 : i32 to vector<16xi32>
      %mul3A_1526 = arith.muli %iota3A, %mul3A_1525 : vector<16xi32>
      %add3A_1527 = arith.constant 0 : i32
      %add3A_1528 = vector.broadcast %add3A_1527 : i32 to vector<16xi32>
      %add3A_1529 = arith.addi %mul3A_1526, %add3A_1528 : vector<16xi32>
      %gather3A_1530 = tpu.vector_load_idx %arg12[%add3A_1523, %add3A_1529] : memref<80x17xf32, #tpu.memory_space<vmem>>[vector<16xi32>, vector<16xi32>], vector<16xf32>,
      %mul3A_1531 = arith.constant 0 : i32
      %mul3A_1532 = vector.broadcast %mul3A_1531 : i32 to vector<16xi32>
      %mul3A_1533 = arith.muli %iota3A, %mul3A_1532 : vector<16xi32>
      %add3A_1534 = arith.constant 1 : i32
      %add3A_1535 = vector.broadcast %add3A_1534 : i32 to vector<16xi32>
      %add3A_1536 = arith.addi %mul3A_1533, %add3A_1535 : vector<16xi32>
      %gather3A_1537 = tpu.vector_load_idx %arg12[%add3A_1523, %add3A_1536] : memref<80x17xf32, #tpu.memory_space<vmem>>[vector<16xi32>, vector<16xi32>], vector<16xf32>,
      %mul3A_1538 = arith.constant 0 : i32
      %mul3A_1539 = vector.broadcast %mul3A_1538 : i32 to vector<16xi32>
      %mul3A_1540 = arith.muli %iota3A, %mul3A_1539 : vector<16xi32>
      %add3A_1541 = arith.constant 2 : i32
      %add3A_1542 = vector.broadcast %add3A_1541 : i32 to vector<16xi32>
      %add3A_1543 = arith.addi %mul3A_1540, %add3A_1542 : vector<16xi32>
      %gather3A_1544 = tpu.vector_load_idx %arg12[%add3A_1523, %add3A_1543] : memref<80x17xf32, #tpu.memory_space<vmem>>[vector<16xi32>, vector<16xi32>], vector<16xf32>,
      %mul3A_1545 = arith.constant 0 : i32
      %mul3A_1546 = vector.broadcast %mul3A_1545 : i32 to vector<16xi32>
      %mul3A_1547 = arith.muli %iota3A, %mul3A_1546 : vector<16xi32>
      %add3A_1548 = arith.constant 3 : i32
      %add3A_1549 = vector.broadcast %add3A_1548 : i32 to vector<16xi32>
      %add3A_1550 = arith.addi %mul3A_1547, %add3A_1549 : vector<16xi32>
      %gather3A_1551 = tpu.vector_load_idx %arg12[%add3A_1523, %add3A_1550] : memref<80x17xf32, #tpu.memory_space<vmem>>[vector<16xi32>, vector<16xi32>], vector<16xf32>,
      %mul3A_1552 = arith.constant 0 : i32
      %mul3A_1553 = vector.broadcast %mul3A_1552 : i32 to vector<16xi32>
      %mul3A_1554 = arith.muli %iota3A, %mul3A_1553 : vector<16xi32>
      %add3A_1555 = arith.constant 4 : i32
      %add3A_1556 = vector.broadcast %add3A_1555 : i32 to vector<16xi32>
      %add3A_1557 = arith.addi %mul3A_1554, %add3A_1556 : vector<16xi32>
      %gather3A_1558 = tpu.vector_load_idx %arg12[%add3A_1523, %add3A_1557] : memref<80x17xf32, #tpu.memory_space<vmem>>[vector<16xi32>, vector<16xi32>], vector<16xf32>,
      %mul3A_1559 = arith.constant 0 : i32
      %mul3A_1560 = vector.broadcast %mul3A_1559 : i32 to vector<16xi32>
      %mul3A_1561 = arith.muli %iota3A, %mul3A_1560 : vector<16xi32>
      %add3A_1562 = arith.constant 5 : i32
      %add3A_1563 = vector.broadcast %add3A_1562 : i32 to vector<16xi32>
      %add3A_1564 = arith.addi %mul3A_1561, %add3A_1563 : vector<16xi32>
      %gather3A_1565 = tpu.vector_load_idx %arg12[%add3A_1523, %add3A_1564] : memref<80x17xf32, #tpu.memory_space<vmem>>[vector<16xi32>, vector<16xi32>], vector<16xf32>,
      %mul3A_1566 = arith.constant 0 : i32
      %mul3A_1567 = vector.broadcast %mul3A_1566 : i32 to vector<16xi32>
      %mul3A_1568 = arith.muli %iota3A, %mul3A_1567 : vector<16xi32>
      %add3A_1569 = arith.constant 6 : i32
      %add3A_1570 = vector.broadcast %add3A_1569 : i32 to vector<16xi32>
      %add3A_1571 = arith.addi %mul3A_1568, %add3A_1570 : vector<16xi32>
      %gather3A_1572 = tpu.vector_load_idx %arg12[%add3A_1523, %add3A_1571] : memref<80x17xf32, #tpu.memory_space<vmem>>[vector<16xi32>, vector<16xi32>], vector<16xf32>,
      %mul3A_1573 = arith.constant 0 : i32
      %mul3A_1574 = vector.broadcast %mul3A_1573 : i32 to vector<16xi32>
      %mul3A_1575 = arith.muli %iota3A, %mul3A_1574 : vector<16xi32>
      %add3A_1576 = arith.constant 7 : i32
      %add3A_1577 = vector.broadcast %add3A_1576 : i32 to vector<16xi32>
      %add3A_1578 = arith.addi %mul3A_1575, %add3A_1577 : vector<16xi32>
      %gather3A_1579 = tpu.vector_load_idx %arg12[%add3A_1523, %add3A_1578] : memref<80x17xf32, #tpu.memory_space<vmem>>[vector<16xi32>, vector<16xi32>], vector<16xf32>,
      %mul3A_1580 = arith.constant 0 : i32
      %mul3A_1581 = vector.broadcast %mul3A_1580 : i32 to vector<16xi32>
      %mul3A_1582 = arith.muli %iota3A, %mul3A_1581 : vector<16xi32>
      %add3A_1583 = arith.constant 8 : i32
      %add3A_1584 = vector.broadcast %add3A_1583 : i32 to vector<16xi32>
      %add3A_1585 = arith.addi %mul3A_1582, %add3A_1584 : vector<16xi32>
      %gather3A_1586 = tpu.vector_load_idx %arg12[%add3A_1523, %add3A_1585] : memref<80x17xf32, #tpu.memory_space<vmem>>[vector<16xi32>, vector<16xi32>], vector<16xf32>,
      %mul3A_1587 = arith.constant 0 : i32
      %mul3A_1588 = vector.broadcast %mul3A_1587 : i32 to vector<16xi32>
      %mul3A_1589 = arith.muli %iota3A, %mul3A_1588 : vector<16xi32>
      %add3A_1590 = arith.constant 9 : i32
      %add3A_1591 = vector.broadcast %add3A_1590 : i32 to vector<16xi32>
      %add3A_1592 = arith.addi %mul3A_1589, %add3A_1591 : vector<16xi32>
      %gather3A_1593 = tpu.vector_load_idx %arg12[%add3A_1523, %add3A_1592] : memref<80x17xf32, #tpu.memory_space<vmem>>[vector<16xi32>, vector<16xi32>], vector<16xf32>,
      %mul3A_1594 = arith.constant 0 : i32
      %mul3A_1595 = vector.broadcast %mul3A_1594 : i32 to vector<16xi32>
      %mul3A_1596 = arith.muli %iota3A, %mul3A_1595 : vector<16xi32>
      %add3A_1597 = arith.constant 10 : i32
      %add3A_1598 = vector.broadcast %add3A_1597 : i32 to vector<16xi32>
      %add3A_1599 = arith.addi %mul3A_1596, %add3A_1598 : vector<16xi32>
      %gather3A_1600 = tpu.vector_load_idx %arg12[%add3A_1523, %add3A_1599] : memref<80x17xf32, #tpu.memory_space<vmem>>[vector<16xi32>, vector<16xi32>], vector<16xf32>,
      %mul3A_1601 = arith.constant 0 : i32
      %mul3A_1602 = vector.broadcast %mul3A_1601 : i32 to vector<16xi32>
      %mul3A_1603 = arith.muli %iota3A, %mul3A_1602 : vector<16xi32>
      %add3A_1604 = arith.constant 11 : i32
      %add3A_1605 = vector.broadcast %add3A_1604 : i32 to vector<16xi32>
      %add3A_1606 = arith.addi %mul3A_1603, %add3A_1605 : vector<16xi32>
      %gather3A_1607 = tpu.vector_load_idx %arg12[%add3A_1523, %add3A_1606] : memref<80x17xf32, #tpu.memory_space<vmem>>[vector<16xi32>, vector<16xi32>], vector<16xf32>,
      %mul3A_1608 = arith.constant 0 : i32
      %mul3A_1609 = vector.broadcast %mul3A_1608 : i32 to vector<16xi32>
      %mul3A_1610 = arith.muli %iota3A, %mul3A_1609 : vector<16xi32>
      %add3A_1611 = arith.constant 12 : i32
      %add3A_1612 = vector.broadcast %add3A_1611 : i32 to vector<16xi32>
      %add3A_1613 = arith.addi %mul3A_1610, %add3A_1612 : vector<16xi32>
      %gather3A_1614 = tpu.vector_load_idx %arg12[%add3A_1523, %add3A_1613] : memref<80x17xf32, #tpu.memory_space<vmem>>[vector<16xi32>, vector<16xi32>], vector<16xf32>,
      %mul3A_1615 = arith.constant 0 : i32
      %mul3A_1616 = vector.broadcast %mul3A_1615 : i32 to vector<16xi32>
      %mul3A_1617 = arith.muli %iota3A, %mul3A_1616 : vector<16xi32>
      %add3A_1618 = arith.constant 13 : i32
      %add3A_1619 = vector.broadcast %add3A_1618 : i32 to vector<16xi32>
      %add3A_1620 = arith.addi %mul3A_1617, %add3A_1619 : vector<16xi32>
      %gather3A_1621 = tpu.vector_load_idx %arg12[%add3A_1523, %add3A_1620] : memref<80x17xf32, #tpu.memory_space<vmem>>[vector<16xi32>, vector<16xi32>], vector<16xf32>,
      %mul3A_1622 = arith.constant 0 : i32
      %mul3A_1623 = vector.broadcast %mul3A_1622 : i32 to vector<16xi32>
      %mul3A_1624 = arith.muli %iota3A, %mul3A_1623 : vector<16xi32>
      %add3A_1625 = arith.constant 14 : i32
      %add3A_1626 = vector.broadcast %add3A_1625 : i32 to vector<16xi32>
      %add3A_1627 = arith.addi %mul3A_1624, %add3A_1626 : vector<16xi32>
      %gather3A_1628 = tpu.vector_load_idx %arg12[%add3A_1523, %add3A_1627] : memref<80x17xf32, #tpu.memory_space<vmem>>[vector<16xi32>, vector<16xi32>], vector<16xf32>,
      %mul3A_1629 = arith.constant 0 : i32
      %mul3A_1630 = vector.broadcast %mul3A_1629 : i32 to vector<16xi32>
      %mul3A_1631 = arith.muli %iota3A, %mul3A_1630 : vector<16xi32>
      %add3A_1632 = arith.constant 15 : i32
      %add3A_1633 = vector.broadcast %add3A_1632 : i32 to vector<16xi32>
      %add3A_1634 = arith.addi %mul3A_1631, %add3A_1633 : vector<16xi32>
      %gather3A_1635 = tpu.vector_load_idx %arg12[%add3A_1523, %add3A_1634] : memref<80x17xf32, #tpu.memory_space<vmem>>[vector<16xi32>, vector<16xi32>], vector<16xf32>,
      %add3A_1636 = arith.addf %gather3A_1530, %gather3A_1537 : vector<16xf32>
      %add3A_1637 = arith.addf %gather3A_1544, %gather3A_1551 : vector<16xf32>
      %add3A_1638 = arith.addf %gather3A_1558, %gather3A_1565 : vector<16xf32>
      %add3A_1639 = arith.addf %gather3A_1572, %gather3A_1579 : vector<16xf32>
      %add3A_1640 = arith.addf %gather3A_1586, %gather3A_1593 : vector<16xf32>
      %add3A_1641 = arith.addf %gather3A_1600, %gather3A_1607 : vector<16xf32>
      %add3A_1642 = arith.addf %gather3A_1614, %gather3A_1621 : vector<16xf32>
      %add3A_1643 = arith.addf %gather3A_1628, %gather3A_1635 : vector<16xf32>
      %add3A_1644 = arith.addf %add3A_1636, %add3A_1637 : vector<16xf32>
      %add3A_1645 = arith.addf %add3A_1638, %add3A_1639 : vector<16xf32>
      %add3A_1646 = arith.addf %add3A_1640, %add3A_1641 : vector<16xf32>
      %add3A_1647 = arith.addf %add3A_1642, %add3A_1643 : vector<16xf32>
      %add3A_1648 = arith.addf %add3A_1644, %add3A_1645 : vector<16xf32>
      %add3A_1649 = arith.addf %add3A_1646, %add3A_1647 : vector<16xf32>
      %add3A_1650 = arith.addf %add3A_1648, %add3A_1649 : vector<16xf32>
      %neg3A_1651 = arith.constant 0.000000e+00 : f32
      %neg3A_1652 = vector.broadcast %neg3A_1651 : f32 to vector<16xf32>
      %neg3A_1653 = arith.subf %neg3A_1652, %add3A_1650 : vector<16xf32>
      %exp3A_1654 = math.exp %neg3A_1653 : vector<16xf32>
      %add3A_1655 = arith.constant 1.000000e+00 : f32
      %add3A_1656 = vector.broadcast %add3A_1655 : f32 to vector<16xf32>
      %add3A_1657 = arith.addf %add3A_1656, %exp3A_1654 : vector<16xf32>
      %div3A_1658 = arith.constant 1.000000e+00 : f32
      %div3A_1659 = vector.broadcast %div3A_1658 : f32 to vector<16xf32>
      %div3A_1660 = arith.divf %div3A_1659, %add3A_1657 : vector<16xf32>
      %mul3A_1661 = arith.constant 80 : i32
      %mul3A_1662 = arith.muli %add3A_1495, %mul3A_1661 : i32
      %add3A_1663 = arith.constant 0 : i32
      %add3A_1664 = arith.addi %mul3A_1662, %add3A_1663 : i32
      %swap3A_1665 = arith.index_cast %add3A_1664 : i32 to index
      %swap3A_1666 = tpu.vector_load %arg7[%swap3A_1665] {strides = array<i32>} : memref<10000xf32, #tpu.memory_space<vmem>>, vector<16xf32>,
      tpu.vector_store %arg7[%swap3A_1665], %div3A_1660 {strides = array<i32>} : memref<10000xf32, #tpu.memory_space<vmem>>, vector<16xf32>,
      %add3A_1667 = arith.constant 16 : i32
      %add3A_1668 = vector.broadcast %add3A_1667 : i32 to vector<16xi32>
      %add3A_1669 = arith.addi %iota3A, %add3A_1668 : vector<16xi32>
      %mul3A_1670 = arith.constant 0 : i32
      %mul3A_1671 = vector.broadcast %mul3A_1670 : i32 to vector<16xi32>
      %mul3A_1672 = arith.muli %iota3A, %mul3A_1671 : vector<16xi32>
      %add3A_1673 = arith.constant 0 : i32
      %add3A_1674 = vector.broadcast %add3A_1673 : i32 to vector<16xi32>
      %add3A_1675 = arith.addi %mul3A_1672, %add3A_1674 : vector<16xi32>
      %gather3A_1676 = tpu.vector_load_idx %arg12[%add3A_1669, %add3A_1675] : memref<80x17xf32, #tpu.memory_space<vmem>>[vector<16xi32>, vector<16xi32>], vector<16xf32>,
      %mul3A_1677 = arith.constant 0 : i32
      %mul3A_1678 = vector.broadcast %mul3A_1677 : i32 to vector<16xi32>
      %mul3A_1679 = arith.muli %iota3A, %mul3A_1678 : vector<16xi32>
      %add3A_1680 = arith.constant 1 : i32
      %add3A_1681 = vector.broadcast %add3A_1680 : i32 to vector<16xi32>
      %add3A_1682 = arith.addi %mul3A_1679, %add3A_1681 : vector<16xi32>
      %gather3A_1683 = tpu.vector_load_idx %arg12[%add3A_1669, %add3A_1682] : memref<80x17xf32, #tpu.memory_space<vmem>>[vector<16xi32>, vector<16xi32>], vector<16xf32>,
      %mul3A_1684 = arith.constant 0 : i32
      %mul3A_1685 = vector.broadcast %mul3A_1684 : i32 to vector<16xi32>
      %mul3A_1686 = arith.muli %iota3A, %mul3A_1685 : vector<16xi32>
      %add3A_1687 = arith.constant 2 : i32
      %add3A_1688 = vector.broadcast %add3A_1687 : i32 to vector<16xi32>
      %add3A_1689 = arith.addi %mul3A_1686, %add3A_1688 : vector<16xi32>
      %gather3A_1690 = tpu.vector_load_idx %arg12[%add3A_1669, %add3A_1689] : memref<80x17xf32, #tpu.memory_space<vmem>>[vector<16xi32>, vector<16xi32>], vector<16xf32>,
      %mul3A_1691 = arith.constant 0 : i32
      %mul3A_1692 = vector.broadcast %mul3A_1691 : i32 to vector<16xi32>
      %mul3A_1693 = arith.muli %iota3A, %mul3A_1692 : vector<16xi32>
      %add3A_1694 = arith.constant 3 : i32
      %add3A_1695 = vector.broadcast %add3A_1694 : i32 to vector<16xi32>
      %add3A_1696 = arith.addi %mul3A_1693, %add3A_1695 : vector<16xi32>
      %gather3A_1697 = tpu.vector_load_idx %arg12[%add3A_1669, %add3A_1696] : memref<80x17xf32, #tpu.memory_space<vmem>>[vector<16xi32>, vector<16xi32>], vector<16xf32>,
      %mul3A_1698 = arith.constant 0 : i32
      %mul3A_1699 = vector.broadcast %mul3A_1698 : i32 to vector<16xi32>
      %mul3A_1700 = arith.muli %iota3A, %mul3A_1699 : vector<16xi32>
      %add3A_1701 = arith.constant 4 : i32
      %add3A_1702 = vector.broadcast %add3A_1701 : i32 to vector<16xi32>
      %add3A_1703 = arith.addi %mul3A_1700, %add3A_1702 : vector<16xi32>
      %gather3A_1704 = tpu.vector_load_idx %arg12[%add3A_1669, %add3A_1703] : memref<80x17xf32, #tpu.memory_space<vmem>>[vector<16xi32>, vector<16xi32>], vector<16xf32>,
      %mul3A_1705 = arith.constant 0 : i32
      %mul3A_1706 = vector.broadcast %mul3A_1705 : i32 to vector<16xi32>
      %mul3A_1707 = arith.muli %iota3A, %mul3A_1706 : vector<16xi32>
      %add3A_1708 = arith.constant 5 : i32
      %add3A_1709 = vector.broadcast %add3A_1708 : i32 to vector<16xi32>
      %add3A_1710 = arith.addi %mul3A_1707, %add3A_1709 : vector<16xi32>
      %gather3A_1711 = tpu.vector_load_idx %arg12[%add3A_1669, %add3A_1710] : memref<80x17xf32, #tpu.memory_space<vmem>>[vector<16xi32>, vector<16xi32>], vector<16xf32>,
      %mul3A_1712 = arith.constant 0 : i32
      %mul3A_1713 = vector.broadcast %mul3A_1712 : i32 to vector<16xi32>
      %mul3A_1714 = arith.muli %iota3A, %mul3A_1713 : vector<16xi32>
      %add3A_1715 = arith.constant 6 : i32
      %add3A_1716 = vector.broadcast %add3A_1715 : i32 to vector<16xi32>
      %add3A_1717 = arith.addi %mul3A_1714, %add3A_1716 : vector<16xi32>
      %gather3A_1718 = tpu.vector_load_idx %arg12[%add3A_1669, %add3A_1717] : memref<80x17xf32, #tpu.memory_space<vmem>>[vector<16xi32>, vector<16xi32>], vector<16xf32>,
      %mul3A_1719 = arith.constant 0 : i32
      %mul3A_1720 = vector.broadcast %mul3A_1719 : i32 to vector<16xi32>
      %mul3A_1721 = arith.muli %iota3A, %mul3A_1720 : vector<16xi32>
      %add3A_1722 = arith.constant 7 : i32
      %add3A_1723 = vector.broadcast %add3A_1722 : i32 to vector<16xi32>
      %add3A_1724 = arith.addi %mul3A_1721, %add3A_1723 : vector<16xi32>
      %gather3A_1725 = tpu.vector_load_idx %arg12[%add3A_1669, %add3A_1724] : memref<80x17xf32, #tpu.memory_space<vmem>>[vector<16xi32>, vector<16xi32>], vector<16xf32>,
      %mul3A_1726 = arith.constant 0 : i32
      %mul3A_1727 = vector.broadcast %mul3A_1726 : i32 to vector<16xi32>
      %mul3A_1728 = arith.muli %iota3A, %mul3A_1727 : vector<16xi32>
      %add3A_1729 = arith.constant 8 : i32
      %add3A_1730 = vector.broadcast %add3A_1729 : i32 to vector<16xi32>
      %add3A_1731 = arith.addi %mul3A_1728, %add3A_1730 : vector<16xi32>
      %gather3A_1732 = tpu.vector_load_idx %arg12[%add3A_1669, %add3A_1731] : memref<80x17xf32, #tpu.memory_space<vmem>>[vector<16xi32>, vector<16xi32>], vector<16xf32>,
      %mul3A_1733 = arith.constant 0 : i32
      %mul3A_1734 = vector.broadcast %mul3A_1733 : i32 to vector<16xi32>
      %mul3A_1735 = arith.muli %iota3A, %mul3A_1734 : vector<16xi32>
      %add3A_1736 = arith.constant 9 : i32
      %add3A_1737 = vector.broadcast %add3A_1736 : i32 to vector<16xi32>
      %add3A_1738 = arith.addi %mul3A_1735, %add3A_1737 : vector<16xi32>
      %gather3A_1739 = tpu.vector_load_idx %arg12[%add3A_1669, %add3A_1738] : memref<80x17xf32, #tpu.memory_space<vmem>>[vector<16xi32>, vector<16xi32>], vector<16xf32>,
      %mul3A_1740 = arith.constant 0 : i32
      %mul3A_1741 = vector.broadcast %mul3A_1740 : i32 to vector<16xi32>
      %mul3A_1742 = arith.muli %iota3A, %mul3A_1741 : vector<16xi32>
      %add3A_1743 = arith.constant 10 : i32
      %add3A_1744 = vector.broadcast %add3A_1743 : i32 to vector<16xi32>
      %add3A_1745 = arith.addi %mul3A_1742, %add3A_1744 : vector<16xi32>
      %gather3A_1746 = tpu.vector_load_idx %arg12[%add3A_1669, %add3A_1745] : memref<80x17xf32, #tpu.memory_space<vmem>>[vector<16xi32>, vector<16xi32>], vector<16xf32>,
      %mul3A_1747 = arith.constant 0 : i32
      %mul3A_1748 = vector.broadcast %mul3A_1747 : i32 to vector<16xi32>
      %mul3A_1749 = arith.muli %iota3A, %mul3A_1748 : vector<16xi32>
      %add3A_1750 = arith.constant 11 : i32
      %add3A_1751 = vector.broadcast %add3A_1750 : i32 to vector<16xi32>
      %add3A_1752 = arith.addi %mul3A_1749, %add3A_1751 : vector<16xi32>
      %gather3A_1753 = tpu.vector_load_idx %arg12[%add3A_1669, %add3A_1752] : memref<80x17xf32, #tpu.memory_space<vmem>>[vector<16xi32>, vector<16xi32>], vector<16xf32>,
      %mul3A_1754 = arith.constant 0 : i32
      %mul3A_1755 = vector.broadcast %mul3A_1754 : i32 to vector<16xi32>
      %mul3A_1756 = arith.muli %iota3A, %mul3A_1755 : vector<16xi32>
      %add3A_1757 = arith.constant 12 : i32
      %add3A_1758 = vector.broadcast %add3A_1757 : i32 to vector<16xi32>
      %add3A_1759 = arith.addi %mul3A_1756, %add3A_1758 : vector<16xi32>
      %gather3A_1760 = tpu.vector_load_idx %arg12[%add3A_1669, %add3A_1759] : memref<80x17xf32, #tpu.memory_space<vmem>>[vector<16xi32>, vector<16xi32>], vector<16xf32>,
      %mul3A_1761 = arith.constant 0 : i32
      %mul3A_1762 = vector.broadcast %mul3A_1761 : i32 to vector<16xi32>
      %mul3A_1763 = arith.muli %iota3A, %mul3A_1762 : vector<16xi32>
      %add3A_1764 = arith.constant 13 : i32
      %add3A_1765 = vector.broadcast %add3A_1764 : i32 to vector<16xi32>
      %add3A_1766 = arith.addi %mul3A_1763, %add3A_1765 : vector<16xi32>
      %gather3A_1767 = tpu.vector_load_idx %arg12[%add3A_1669, %add3A_1766] : memref<80x17xf32, #tpu.memory_space<vmem>>[vector<16xi32>, vector<16xi32>], vector<16xf32>,
      %mul3A_1768 = arith.constant 0 : i32
      %mul3A_1769 = vector.broadcast %mul3A_1768 : i32 to vector<16xi32>
      %mul3A_1770 = arith.muli %iota3A, %mul3A_1769 : vector<16xi32>
      %add3A_1771 = arith.constant 14 : i32
      %add3A_1772 = vector.broadcast %add3A_1771 : i32 to vector<16xi32>
      %add3A_1773 = arith.addi %mul3A_1770, %add3A_1772 : vector<16xi32>
      %gather3A_1774 = tpu.vector_load_idx %arg12[%add3A_1669, %add3A_1773] : memref<80x17xf32, #tpu.memory_space<vmem>>[vector<16xi32>, vector<16xi32>], vector<16xf32>,
      %mul3A_1775 = arith.constant 0 : i32
      %mul3A_1776 = vector.broadcast %mul3A_1775 : i32 to vector<16xi32>
      %mul3A_1777 = arith.muli %iota3A, %mul3A_1776 : vector<16xi32>
      %add3A_1778 = arith.constant 15 : i32
      %add3A_1779 = vector.broadcast %add3A_1778 : i32 to vector<16xi32>
      %add3A_1780 = arith.addi %mul3A_1777, %add3A_1779 : vector<16xi32>
      %gather3A_1781 = tpu.vector_load_idx %arg12[%add3A_1669, %add3A_1780] : memref<80x17xf32, #tpu.memory_space<vmem>>[vector<16xi32>, vector<16xi32>], vector<16xf32>,
      %add3A_1782 = arith.addf %gather3A_1676, %gather3A_1683 : vector<16xf32>
      %add3A_1783 = arith.addf %gather3A_1690, %gather3A_1697 : vector<16xf32>
      %add3A_1784 = arith.addf %gather3A_1704, %gather3A_1711 : vector<16xf32>
      %add3A_1785 = arith.addf %gather3A_1718, %gather3A_1725 : vector<16xf32>
      %add3A_1786 = arith.addf %gather3A_1732, %gather3A_1739 : vector<16xf32>
      %add3A_1787 = arith.addf %gather3A_1746, %gather3A_1753 : vector<16xf32>
      %add3A_1788 = arith.addf %gather3A_1760, %gather3A_1767 : vector<16xf32>
      %add3A_1789 = arith.addf %gather3A_1774, %gather3A_1781 : vector<16xf32>
      %add3A_1790 = arith.addf %add3A_1782, %add3A_1783 : vector<16xf32>
      %add3A_1791 = arith.addf %add3A_1784, %add3A_1785 : vector<16xf32>
      %add3A_1792 = arith.addf %add3A_1786, %add3A_1787 : vector<16xf32>
      %add3A_1793 = arith.addf %add3A_1788, %add3A_1789 : vector<16xf32>
      %add3A_1794 = arith.addf %add3A_1790, %add3A_1791 : vector<16xf32>
      %add3A_1795 = arith.addf %add3A_1792, %add3A_1793 : vector<16xf32>
      %add3A_1796 = arith.addf %add3A_1794, %add3A_1795 : vector<16xf32>
      %neg3A_1797 = arith.constant 0.000000e+00 : f32
      %neg3A_1798 = vector.broadcast %neg3A_1797 : f32 to vector<16xf32>
      %neg3A_1799 = arith.subf %neg3A_1798, %add3A_1796 : vector<16xf32>
      %exp3A_1800 = math.exp %neg3A_1799 : vector<16xf32>
      %add3A_1801 = arith.constant 1.000000e+00 : f32
      %add3A_1802 = vector.broadcast %add3A_1801 : f32 to vector<16xf32>
      %add3A_1803 = arith.addf %add3A_1802, %exp3A_1800 : vector<16xf32>
      %div3A_1804 = arith.constant 1.000000e+00 : f32
      %div3A_1805 = vector.broadcast %div3A_1804 : f32 to vector<16xf32>
      %div3A_1806 = arith.divf %div3A_1805, %add3A_1803 : vector<16xf32>
      %mul3A_1807 = arith.constant 80 : i32
      %mul3A_1808 = arith.muli %add3A_1495, %mul3A_1807 : i32
      %add3A_1809 = arith.constant 16 : i32
      %add3A_1810 = arith.addi %mul3A_1808, %add3A_1809 : i32
      %swap3A_1811 = arith.index_cast %add3A_1810 : i32 to index
      %swap3A_1812 = tpu.vector_load %arg7[%swap3A_1811] {strides = array<i32>} : memref<10000xf32, #tpu.memory_space<vmem>>, vector<16xf32>,
      tpu.vector_store %arg7[%swap3A_1811], %div3A_1806 {strides = array<i32>} : memref<10000xf32, #tpu.memory_space<vmem>>, vector<16xf32>,
      %add3A_1813 = arith.constant 32 : i32
      %add3A_1814 = vector.broadcast %add3A_1813 : i32 to vector<16xi32>
      %add3A_1815 = arith.addi %iota3A, %add3A_1814 : vector<16xi32>
      %mul3A_1816 = arith.constant 0 : i32
      %mul3A_1817 = vector.broadcast %mul3A_1816 : i32 to vector<16xi32>
      %mul3A_1818 = arith.muli %iota3A, %mul3A_1817 : vector<16xi32>
      %add3A_1819 = arith.constant 0 : i32
      %add3A_1820 = vector.broadcast %add3A_1819 : i32 to vector<16xi32>
      %add3A_1821 = arith.addi %mul3A_1818, %add3A_1820 : vector<16xi32>
      %gather3A_1822 = tpu.vector_load_idx %arg12[%add3A_1815, %add3A_1821] : memref<80x17xf32, #tpu.memory_space<vmem>>[vector<16xi32>, vector<16xi32>], vector<16xf32>,
      %mul3A_1823 = arith.constant 0 : i32
      %mul3A_1824 = vector.broadcast %mul3A_1823 : i32 to vector<16xi32>
      %mul3A_1825 = arith.muli %iota3A, %mul3A_1824 : vector<16xi32>
      %add3A_1826 = arith.constant 1 : i32
      %add3A_1827 = vector.broadcast %add3A_1826 : i32 to vector<16xi32>
      %add3A_1828 = arith.addi %mul3A_1825, %add3A_1827 : vector<16xi32>
      %gather3A_1829 = tpu.vector_load_idx %arg12[%add3A_1815, %add3A_1828] : memref<80x17xf32, #tpu.memory_space<vmem>>[vector<16xi32>, vector<16xi32>], vector<16xf32>,
      %mul3A_1830 = arith.constant 0 : i32
      %mul3A_1831 = vector.broadcast %mul3A_1830 : i32 to vector<16xi32>
      %mul3A_1832 = arith.muli %iota3A, %mul3A_1831 : vector<16xi32>
      %add3A_1833 = arith.constant 2 : i32
      %add3A_1834 = vector.broadcast %add3A_1833 : i32 to vector<16xi32>
      %add3A_1835 = arith.addi %mul3A_1832, %add3A_1834 : vector<16xi32>
      %gather3A_1836 = tpu.vector_load_idx %arg12[%add3A_1815, %add3A_1835] : memref<80x17xf32, #tpu.memory_space<vmem>>[vector<16xi32>, vector<16xi32>], vector<16xf32>,
      %mul3A_1837 = arith.constant 0 : i32
      %mul3A_1838 = vector.broadcast %mul3A_1837 : i32 to vector<16xi32>
      %mul3A_1839 = arith.muli %iota3A, %mul3A_1838 : vector<16xi32>
      %add3A_1840 = arith.constant 3 : i32
      %add3A_1841 = vector.broadcast %add3A_1840 : i32 to vector<16xi32>
      %add3A_1842 = arith.addi %mul3A_1839, %add3A_1841 : vector<16xi32>
      %gather3A_1843 = tpu.vector_load_idx %arg12[%add3A_1815, %add3A_1842] : memref<80x17xf32, #tpu.memory_space<vmem>>[vector<16xi32>, vector<16xi32>], vector<16xf32>,
      %mul3A_1844 = arith.constant 0 : i32
      %mul3A_1845 = vector.broadcast %mul3A_1844 : i32 to vector<16xi32>
      %mul3A_1846 = arith.muli %iota3A, %mul3A_1845 : vector<16xi32>
      %add3A_1847 = arith.constant 4 : i32
      %add3A_1848 = vector.broadcast %add3A_1847 : i32 to vector<16xi32>
      %add3A_1849 = arith.addi %mul3A_1846, %add3A_1848 : vector<16xi32>
      %gather3A_1850 = tpu.vector_load_idx %arg12[%add3A_1815, %add3A_1849] : memref<80x17xf32, #tpu.memory_space<vmem>>[vector<16xi32>, vector<16xi32>], vector<16xf32>,
      %mul3A_1851 = arith.constant 0 : i32
      %mul3A_1852 = vector.broadcast %mul3A_1851 : i32 to vector<16xi32>
      %mul3A_1853 = arith.muli %iota3A, %mul3A_1852 : vector<16xi32>
      %add3A_1854 = arith.constant 5 : i32
      %add3A_1855 = vector.broadcast %add3A_1854 : i32 to vector<16xi32>
      %add3A_1856 = arith.addi %mul3A_1853, %add3A_1855 : vector<16xi32>
      %gather3A_1857 = tpu.vector_load_idx %arg12[%add3A_1815, %add3A_1856] : memref<80x17xf32, #tpu.memory_space<vmem>>[vector<16xi32>, vector<16xi32>], vector<16xf32>,
      %mul3A_1858 = arith.constant 0 : i32
      %mul3A_1859 = vector.broadcast %mul3A_1858 : i32 to vector<16xi32>
      %mul3A_1860 = arith.muli %iota3A, %mul3A_1859 : vector<16xi32>
      %add3A_1861 = arith.constant 6 : i32
      %add3A_1862 = vector.broadcast %add3A_1861 : i32 to vector<16xi32>
      %add3A_1863 = arith.addi %mul3A_1860, %add3A_1862 : vector<16xi32>
      %gather3A_1864 = tpu.vector_load_idx %arg12[%add3A_1815, %add3A_1863] : memref<80x17xf32, #tpu.memory_space<vmem>>[vector<16xi32>, vector<16xi32>], vector<16xf32>,
      %mul3A_1865 = arith.constant 0 : i32
      %mul3A_1866 = vector.broadcast %mul3A_1865 : i32 to vector<16xi32>
      %mul3A_1867 = arith.muli %iota3A, %mul3A_1866 : vector<16xi32>
      %add3A_1868 = arith.constant 7 : i32
      %add3A_1869 = vector.broadcast %add3A_1868 : i32 to vector<16xi32>
      %add3A_1870 = arith.addi %mul3A_1867, %add3A_1869 : vector<16xi32>
      %gather3A_1871 = tpu.vector_load_idx %arg12[%add3A_1815, %add3A_1870] : memref<80x17xf32, #tpu.memory_space<vmem>>[vector<16xi32>, vector<16xi32>], vector<16xf32>,
      %mul3A_1872 = arith.constant 0 : i32
      %mul3A_1873 = vector.broadcast %mul3A_1872 : i32 to vector<16xi32>
      %mul3A_1874 = arith.muli %iota3A, %mul3A_1873 : vector<16xi32>
      %add3A_1875 = arith.constant 8 : i32
      %add3A_1876 = vector.broadcast %add3A_1875 : i32 to vector<16xi32>
      %add3A_1877 = arith.addi %mul3A_1874, %add3A_1876 : vector<16xi32>
      %gather3A_1878 = tpu.vector_load_idx %arg12[%add3A_1815, %add3A_1877] : memref<80x17xf32, #tpu.memory_space<vmem>>[vector<16xi32>, vector<16xi32>], vector<16xf32>,
      %mul3A_1879 = arith.constant 0 : i32
      %mul3A_1880 = vector.broadcast %mul3A_1879 : i32 to vector<16xi32>
      %mul3A_1881 = arith.muli %iota3A, %mul3A_1880 : vector<16xi32>
      %add3A_1882 = arith.constant 9 : i32
      %add3A_1883 = vector.broadcast %add3A_1882 : i32 to vector<16xi32>
      %add3A_1884 = arith.addi %mul3A_1881, %add3A_1883 : vector<16xi32>
      %gather3A_1885 = tpu.vector_load_idx %arg12[%add3A_1815, %add3A_1884] : memref<80x17xf32, #tpu.memory_space<vmem>>[vector<16xi32>, vector<16xi32>], vector<16xf32>,
      %mul3A_1886 = arith.constant 0 : i32
      %mul3A_1887 = vector.broadcast %mul3A_1886 : i32 to vector<16xi32>
      %mul3A_1888 = arith.muli %iota3A, %mul3A_1887 : vector<16xi32>
      %add3A_1889 = arith.constant 10 : i32
      %add3A_1890 = vector.broadcast %add3A_1889 : i32 to vector<16xi32>
      %add3A_1891 = arith.addi %mul3A_1888, %add3A_1890 : vector<16xi32>
      %gather3A_1892 = tpu.vector_load_idx %arg12[%add3A_1815, %add3A_1891] : memref<80x17xf32, #tpu.memory_space<vmem>>[vector<16xi32>, vector<16xi32>], vector<16xf32>,
      %mul3A_1893 = arith.constant 0 : i32
      %mul3A_1894 = vector.broadcast %mul3A_1893 : i32 to vector<16xi32>
      %mul3A_1895 = arith.muli %iota3A, %mul3A_1894 : vector<16xi32>
      %add3A_1896 = arith.constant 11 : i32
      %add3A_1897 = vector.broadcast %add3A_1896 : i32 to vector<16xi32>
      %add3A_1898 = arith.addi %mul3A_1895, %add3A_1897 : vector<16xi32>
      %gather3A_1899 = tpu.vector_load_idx %arg12[%add3A_1815, %add3A_1898] : memref<80x17xf32, #tpu.memory_space<vmem>>[vector<16xi32>, vector<16xi32>], vector<16xf32>,
      %mul3A_1900 = arith.constant 0 : i32
      %mul3A_1901 = vector.broadcast %mul3A_1900 : i32 to vector<16xi32>
      %mul3A_1902 = arith.muli %iota3A, %mul3A_1901 : vector<16xi32>
      %add3A_1903 = arith.constant 12 : i32
      %add3A_1904 = vector.broadcast %add3A_1903 : i32 to vector<16xi32>
      %add3A_1905 = arith.addi %mul3A_1902, %add3A_1904 : vector<16xi32>
      %gather3A_1906 = tpu.vector_load_idx %arg12[%add3A_1815, %add3A_1905] : memref<80x17xf32, #tpu.memory_space<vmem>>[vector<16xi32>, vector<16xi32>], vector<16xf32>,
      %mul3A_1907 = arith.constant 0 : i32
      %mul3A_1908 = vector.broadcast %mul3A_1907 : i32 to vector<16xi32>
      %mul3A_1909 = arith.muli %iota3A, %mul3A_1908 : vector<16xi32>
      %add3A_1910 = arith.constant 13 : i32
      %add3A_1911 = vector.broadcast %add3A_1910 : i32 to vector<16xi32>
      %add3A_1912 = arith.addi %mul3A_1909, %add3A_1911 : vector<16xi32>
      %gather3A_1913 = tpu.vector_load_idx %arg12[%add3A_1815, %add3A_1912] : memref<80x17xf32, #tpu.memory_space<vmem>>[vector<16xi32>, vector<16xi32>], vector<16xf32>,
      %mul3A_1914 = arith.constant 0 : i32
      %mul3A_1915 = vector.broadcast %mul3A_1914 : i32 to vector<16xi32>
      %mul3A_1916 = arith.muli %iota3A, %mul3A_1915 : vector<16xi32>
      %add3A_1917 = arith.constant 14 : i32
      %add3A_1918 = vector.broadcast %add3A_1917 : i32 to vector<16xi32>
      %add3A_1919 = arith.addi %mul3A_1916, %add3A_1918 : vector<16xi32>
      %gather3A_1920 = tpu.vector_load_idx %arg12[%add3A_1815, %add3A_1919] : memref<80x17xf32, #tpu.memory_space<vmem>>[vector<16xi32>, vector<16xi32>], vector<16xf32>,
      %mul3A_1921 = arith.constant 0 : i32
      %mul3A_1922 = vector.broadcast %mul3A_1921 : i32 to vector<16xi32>
      %mul3A_1923 = arith.muli %iota3A, %mul3A_1922 : vector<16xi32>
      %add3A_1924 = arith.constant 15 : i32
      %add3A_1925 = vector.broadcast %add3A_1924 : i32 to vector<16xi32>
      %add3A_1926 = arith.addi %mul3A_1923, %add3A_1925 : vector<16xi32>
      %gather3A_1927 = tpu.vector_load_idx %arg12[%add3A_1815, %add3A_1926] : memref<80x17xf32, #tpu.memory_space<vmem>>[vector<16xi32>, vector<16xi32>], vector<16xf32>,
      %add3A_1928 = arith.addf %gather3A_1822, %gather3A_1829 : vector<16xf32>
      %add3A_1929 = arith.addf %gather3A_1836, %gather3A_1843 : vector<16xf32>
      %add3A_1930 = arith.addf %gather3A_1850, %gather3A_1857 : vector<16xf32>
      %add3A_1931 = arith.addf %gather3A_1864, %gather3A_1871 : vector<16xf32>
      %add3A_1932 = arith.addf %gather3A_1878, %gather3A_1885 : vector<16xf32>
      %add3A_1933 = arith.addf %gather3A_1892, %gather3A_1899 : vector<16xf32>
      %add3A_1934 = arith.addf %gather3A_1906, %gather3A_1913 : vector<16xf32>
      %add3A_1935 = arith.addf %gather3A_1920, %gather3A_1927 : vector<16xf32>
      %add3A_1936 = arith.addf %add3A_1928, %add3A_1929 : vector<16xf32>
      %add3A_1937 = arith.addf %add3A_1930, %add3A_1931 : vector<16xf32>
      %add3A_1938 = arith.addf %add3A_1932, %add3A_1933 : vector<16xf32>
      %add3A_1939 = arith.addf %add3A_1934, %add3A_1935 : vector<16xf32>
      %add3A_1940 = arith.addf %add3A_1936, %add3A_1937 : vector<16xf32>
      %add3A_1941 = arith.addf %add3A_1938, %add3A_1939 : vector<16xf32>
      %add3A_1942 = arith.addf %add3A_1940, %add3A_1941 : vector<16xf32>
      %neg3A_1943 = arith.constant 0.000000e+00 : f32
      %neg3A_1944 = vector.broadcast %neg3A_1943 : f32 to vector<16xf32>
      %neg3A_1945 = arith.subf %neg3A_1944, %add3A_1942 : vector<16xf32>
      %exp3A_1946 = math.exp %neg3A_1945 : vector<16xf32>
      %add3A_1947 = arith.constant 1.000000e+00 : f32
      %add3A_1948 = vector.broadcast %add3A_1947 : f32 to vector<16xf32>
      %add3A_1949 = arith.addf %add3A_1948, %exp3A_1946 : vector<16xf32>
      %div3A_1950 = arith.constant 1.000000e+00 : f32
      %div3A_1951 = vector.broadcast %div3A_1950 : f32 to vector<16xf32>
      %div3A_1952 = arith.divf %div3A_1951, %add3A_1949 : vector<16xf32>
      %mul3A_1953 = arith.constant 80 : i32
      %mul3A_1954 = arith.muli %add3A_1495, %mul3A_1953 : i32
      %add3A_1955 = arith.constant 32 : i32
      %add3A_1956 = arith.addi %mul3A_1954, %add3A_1955 : i32
      %swap3A_1957 = arith.index_cast %add3A_1956 : i32 to index
      %swap3A_1958 = tpu.vector_load %arg7[%swap3A_1957] {strides = array<i32>} : memref<10000xf32, #tpu.memory_space<vmem>>, vector<16xf32>,
      tpu.vector_store %arg7[%swap3A_1957], %div3A_1952 {strides = array<i32>} : memref<10000xf32, #tpu.memory_space<vmem>>, vector<16xf32>,
      %add3A_1959 = arith.constant 48 : i32
      %add3A_1960 = vector.broadcast %add3A_1959 : i32 to vector<16xi32>
      %add3A_1961 = arith.addi %iota3A, %add3A_1960 : vector<16xi32>
      %mul3A_1962 = arith.constant 0 : i32
      %mul3A_1963 = vector.broadcast %mul3A_1962 : i32 to vector<16xi32>
      %mul3A_1964 = arith.muli %iota3A, %mul3A_1963 : vector<16xi32>
      %add3A_1965 = arith.constant 0 : i32
      %add3A_1966 = vector.broadcast %add3A_1965 : i32 to vector<16xi32>
      %add3A_1967 = arith.addi %mul3A_1964, %add3A_1966 : vector<16xi32>
      %gather3A_1968 = tpu.vector_load_idx %arg12[%add3A_1961, %add3A_1967] : memref<80x17xf32, #tpu.memory_space<vmem>>[vector<16xi32>, vector<16xi32>], vector<16xf32>,
      %mul3A_1969 = arith.constant 0 : i32
      %mul3A_1970 = vector.broadcast %mul3A_1969 : i32 to vector<16xi32>
      %mul3A_1971 = arith.muli %iota3A, %mul3A_1970 : vector<16xi32>
      %add3A_1972 = arith.constant 1 : i32
      %add3A_1973 = vector.broadcast %add3A_1972 : i32 to vector<16xi32>
      %add3A_1974 = arith.addi %mul3A_1971, %add3A_1973 : vector<16xi32>
      %gather3A_1975 = tpu.vector_load_idx %arg12[%add3A_1961, %add3A_1974] : memref<80x17xf32, #tpu.memory_space<vmem>>[vector<16xi32>, vector<16xi32>], vector<16xf32>,
      %mul3A_1976 = arith.constant 0 : i32
      %mul3A_1977 = vector.broadcast %mul3A_1976 : i32 to vector<16xi32>
      %mul3A_1978 = arith.muli %iota3A, %mul3A_1977 : vector<16xi32>
      %add3A_1979 = arith.constant 2 : i32
      %add3A_1980 = vector.broadcast %add3A_1979 : i32 to vector<16xi32>
      %add3A_1981 = arith.addi %mul3A_1978, %add3A_1980 : vector<16xi32>
      %gather3A_1982 = tpu.vector_load_idx %arg12[%add3A_1961, %add3A_1981] : memref<80x17xf32, #tpu.memory_space<vmem>>[vector<16xi32>, vector<16xi32>], vector<16xf32>,
      %mul3A_1983 = arith.constant 0 : i32
      %mul3A_1984 = vector.broadcast %mul3A_1983 : i32 to vector<16xi32>
      %mul3A_1985 = arith.muli %iota3A, %mul3A_1984 : vector<16xi32>
      %add3A_1986 = arith.constant 3 : i32
      %add3A_1987 = vector.broadcast %add3A_1986 : i32 to vector<16xi32>
      %add3A_1988 = arith.addi %mul3A_1985, %add3A_1987 : vector<16xi32>
      %gather3A_1989 = tpu.vector_load_idx %arg12[%add3A_1961, %add3A_1988] : memref<80x17xf32, #tpu.memory_space<vmem>>[vector<16xi32>, vector<16xi32>], vector<16xf32>,
      %mul3A_1990 = arith.constant 0 : i32
      %mul3A_1991 = vector.broadcast %mul3A_1990 : i32 to vector<16xi32>
      %mul3A_1992 = arith.muli %iota3A, %mul3A_1991 : vector<16xi32>
      %add3A_1993 = arith.constant 4 : i32
      %add3A_1994 = vector.broadcast %add3A_1993 : i32 to vector<16xi32>
      %add3A_1995 = arith.addi %mul3A_1992, %add3A_1994 : vector<16xi32>
      %gather3A_1996 = tpu.vector_load_idx %arg12[%add3A_1961, %add3A_1995] : memref<80x17xf32, #tpu.memory_space<vmem>>[vector<16xi32>, vector<16xi32>], vector<16xf32>,
      %mul3A_1997 = arith.constant 0 : i32
      %mul3A_1998 = vector.broadcast %mul3A_1997 : i32 to vector<16xi32>
      %mul3A_1999 = arith.muli %iota3A, %mul3A_1998 : vector<16xi32>
      %add3A_2000 = arith.constant 5 : i32
      %add3A_2001 = vector.broadcast %add3A_2000 : i32 to vector<16xi32>
      %add3A_2002 = arith.addi %mul3A_1999, %add3A_2001 : vector<16xi32>
      %gather3A_2003 = tpu.vector_load_idx %arg12[%add3A_1961, %add3A_2002] : memref<80x17xf32, #tpu.memory_space<vmem>>[vector<16xi32>, vector<16xi32>], vector<16xf32>,
      %mul3A_2004 = arith.constant 0 : i32
      %mul3A_2005 = vector.broadcast %mul3A_2004 : i32 to vector<16xi32>
      %mul3A_2006 = arith.muli %iota3A, %mul3A_2005 : vector<16xi32>
      %add3A_2007 = arith.constant 6 : i32
      %add3A_2008 = vector.broadcast %add3A_2007 : i32 to vector<16xi32>
      %add3A_2009 = arith.addi %mul3A_2006, %add3A_2008 : vector<16xi32>
      %gather3A_2010 = tpu.vector_load_idx %arg12[%add3A_1961, %add3A_2009] : memref<80x17xf32, #tpu.memory_space<vmem>>[vector<16xi32>, vector<16xi32>], vector<16xf32>,
      %mul3A_2011 = arith.constant 0 : i32
      %mul3A_2012 = vector.broadcast %mul3A_2011 : i32 to vector<16xi32>
      %mul3A_2013 = arith.muli %iota3A, %mul3A_2012 : vector<16xi32>
      %add3A_2014 = arith.constant 7 : i32
      %add3A_2015 = vector.broadcast %add3A_2014 : i32 to vector<16xi32>
      %add3A_2016 = arith.addi %mul3A_2013, %add3A_2015 : vector<16xi32>
      %gather3A_2017 = tpu.vector_load_idx %arg12[%add3A_1961, %add3A_2016] : memref<80x17xf32, #tpu.memory_space<vmem>>[vector<16xi32>, vector<16xi32>], vector<16xf32>,
      %mul3A_2018 = arith.constant 0 : i32
      %mul3A_2019 = vector.broadcast %mul3A_2018 : i32 to vector<16xi32>
      %mul3A_2020 = arith.muli %iota3A, %mul3A_2019 : vector<16xi32>
      %add3A_2021 = arith.constant 8 : i32
      %add3A_2022 = vector.broadcast %add3A_2021 : i32 to vector<16xi32>
      %add3A_2023 = arith.addi %mul3A_2020, %add3A_2022 : vector<16xi32>
      %gather3A_2024 = tpu.vector_load_idx %arg12[%add3A_1961, %add3A_2023] : memref<80x17xf32, #tpu.memory_space<vmem>>[vector<16xi32>, vector<16xi32>], vector<16xf32>,
      %mul3A_2025 = arith.constant 0 : i32
      %mul3A_2026 = vector.broadcast %mul3A_2025 : i32 to vector<16xi32>
      %mul3A_2027 = arith.muli %iota3A, %mul3A_2026 : vector<16xi32>
      %add3A_2028 = arith.constant 9 : i32
      %add3A_2029 = vector.broadcast %add3A_2028 : i32 to vector<16xi32>
      %add3A_2030 = arith.addi %mul3A_2027, %add3A_2029 : vector<16xi32>
      %gather3A_2031 = tpu.vector_load_idx %arg12[%add3A_1961, %add3A_2030] : memref<80x17xf32, #tpu.memory_space<vmem>>[vector<16xi32>, vector<16xi32>], vector<16xf32>,
      %mul3A_2032 = arith.constant 0 : i32
      %mul3A_2033 = vector.broadcast %mul3A_2032 : i32 to vector<16xi32>
      %mul3A_2034 = arith.muli %iota3A, %mul3A_2033 : vector<16xi32>
      %add3A_2035 = arith.constant 10 : i32
      %add3A_2036 = vector.broadcast %add3A_2035 : i32 to vector<16xi32>
      %add3A_2037 = arith.addi %mul3A_2034, %add3A_2036 : vector<16xi32>
      %gather3A_2038 = tpu.vector_load_idx %arg12[%add3A_1961, %add3A_2037] : memref<80x17xf32, #tpu.memory_space<vmem>>[vector<16xi32>, vector<16xi32>], vector<16xf32>,
      %mul3A_2039 = arith.constant 0 : i32
      %mul3A_2040 = vector.broadcast %mul3A_2039 : i32 to vector<16xi32>
      %mul3A_2041 = arith.muli %iota3A, %mul3A_2040 : vector<16xi32>
      %add3A_2042 = arith.constant 11 : i32
      %add3A_2043 = vector.broadcast %add3A_2042 : i32 to vector<16xi32>
      %add3A_2044 = arith.addi %mul3A_2041, %add3A_2043 : vector<16xi32>
      %gather3A_2045 = tpu.vector_load_idx %arg12[%add3A_1961, %add3A_2044] : memref<80x17xf32, #tpu.memory_space<vmem>>[vector<16xi32>, vector<16xi32>], vector<16xf32>,
      %mul3A_2046 = arith.constant 0 : i32
      %mul3A_2047 = vector.broadcast %mul3A_2046 : i32 to vector<16xi32>
      %mul3A_2048 = arith.muli %iota3A, %mul3A_2047 : vector<16xi32>
      %add3A_2049 = arith.constant 12 : i32
      %add3A_2050 = vector.broadcast %add3A_2049 : i32 to vector<16xi32>
      %add3A_2051 = arith.addi %mul3A_2048, %add3A_2050 : vector<16xi32>
      %gather3A_2052 = tpu.vector_load_idx %arg12[%add3A_1961, %add3A_2051] : memref<80x17xf32, #tpu.memory_space<vmem>>[vector<16xi32>, vector<16xi32>], vector<16xf32>,
      %mul3A_2053 = arith.constant 0 : i32
      %mul3A_2054 = vector.broadcast %mul3A_2053 : i32 to vector<16xi32>
      %mul3A_2055 = arith.muli %iota3A, %mul3A_2054 : vector<16xi32>
      %add3A_2056 = arith.constant 13 : i32
      %add3A_2057 = vector.broadcast %add3A_2056 : i32 to vector<16xi32>
      %add3A_2058 = arith.addi %mul3A_2055, %add3A_2057 : vector<16xi32>
      %gather3A_2059 = tpu.vector_load_idx %arg12[%add3A_1961, %add3A_2058] : memref<80x17xf32, #tpu.memory_space<vmem>>[vector<16xi32>, vector<16xi32>], vector<16xf32>,
      %mul3A_2060 = arith.constant 0 : i32
      %mul3A_2061 = vector.broadcast %mul3A_2060 : i32 to vector<16xi32>
      %mul3A_2062 = arith.muli %iota3A, %mul3A_2061 : vector<16xi32>
      %add3A_2063 = arith.constant 14 : i32
      %add3A_2064 = vector.broadcast %add3A_2063 : i32 to vector<16xi32>
      %add3A_2065 = arith.addi %mul3A_2062, %add3A_2064 : vector<16xi32>
      %gather3A_2066 = tpu.vector_load_idx %arg12[%add3A_1961, %add3A_2065] : memref<80x17xf32, #tpu.memory_space<vmem>>[vector<16xi32>, vector<16xi32>], vector<16xf32>,
      %mul3A_2067 = arith.constant 0 : i32
      %mul3A_2068 = vector.broadcast %mul3A_2067 : i32 to vector<16xi32>
      %mul3A_2069 = arith.muli %iota3A, %mul3A_2068 : vector<16xi32>
      %add3A_2070 = arith.constant 15 : i32
      %add3A_2071 = vector.broadcast %add3A_2070 : i32 to vector<16xi32>
      %add3A_2072 = arith.addi %mul3A_2069, %add3A_2071 : vector<16xi32>
      %gather3A_2073 = tpu.vector_load_idx %arg12[%add3A_1961, %add3A_2072] : memref<80x17xf32, #tpu.memory_space<vmem>>[vector<16xi32>, vector<16xi32>], vector<16xf32>,
      %add3A_2074 = arith.addf %gather3A_1968, %gather3A_1975 : vector<16xf32>
      %add3A_2075 = arith.addf %gather3A_1982, %gather3A_1989 : vector<16xf32>
      %add3A_2076 = arith.addf %gather3A_1996, %gather3A_2003 : vector<16xf32>
      %add3A_2077 = arith.addf %gather3A_2010, %gather3A_2017 : vector<16xf32>
      %add3A_2078 = arith.addf %gather3A_2024, %gather3A_2031 : vector<16xf32>
      %add3A_2079 = arith.addf %gather3A_2038, %gather3A_2045 : vector<16xf32>
      %add3A_2080 = arith.addf %gather3A_2052, %gather3A_2059 : vector<16xf32>
      %add3A_2081 = arith.addf %gather3A_2066, %gather3A_2073 : vector<16xf32>
      %add3A_2082 = arith.addf %add3A_2074, %add3A_2075 : vector<16xf32>
      %add3A_2083 = arith.addf %add3A_2076, %add3A_2077 : vector<16xf32>
      %add3A_2084 = arith.addf %add3A_2078, %add3A_2079 : vector<16xf32>
      %add3A_2085 = arith.addf %add3A_2080, %add3A_2081 : vector<16xf32>
      %add3A_2086 = arith.addf %add3A_2082, %add3A_2083 : vector<16xf32>
      %add3A_2087 = arith.addf %add3A_2084, %add3A_2085 : vector<16xf32>
      %add3A_2088 = arith.addf %add3A_2086, %add3A_2087 : vector<16xf32>
      %neg3A_2089 = arith.constant 0.000000e+00 : f32
      %neg3A_2090 = vector.broadcast %neg3A_2089 : f32 to vector<16xf32>
      %neg3A_2091 = arith.subf %neg3A_2090, %add3A_2088 : vector<16xf32>
      %exp3A_2092 = math.exp %neg3A_2091 : vector<16xf32>
      %add3A_2093 = arith.constant 1.000000e+00 : f32
      %add3A_2094 = vector.broadcast %add3A_2093 : f32 to vector<16xf32>
      %add3A_2095 = arith.addf %add3A_2094, %exp3A_2092 : vector<16xf32>
      %div3A_2096 = arith.constant 1.000000e+00 : f32
      %div3A_2097 = vector.broadcast %div3A_2096 : f32 to vector<16xf32>
      %div3A_2098 = arith.divf %div3A_2097, %add3A_2095 : vector<16xf32>
      %mul3A_2099 = arith.constant 80 : i32
      %mul3A_2100 = arith.muli %add3A_1495, %mul3A_2099 : i32
      %add3A_2101 = arith.constant 48 : i32
      %add3A_2102 = arith.addi %mul3A_2100, %add3A_2101 : i32
      %swap3A_2103 = arith.index_cast %add3A_2102 : i32 to index
      %swap3A_2104 = tpu.vector_load %arg7[%swap3A_2103] {strides = array<i32>} : memref<10000xf32, #tpu.memory_space<vmem>>, vector<16xf32>,
      tpu.vector_store %arg7[%swap3A_2103], %div3A_2098 {strides = array<i32>} : memref<10000xf32, #tpu.memory_space<vmem>>, vector<16xf32>,
      %add3A_2105 = arith.constant 64 : i32
      %add3A_2106 = vector.broadcast %add3A_2105 : i32 to vector<16xi32>
      %add3A_2107 = arith.addi %iota3A, %add3A_2106 : vector<16xi32>
      %mul3A_2108 = arith.constant 0 : i32
      %mul3A_2109 = vector.broadcast %mul3A_2108 : i32 to vector<16xi32>
      %mul3A_2110 = arith.muli %iota3A, %mul3A_2109 : vector<16xi32>
      %add3A_2111 = arith.constant 0 : i32
      %add3A_2112 = vector.broadcast %add3A_2111 : i32 to vector<16xi32>
      %add3A_2113 = arith.addi %mul3A_2110, %add3A_2112 : vector<16xi32>
      %gather3A_2114 = tpu.vector_load_idx %arg12[%add3A_2107, %add3A_2113] : memref<80x17xf32, #tpu.memory_space<vmem>>[vector<16xi32>, vector<16xi32>], vector<16xf32>,
      %mul3A_2115 = arith.constant 0 : i32
      %mul3A_2116 = vector.broadcast %mul3A_2115 : i32 to vector<16xi32>
      %mul3A_2117 = arith.muli %iota3A, %mul3A_2116 : vector<16xi32>
      %add3A_2118 = arith.constant 1 : i32
      %add3A_2119 = vector.broadcast %add3A_2118 : i32 to vector<16xi32>
      %add3A_2120 = arith.addi %mul3A_2117, %add3A_2119 : vector<16xi32>
      %gather3A_2121 = tpu.vector_load_idx %arg12[%add3A_2107, %add3A_2120] : memref<80x17xf32, #tpu.memory_space<vmem>>[vector<16xi32>, vector<16xi32>], vector<16xf32>,
      %mul3A_2122 = arith.constant 0 : i32
      %mul3A_2123 = vector.broadcast %mul3A_2122 : i32 to vector<16xi32>
      %mul3A_2124 = arith.muli %iota3A, %mul3A_2123 : vector<16xi32>
      %add3A_2125 = arith.constant 2 : i32
      %add3A_2126 = vector.broadcast %add3A_2125 : i32 to vector<16xi32>
      %add3A_2127 = arith.addi %mul3A_2124, %add3A_2126 : vector<16xi32>
      %gather3A_2128 = tpu.vector_load_idx %arg12[%add3A_2107, %add3A_2127] : memref<80x17xf32, #tpu.memory_space<vmem>>[vector<16xi32>, vector<16xi32>], vector<16xf32>,
      %mul3A_2129 = arith.constant 0 : i32
      %mul3A_2130 = vector.broadcast %mul3A_2129 : i32 to vector<16xi32>
      %mul3A_2131 = arith.muli %iota3A, %mul3A_2130 : vector<16xi32>
      %add3A_2132 = arith.constant 3 : i32
      %add3A_2133 = vector.broadcast %add3A_2132 : i32 to vector<16xi32>
      %add3A_2134 = arith.addi %mul3A_2131, %add3A_2133 : vector<16xi32>
      %gather3A_2135 = tpu.vector_load_idx %arg12[%add3A_2107, %add3A_2134] : memref<80x17xf32, #tpu.memory_space<vmem>>[vector<16xi32>, vector<16xi32>], vector<16xf32>,
      %mul3A_2136 = arith.constant 0 : i32
      %mul3A_2137 = vector.broadcast %mul3A_2136 : i32 to vector<16xi32>
      %mul3A_2138 = arith.muli %iota3A, %mul3A_2137 : vector<16xi32>
      %add3A_2139 = arith.constant 4 : i32
      %add3A_2140 = vector.broadcast %add3A_2139 : i32 to vector<16xi32>
      %add3A_2141 = arith.addi %mul3A_2138, %add3A_2140 : vector<16xi32>
      %gather3A_2142 = tpu.vector_load_idx %arg12[%add3A_2107, %add3A_2141] : memref<80x17xf32, #tpu.memory_space<vmem>>[vector<16xi32>, vector<16xi32>], vector<16xf32>,
      %mul3A_2143 = arith.constant 0 : i32
      %mul3A_2144 = vector.broadcast %mul3A_2143 : i32 to vector<16xi32>
      %mul3A_2145 = arith.muli %iota3A, %mul3A_2144 : vector<16xi32>
      %add3A_2146 = arith.constant 5 : i32
      %add3A_2147 = vector.broadcast %add3A_2146 : i32 to vector<16xi32>
      %add3A_2148 = arith.addi %mul3A_2145, %add3A_2147 : vector<16xi32>
      %gather3A_2149 = tpu.vector_load_idx %arg12[%add3A_2107, %add3A_2148] : memref<80x17xf32, #tpu.memory_space<vmem>>[vector<16xi32>, vector<16xi32>], vector<16xf32>,
      %mul3A_2150 = arith.constant 0 : i32
      %mul3A_2151 = vector.broadcast %mul3A_2150 : i32 to vector<16xi32>
      %mul3A_2152 = arith.muli %iota3A, %mul3A_2151 : vector<16xi32>
      %add3A_2153 = arith.constant 6 : i32
      %add3A_2154 = vector.broadcast %add3A_2153 : i32 to vector<16xi32>
      %add3A_2155 = arith.addi %mul3A_2152, %add3A_2154 : vector<16xi32>
      %gather3A_2156 = tpu.vector_load_idx %arg12[%add3A_2107, %add3A_2155] : memref<80x17xf32, #tpu.memory_space<vmem>>[vector<16xi32>, vector<16xi32>], vector<16xf32>,
      %mul3A_2157 = arith.constant 0 : i32
      %mul3A_2158 = vector.broadcast %mul3A_2157 : i32 to vector<16xi32>
      %mul3A_2159 = arith.muli %iota3A, %mul3A_2158 : vector<16xi32>
      %add3A_2160 = arith.constant 7 : i32
      %add3A_2161 = vector.broadcast %add3A_2160 : i32 to vector<16xi32>
      %add3A_2162 = arith.addi %mul3A_2159, %add3A_2161 : vector<16xi32>
      %gather3A_2163 = tpu.vector_load_idx %arg12[%add3A_2107, %add3A_2162] : memref<80x17xf32, #tpu.memory_space<vmem>>[vector<16xi32>, vector<16xi32>], vector<16xf32>,
      %mul3A_2164 = arith.constant 0 : i32
      %mul3A_2165 = vector.broadcast %mul3A_2164 : i32 to vector<16xi32>
      %mul3A_2166 = arith.muli %iota3A, %mul3A_2165 : vector<16xi32>
      %add3A_2167 = arith.constant 8 : i32
      %add3A_2168 = vector.broadcast %add3A_2167 : i32 to vector<16xi32>
      %add3A_2169 = arith.addi %mul3A_2166, %add3A_2168 : vector<16xi32>
      %gather3A_2170 = tpu.vector_load_idx %arg12[%add3A_2107, %add3A_2169] : memref<80x17xf32, #tpu.memory_space<vmem>>[vector<16xi32>, vector<16xi32>], vector<16xf32>,
      %mul3A_2171 = arith.constant 0 : i32
      %mul3A_2172 = vector.broadcast %mul3A_2171 : i32 to vector<16xi32>
      %mul3A_2173 = arith.muli %iota3A, %mul3A_2172 : vector<16xi32>
      %add3A_2174 = arith.constant 9 : i32
      %add3A_2175 = vector.broadcast %add3A_2174 : i32 to vector<16xi32>
      %add3A_2176 = arith.addi %mul3A_2173, %add3A_2175 : vector<16xi32>
      %gather3A_2177 = tpu.vector_load_idx %arg12[%add3A_2107, %add3A_2176] : memref<80x17xf32, #tpu.memory_space<vmem>>[vector<16xi32>, vector<16xi32>], vector<16xf32>,
      %mul3A_2178 = arith.constant 0 : i32
      %mul3A_2179 = vector.broadcast %mul3A_2178 : i32 to vector<16xi32>
      %mul3A_2180 = arith.muli %iota3A, %mul3A_2179 : vector<16xi32>
      %add3A_2181 = arith.constant 10 : i32
      %add3A_2182 = vector.broadcast %add3A_2181 : i32 to vector<16xi32>
      %add3A_2183 = arith.addi %mul3A_2180, %add3A_2182 : vector<16xi32>
      %gather3A_2184 = tpu.vector_load_idx %arg12[%add3A_2107, %add3A_2183] : memref<80x17xf32, #tpu.memory_space<vmem>>[vector<16xi32>, vector<16xi32>], vector<16xf32>,
      %mul3A_2185 = arith.constant 0 : i32
      %mul3A_2186 = vector.broadcast %mul3A_2185 : i32 to vector<16xi32>
      %mul3A_2187 = arith.muli %iota3A, %mul3A_2186 : vector<16xi32>
      %add3A_2188 = arith.constant 11 : i32
      %add3A_2189 = vector.broadcast %add3A_2188 : i32 to vector<16xi32>
      %add3A_2190 = arith.addi %mul3A_2187, %add3A_2189 : vector<16xi32>
      %gather3A_2191 = tpu.vector_load_idx %arg12[%add3A_2107, %add3A_2190] : memref<80x17xf32, #tpu.memory_space<vmem>>[vector<16xi32>, vector<16xi32>], vector<16xf32>,
      %mul3A_2192 = arith.constant 0 : i32
      %mul3A_2193 = vector.broadcast %mul3A_2192 : i32 to vector<16xi32>
      %mul3A_2194 = arith.muli %iota3A, %mul3A_2193 : vector<16xi32>
      %add3A_2195 = arith.constant 12 : i32
      %add3A_2196 = vector.broadcast %add3A_2195 : i32 to vector<16xi32>
      %add3A_2197 = arith.addi %mul3A_2194, %add3A_2196 : vector<16xi32>
      %gather3A_2198 = tpu.vector_load_idx %arg12[%add3A_2107, %add3A_2197] : memref<80x17xf32, #tpu.memory_space<vmem>>[vector<16xi32>, vector<16xi32>], vector<16xf32>,
      %mul3A_2199 = arith.constant 0 : i32
      %mul3A_2200 = vector.broadcast %mul3A_2199 : i32 to vector<16xi32>
      %mul3A_2201 = arith.muli %iota3A, %mul3A_2200 : vector<16xi32>
      %add3A_2202 = arith.constant 13 : i32
      %add3A_2203 = vector.broadcast %add3A_2202 : i32 to vector<16xi32>
      %add3A_2204 = arith.addi %mul3A_2201, %add3A_2203 : vector<16xi32>
      %gather3A_2205 = tpu.vector_load_idx %arg12[%add3A_2107, %add3A_2204] : memref<80x17xf32, #tpu.memory_space<vmem>>[vector<16xi32>, vector<16xi32>], vector<16xf32>,
      %mul3A_2206 = arith.constant 0 : i32
      %mul3A_2207 = vector.broadcast %mul3A_2206 : i32 to vector<16xi32>
      %mul3A_2208 = arith.muli %iota3A, %mul3A_2207 : vector<16xi32>
      %add3A_2209 = arith.constant 14 : i32
      %add3A_2210 = vector.broadcast %add3A_2209 : i32 to vector<16xi32>
      %add3A_2211 = arith.addi %mul3A_2208, %add3A_2210 : vector<16xi32>
      %gather3A_2212 = tpu.vector_load_idx %arg12[%add3A_2107, %add3A_2211] : memref<80x17xf32, #tpu.memory_space<vmem>>[vector<16xi32>, vector<16xi32>], vector<16xf32>,
      %mul3A_2213 = arith.constant 0 : i32
      %mul3A_2214 = vector.broadcast %mul3A_2213 : i32 to vector<16xi32>
      %mul3A_2215 = arith.muli %iota3A, %mul3A_2214 : vector<16xi32>
      %add3A_2216 = arith.constant 15 : i32
      %add3A_2217 = vector.broadcast %add3A_2216 : i32 to vector<16xi32>
      %add3A_2218 = arith.addi %mul3A_2215, %add3A_2217 : vector<16xi32>
      %gather3A_2219 = tpu.vector_load_idx %arg12[%add3A_2107, %add3A_2218] : memref<80x17xf32, #tpu.memory_space<vmem>>[vector<16xi32>, vector<16xi32>], vector<16xf32>,
      %add3A_2220 = arith.addf %gather3A_2114, %gather3A_2121 : vector<16xf32>
      %add3A_2221 = arith.addf %gather3A_2128, %gather3A_2135 : vector<16xf32>
      %add3A_2222 = arith.addf %gather3A_2142, %gather3A_2149 : vector<16xf32>
      %add3A_2223 = arith.addf %gather3A_2156, %gather3A_2163 : vector<16xf32>
      %add3A_2224 = arith.addf %gather3A_2170, %gather3A_2177 : vector<16xf32>
      %add3A_2225 = arith.addf %gather3A_2184, %gather3A_2191 : vector<16xf32>
      %add3A_2226 = arith.addf %gather3A_2198, %gather3A_2205 : vector<16xf32>
      %add3A_2227 = arith.addf %gather3A_2212, %gather3A_2219 : vector<16xf32>
      %add3A_2228 = arith.addf %add3A_2220, %add3A_2221 : vector<16xf32>
      %add3A_2229 = arith.addf %add3A_2222, %add3A_2223 : vector<16xf32>
      %add3A_2230 = arith.addf %add3A_2224, %add3A_2225 : vector<16xf32>
      %add3A_2231 = arith.addf %add3A_2226, %add3A_2227 : vector<16xf32>
      %add3A_2232 = arith.addf %add3A_2228, %add3A_2229 : vector<16xf32>
      %add3A_2233 = arith.addf %add3A_2230, %add3A_2231 : vector<16xf32>
      %add3A_2234 = arith.addf %add3A_2232, %add3A_2233 : vector<16xf32>
      %neg3A_2235 = arith.constant 0.000000e+00 : f32
      %neg3A_2236 = vector.broadcast %neg3A_2235 : f32 to vector<16xf32>
      %neg3A_2237 = arith.subf %neg3A_2236, %add3A_2234 : vector<16xf32>
      %exp3A_2238 = math.exp %neg3A_2237 : vector<16xf32>
      %add3A_2239 = arith.constant 1.000000e+00 : f32
      %add3A_2240 = vector.broadcast %add3A_2239 : f32 to vector<16xf32>
      %add3A_2241 = arith.addf %add3A_2240, %exp3A_2238 : vector<16xf32>
      %div3A_2242 = arith.constant 1.000000e+00 : f32
      %div3A_2243 = vector.broadcast %div3A_2242 : f32 to vector<16xf32>
      %div3A_2244 = arith.divf %div3A_2243, %add3A_2241 : vector<16xf32>
      %mul3A_2245 = arith.constant 80 : i32
      %mul3A_2246 = arith.muli %add3A_1495, %mul3A_2245 : i32
      %add3A_2247 = arith.constant 64 : i32
      %add3A_2248 = arith.addi %mul3A_2246, %add3A_2247 : i32
      %swap3A_2249 = arith.index_cast %add3A_2248 : i32 to index
      %swap3A_2250 = tpu.vector_load %arg7[%swap3A_2249] {strides = array<i32>} : memref<10000xf32, #tpu.memory_space<vmem>>, vector<16xf32>,
      tpu.vector_store %arg7[%swap3A_2249], %div3A_2244 {strides = array<i32>} : memref<10000xf32, #tpu.memory_space<vmem>>, vector<16xf32>,
    }
    %scan3A_17 = arith.constant 62 : i32
    %dma_wait3A = arith.constant 0 : i32
    %dma_wait3A_18 = tpu.memref_slice %arg5[%dma_wait3A] : memref<10000xi32, #tpu.memory_space<vmem>> -> memref<80xi32, #tpu.memory_space<vmem>>
    %dma_wait3A_19 = arith.constant 0 : i32
    %dma_wait3A_20 = arith.constant 0 : i32
    %dma_wait3A_21 = tpu.memref_slice %arg2[%dma_wait3A_19, %dma_wait3A_20] : memref<10000x64xf32, #tpu.memory_space<hbm>> -> memref<10000x64xf32, #tpu.memory_space<hbm>>
    tpu.wait_indirect_dma semaphore(%arg13 : memref<!tpu.dma_semaphore, #tpu.memory_space<semaphore_mem>>) src(%dma_wait3A_21 : memref<10000x64xf32, #tpu.memory_space<hbm>>) dst(%arg8 : memref<80x64xf32, #tpu.memory_space<vmem>>)
    %dma_wait3A_22 = arith.constant 0 : i32
    %dma_wait3A_23 = tpu.memref_slice %arg6[%dma_wait3A_22] : memref<10000xi32, #tpu.memory_space<vmem>> -> memref<80xi32, #tpu.memory_space<vmem>>
    %dma_wait3A_24 = arith.constant 0 : i32
    %dma_wait3A_25 = arith.constant 0 : i32
    %dma_wait3A_26 = tpu.memref_slice %arg2[%dma_wait3A_24, %dma_wait3A_25] : memref<10000x64xf32, #tpu.memory_space<hbm>> -> memref<10000x64xf32, #tpu.memory_space<hbm>>
    tpu.wait_indirect_dma semaphore(%arg13 : memref<!tpu.dma_semaphore, #tpu.memory_space<semaphore_mem>>) src(%dma_wait3A_26 : memref<10000x64xf32, #tpu.memory_space<hbm>>) dst(%arg10 : memref<80x64xf32, #tpu.memory_space<vmem>>)
    %parallel_loop3A = arith.constant 0 : i32
    %parallel_loop3A_27 = arith.constant 80 : i32
    %parallel_loop3A_28 = arith.constant 1 : i32
    scf.for %parallel_loop3A_734 = %parallel_loop3A to %parallel_loop3A_27 step %parallel_loop3A_28  : i32 {
      %parallel_loop3A_735 = arith.index_cast %parallel_loop3A_734 : i32 to index
      %parallel_loop3A_736 = arith.constant 0 : index
      %parallel_loop3A_737 = tpu.vector_load %arg8[%parallel_loop3A_735, %parallel_loop3A_736] {strides = array<i32>} : memref<80x64xf32, #tpu.memory_space<vmem>>, vector<16xf32>,
      %parallel_loop3A_738 = vector.bitcast %parallel_loop3A_737 : vector<16xf32> to vector<32xbf16>
      %parallel_loop3A_739 = arith.index_cast %parallel_loop3A_734 : i32 to index
      %parallel_loop3A_740 = arith.constant 0 : index
      %parallel_loop3A_741 = tpu.vector_load %arg10[%parallel_loop3A_739, %parallel_loop3A_740] {strides = array<i32>} : memref<80x64xf32, #tpu.memory_space<vmem>>, vector<16xf32>,
      %parallel_loop3A_742 = vector.bitcast %parallel_loop3A_741 : vector<16xf32> to vector<32xbf16>
      %parallel_loop3A_743 = arith.mulf %parallel_loop3A_738, %parallel_loop3A_742 : vector<32xbf16>
      %parallel_loop3A_744 = arith.index_cast %parallel_loop3A_734 : i32 to index
      %parallel_loop3A_745 = arith.constant 16 : index
      %parallel_loop3A_746 = tpu.vector_load %arg8[%parallel_loop3A_744, %parallel_loop3A_745] {strides = array<i32>} : memref<80x64xf32, #tpu.memory_space<vmem>>, vector<16xf32>,
      %parallel_loop3A_747 = vector.bitcast %parallel_loop3A_746 : vector<16xf32> to vector<32xbf16>
      %parallel_loop3A_748 = arith.index_cast %parallel_loop3A_734 : i32 to index
      %parallel_loop3A_749 = arith.constant 16 : index
      %parallel_loop3A_750 = tpu.vector_load %arg10[%parallel_loop3A_748, %parallel_loop3A_749] {strides = array<i32>} : memref<80x64xf32, #tpu.memory_space<vmem>>, vector<16xf32>,
      %parallel_loop3A_751 = vector.bitcast %parallel_loop3A_750 : vector<16xf32> to vector<32xbf16>
      %parallel_loop3A_752 = arith.mulf %parallel_loop3A_747, %parallel_loop3A_751 : vector<32xbf16>
      %parallel_loop3A_753 = arith.index_cast %parallel_loop3A_734 : i32 to index
      %parallel_loop3A_754 = arith.constant 32 : index
      %parallel_loop3A_755 = tpu.vector_load %arg8[%parallel_loop3A_753, %parallel_loop3A_754] {strides = array<i32>} : memref<80x64xf32, #tpu.memory_space<vmem>>, vector<16xf32>,
      %parallel_loop3A_756 = vector.bitcast %parallel_loop3A_755 : vector<16xf32> to vector<32xbf16>
      %parallel_loop3A_757 = arith.index_cast %parallel_loop3A_734 : i32 to index
      %parallel_loop3A_758 = arith.constant 32 : index
      %parallel_loop3A_759 = tpu.vector_load %arg10[%parallel_loop3A_757, %parallel_loop3A_758] {strides = array<i32>} : memref<80x64xf32, #tpu.memory_space<vmem>>, vector<16xf32>,
      %parallel_loop3A_760 = vector.bitcast %parallel_loop3A_759 : vector<16xf32> to vector<32xbf16>
      %parallel_loop3A_761 = arith.mulf %parallel_loop3A_756, %parallel_loop3A_760 : vector<32xbf16>
      %parallel_loop3A_762 = arith.index_cast %parallel_loop3A_734 : i32 to index
      %parallel_loop3A_763 = arith.constant 48 : index
      %parallel_loop3A_764 = tpu.vector_load %arg8[%parallel_loop3A_762, %parallel_loop3A_763] {strides = array<i32>} : memref<80x64xf32, #tpu.memory_space<vmem>>, vector<16xf32>,
      %parallel_loop3A_765 = vector.bitcast %parallel_loop3A_764 : vector<16xf32> to vector<32xbf16>
      %parallel_loop3A_766 = arith.index_cast %parallel_loop3A_734 : i32 to index
      %parallel_loop3A_767 = arith.constant 48 : index
      %parallel_loop3A_768 = tpu.vector_load %arg10[%parallel_loop3A_766, %parallel_loop3A_767] {strides = array<i32>} : memref<80x64xf32, #tpu.memory_space<vmem>>, vector<16xf32>,
      %parallel_loop3A_769 = vector.bitcast %parallel_loop3A_768 : vector<16xf32> to vector<32xbf16>
      %parallel_loop3A_770 = arith.mulf %parallel_loop3A_765, %parallel_loop3A_769 : vector<32xbf16>
      %parallel_loop3A_771 = arith.addf %parallel_loop3A_743, %parallel_loop3A_752 : vector<32xbf16>
      %parallel_loop3A_772 = arith.addf %parallel_loop3A_761, %parallel_loop3A_770 : vector<32xbf16>
      %parallel_loop3A_773 = arith.addf %parallel_loop3A_771, %parallel_loop3A_772 : vector<32xbf16>
      %parallel_loop3A_774 = tpu.unpack_subelements %parallel_loop3A_773, 0 {pack_format = #tpu.pack_format<interleaved>} : vector<32xbf16> -> vector<16xf32>
      %parallel_loop3A_775 = tpu.unpack_subelements %parallel_loop3A_773, 1 {pack_format = #tpu.pack_format<interleaved>} : vector<32xbf16> -> vector<16xf32>
      %parallel_loop3A_776 = arith.addf %parallel_loop3A_774, %parallel_loop3A_775 : vector<16xf32>
      %parallel_loop3A_777 = arith.index_cast %parallel_loop3A_734 : i32 to index
      %parallel_loop3A_778 = arith.constant 0 : index
      %parallel_loop3A_779 = tpu.vector_load %arg12[%parallel_loop3A_777, %parallel_loop3A_778] {strides = array<i32>} : memref<80x17xf32, #tpu.memory_space<vmem>>, vector<16xf32>,
      tpu.vector_store %arg12[%parallel_loop3A_777, %parallel_loop3A_778], %parallel_loop3A_776 {strides = array<i32>} : memref<80x17xf32, #tpu.memory_space<vmem>>, vector<16xf32>,
    } {sc.loop_unroll_factor = 4 : i64, sc.parallel_access}
    %add3A_29 = arith.constant 0 : i32
    %add3A_30 = vector.broadcast %add3A_29 : i32 to vector<16xi32>
    %add3A_31 = arith.addi %iota3A, %add3A_30 : vector<16xi32>
    %mul3A_32 = arith.constant 0 : i32
    %mul3A_33 = vector.broadcast %mul3A_32 : i32 to vector<16xi32>
    %mul3A_34 = arith.muli %iota3A, %mul3A_33 : vector<16xi32>
    %add3A_35 = arith.constant 0 : i32
    %add3A_36 = vector.broadcast %add3A_35 : i32 to vector<16xi32>
    %add3A_37 = arith.addi %mul3A_34, %add3A_36 : vector<16xi32>
    %gather3A = tpu.vector_load_idx %arg12[%add3A_31, %add3A_37] : memref<80x17xf32, #tpu.memory_space<vmem>>[vector<16xi32>, vector<16xi32>], vector<16xf32>,
    %mul3A_38 = arith.constant 0 : i32
    %mul3A_39 = vector.broadcast %mul3A_38 : i32 to vector<16xi32>
    %mul3A_40 = arith.muli %iota3A, %mul3A_39 : vector<16xi32>
    %add3A_41 = arith.constant 1 : i32
    %add3A_42 = vector.broadcast %add3A_41 : i32 to vector<16xi32>
    %add3A_43 = arith.addi %mul3A_40, %add3A_42 : vector<16xi32>
    %gather3A_44 = tpu.vector_load_idx %arg12[%add3A_31, %add3A_43] : memref<80x17xf32, #tpu.memory_space<vmem>>[vector<16xi32>, vector<16xi32>], vector<16xf32>,
    %mul3A_45 = arith.constant 0 : i32
    %mul3A_46 = vector.broadcast %mul3A_45 : i32 to vector<16xi32>
    %mul3A_47 = arith.muli %iota3A, %mul3A_46 : vector<16xi32>
    %add3A_48 = arith.constant 2 : i32
    %add3A_49 = vector.broadcast %add3A_48 : i32 to vector<16xi32>
    %add3A_50 = arith.addi %mul3A_47, %add3A_49 : vector<16xi32>
    %gather3A_51 = tpu.vector_load_idx %arg12[%add3A_31, %add3A_50] : memref<80x17xf32, #tpu.memory_space<vmem>>[vector<16xi32>, vector<16xi32>], vector<16xf32>,
    %mul3A_52 = arith.constant 0 : i32
    %mul3A_53 = vector.broadcast %mul3A_52 : i32 to vector<16xi32>
    %mul3A_54 = arith.muli %iota3A, %mul3A_53 : vector<16xi32>
    %add3A_55 = arith.constant 3 : i32
    %add3A_56 = vector.broadcast %add3A_55 : i32 to vector<16xi32>
    %add3A_57 = arith.addi %mul3A_54, %add3A_56 : vector<16xi32>
    %gather3A_58 = tpu.vector_load_idx %arg12[%add3A_31, %add3A_57] : memref<80x17xf32, #tpu.memory_space<vmem>>[vector<16xi32>, vector<16xi32>], vector<16xf32>,
    %mul3A_59 = arith.constant 0 : i32
    %mul3A_60 = vector.broadcast %mul3A_59 : i32 to vector<16xi32>
    %mul3A_61 = arith.muli %iota3A, %mul3A_60 : vector<16xi32>
    %add3A_62 = arith.constant 4 : i32
    %add3A_63 = vector.broadcast %add3A_62 : i32 to vector<16xi32>
    %add3A_64 = arith.addi %mul3A_61, %add3A_63 : vector<16xi32>
    %gather3A_65 = tpu.vector_load_idx %arg12[%add3A_31, %add3A_64] : memref<80x17xf32, #tpu.memory_space<vmem>>[vector<16xi32>, vector<16xi32>], vector<16xf32>,
    %mul3A_66 = arith.constant 0 : i32
    %mul3A_67 = vector.broadcast %mul3A_66 : i32 to vector<16xi32>
    %mul3A_68 = arith.muli %iota3A, %mul3A_67 : vector<16xi32>
    %add3A_69 = arith.constant 5 : i32
    %add3A_70 = vector.broadcast %add3A_69 : i32 to vector<16xi32>
    %add3A_71 = arith.addi %mul3A_68, %add3A_70 : vector<16xi32>
    %gather3A_72 = tpu.vector_load_idx %arg12[%add3A_31, %add3A_71] : memref<80x17xf32, #tpu.memory_space<vmem>>[vector<16xi32>, vector<16xi32>], vector<16xf32>,
    %mul3A_73 = arith.constant 0 : i32
    %mul3A_74 = vector.broadcast %mul3A_73 : i32 to vector<16xi32>
    %mul3A_75 = arith.muli %iota3A, %mul3A_74 : vector<16xi32>
    %add3A_76 = arith.constant 6 : i32
    %add3A_77 = vector.broadcast %add3A_76 : i32 to vector<16xi32>
    %add3A_78 = arith.addi %mul3A_75, %add3A_77 : vector<16xi32>
    %gather3A_79 = tpu.vector_load_idx %arg12[%add3A_31, %add3A_78] : memref<80x17xf32, #tpu.memory_space<vmem>>[vector<16xi32>, vector<16xi32>], vector<16xf32>,
    %mul3A_80 = arith.constant 0 : i32
    %mul3A_81 = vector.broadcast %mul3A_80 : i32 to vector<16xi32>
    %mul3A_82 = arith.muli %iota3A, %mul3A_81 : vector<16xi32>
    %add3A_83 = arith.constant 7 : i32
    %add3A_84 = vector.broadcast %add3A_83 : i32 to vector<16xi32>
    %add3A_85 = arith.addi %mul3A_82, %add3A_84 : vector<16xi32>
    %gather3A_86 = tpu.vector_load_idx %arg12[%add3A_31, %add3A_85] : memref<80x17xf32, #tpu.memory_space<vmem>>[vector<16xi32>, vector<16xi32>], vector<16xf32>,
    %mul3A_87 = arith.constant 0 : i32
    %mul3A_88 = vector.broadcast %mul3A_87 : i32 to vector<16xi32>
    %mul3A_89 = arith.muli %iota3A, %mul3A_88 : vector<16xi32>
    %add3A_90 = arith.constant 8 : i32
    %add3A_91 = vector.broadcast %add3A_90 : i32 to vector<16xi32>
    %add3A_92 = arith.addi %mul3A_89, %add3A_91 : vector<16xi32>
    %gather3A_93 = tpu.vector_load_idx %arg12[%add3A_31, %add3A_92] : memref<80x17xf32, #tpu.memory_space<vmem>>[vector<16xi32>, vector<16xi32>], vector<16xf32>,
    %mul3A_94 = arith.constant 0 : i32
    %mul3A_95 = vector.broadcast %mul3A_94 : i32 to vector<16xi32>
    %mul3A_96 = arith.muli %iota3A, %mul3A_95 : vector<16xi32>
    %add3A_97 = arith.constant 9 : i32
    %add3A_98 = vector.broadcast %add3A_97 : i32 to vector<16xi32>
    %add3A_99 = arith.addi %mul3A_96, %add3A_98 : vector<16xi32>
    %gather3A_100 = tpu.vector_load_idx %arg12[%add3A_31, %add3A_99] : memref<80x17xf32, #tpu.memory_space<vmem>>[vector<16xi32>, vector<16xi32>], vector<16xf32>,
    %mul3A_101 = arith.constant 0 : i32
    %mul3A_102 = vector.broadcast %mul3A_101 : i32 to vector<16xi32>
    %mul3A_103 = arith.muli %iota3A, %mul3A_102 : vector<16xi32>
    %add3A_104 = arith.constant 10 : i32
    %add3A_105 = vector.broadcast %add3A_104 : i32 to vector<16xi32>
    %add3A_106 = arith.addi %mul3A_103, %add3A_105 : vector<16xi32>
    %gather3A_107 = tpu.vector_load_idx %arg12[%add3A_31, %add3A_106] : memref<80x17xf32, #tpu.memory_space<vmem>>[vector<16xi32>, vector<16xi32>], vector<16xf32>,
    %mul3A_108 = arith.constant 0 : i32
    %mul3A_109 = vector.broadcast %mul3A_108 : i32 to vector<16xi32>
    %mul3A_110 = arith.muli %iota3A, %mul3A_109 : vector<16xi32>
    %add3A_111 = arith.constant 11 : i32
    %add3A_112 = vector.broadcast %add3A_111 : i32 to vector<16xi32>
    %add3A_113 = arith.addi %mul3A_110, %add3A_112 : vector<16xi32>
    %gather3A_114 = tpu.vector_load_idx %arg12[%add3A_31, %add3A_113] : memref<80x17xf32, #tpu.memory_space<vmem>>[vector<16xi32>, vector<16xi32>], vector<16xf32>,
    %mul3A_115 = arith.constant 0 : i32
    %mul3A_116 = vector.broadcast %mul3A_115 : i32 to vector<16xi32>
    %mul3A_117 = arith.muli %iota3A, %mul3A_116 : vector<16xi32>
    %add3A_118 = arith.constant 12 : i32
    %add3A_119 = vector.broadcast %add3A_118 : i32 to vector<16xi32>
    %add3A_120 = arith.addi %mul3A_117, %add3A_119 : vector<16xi32>
    %gather3A_121 = tpu.vector_load_idx %arg12[%add3A_31, %add3A_120] : memref<80x17xf32, #tpu.memory_space<vmem>>[vector<16xi32>, vector<16xi32>], vector<16xf32>,
    %mul3A_122 = arith.constant 0 : i32
    %mul3A_123 = vector.broadcast %mul3A_122 : i32 to vector<16xi32>
    %mul3A_124 = arith.muli %iota3A, %mul3A_123 : vector<16xi32>
    %add3A_125 = arith.constant 13 : i32
    %add3A_126 = vector.broadcast %add3A_125 : i32 to vector<16xi32>
    %add3A_127 = arith.addi %mul3A_124, %add3A_126 : vector<16xi32>
    %gather3A_128 = tpu.vector_load_idx %arg12[%add3A_31, %add3A_127] : memref<80x17xf32, #tpu.memory_space<vmem>>[vector<16xi32>, vector<16xi32>], vector<16xf32>,
    %mul3A_129 = arith.constant 0 : i32
    %mul3A_130 = vector.broadcast %mul3A_129 : i32 to vector<16xi32>
    %mul3A_131 = arith.muli %iota3A, %mul3A_130 : vector<16xi32>
    %add3A_132 = arith.constant 14 : i32
    %add3A_133 = vector.broadcast %add3A_132 : i32 to vector<16xi32>
    %add3A_134 = arith.addi %mul3A_131, %add3A_133 : vector<16xi32>
    %gather3A_135 = tpu.vector_load_idx %arg12[%add3A_31, %add3A_134] : memref<80x17xf32, #tpu.memory_space<vmem>>[vector<16xi32>, vector<16xi32>], vector<16xf32>,
    %mul3A_136 = arith.constant 0 : i32
    %mul3A_137 = vector.broadcast %mul3A_136 : i32 to vector<16xi32>
    %mul3A_138 = arith.muli %iota3A, %mul3A_137 : vector<16xi32>
    %add3A_139 = arith.constant 15 : i32
    %add3A_140 = vector.broadcast %add3A_139 : i32 to vector<16xi32>
    %add3A_141 = arith.addi %mul3A_138, %add3A_140 : vector<16xi32>
    %gather3A_142 = tpu.vector_load_idx %arg12[%add3A_31, %add3A_141] : memref<80x17xf32, #tpu.memory_space<vmem>>[vector<16xi32>, vector<16xi32>], vector<16xf32>,
    %add3A_143 = arith.addf %gather3A, %gather3A_44 : vector<16xf32>
    %add3A_144 = arith.addf %gather3A_51, %gather3A_58 : vector<16xf32>
    %add3A_145 = arith.addf %gather3A_65, %gather3A_72 : vector<16xf32>
    %add3A_146 = arith.addf %gather3A_79, %gather3A_86 : vector<16xf32>
    %add3A_147 = arith.addf %gather3A_93, %gather3A_100 : vector<16xf32>
    %add3A_148 = arith.addf %gather3A_107, %gather3A_114 : vector<16xf32>
    %add3A_149 = arith.addf %gather3A_121, %gather3A_128 : vector<16xf32>
    %add3A_150 = arith.addf %gather3A_135, %gather3A_142 : vector<16xf32>
    %add3A_151 = arith.addf %add3A_143, %add3A_144 : vector<16xf32>
    %add3A_152 = arith.addf %add3A_145, %add3A_146 : vector<16xf32>
    %add3A_153 = arith.addf %add3A_147, %add3A_148 : vector<16xf32>
    %add3A_154 = arith.addf %add3A_149, %add3A_150 : vector<16xf32>
    %add3A_155 = arith.addf %add3A_151, %add3A_152 : vector<16xf32>
    %add3A_156 = arith.addf %add3A_153, %add3A_154 : vector<16xf32>
    %add3A_157 = arith.addf %add3A_155, %add3A_156 : vector<16xf32>
    %neg3A = arith.constant 0.000000e+00 : f32
    %neg3A_158 = vector.broadcast %neg3A : f32 to vector<16xf32>
    %neg3A_159 = arith.subf %neg3A_158, %add3A_157 : vector<16xf32>
    %exp3A = math.exp %neg3A_159 : vector<16xf32>
    %add3A_160 = arith.constant 1.000000e+00 : f32
    %add3A_161 = vector.broadcast %add3A_160 : f32 to vector<16xf32>
    %add3A_162 = arith.addf %add3A_161, %exp3A : vector<16xf32>
    %div3A = arith.constant 1.000000e+00 : f32
    %div3A_163 = vector.broadcast %div3A : f32 to vector<16xf32>
    %div3A_164 = arith.divf %div3A_163, %add3A_162 : vector<16xf32>
    %swap3A = arith.constant 9920 : index
    %swap3A_165 = tpu.vector_load %arg7[%swap3A] {strides = array<i32>} : memref<10000xf32, #tpu.memory_space<vmem>>, vector<16xf32>,
    tpu.vector_store %arg7[%swap3A], %div3A_164 {strides = array<i32>} : memref<10000xf32, #tpu.memory_space<vmem>>, vector<16xf32>,
    %add3A_166 = arith.constant 16 : i32
    %add3A_167 = vector.broadcast %add3A_166 : i32 to vector<16xi32>
    %add3A_168 = arith.addi %iota3A, %add3A_167 : vector<16xi32>
    %mul3A_169 = arith.constant 0 : i32
    %mul3A_170 = vector.broadcast %mul3A_169 : i32 to vector<16xi32>
    %mul3A_171 = arith.muli %iota3A, %mul3A_170 : vector<16xi32>
    %add3A_172 = arith.constant 0 : i32
    %add3A_173 = vector.broadcast %add3A_172 : i32 to vector<16xi32>
    %add3A_174 = arith.addi %mul3A_171, %add3A_173 : vector<16xi32>
    %gather3A_175 = tpu.vector_load_idx %arg12[%add3A_168, %add3A_174] : memref<80x17xf32, #tpu.memory_space<vmem>>[vector<16xi32>, vector<16xi32>], vector<16xf32>,
    %mul3A_176 = arith.constant 0 : i32
    %mul3A_177 = vector.broadcast %mul3A_176 : i32 to vector<16xi32>
    %mul3A_178 = arith.muli %iota3A, %mul3A_177 : vector<16xi32>
    %add3A_179 = arith.constant 1 : i32
    %add3A_180 = vector.broadcast %add3A_179 : i32 to vector<16xi32>
    %add3A_181 = arith.addi %mul3A_178, %add3A_180 : vector<16xi32>
    %gather3A_182 = tpu.vector_load_idx %arg12[%add3A_168, %add3A_181] : memref<80x17xf32, #tpu.memory_space<vmem>>[vector<16xi32>, vector<16xi32>], vector<16xf32>,
    %mul3A_183 = arith.constant 0 : i32
    %mul3A_184 = vector.broadcast %mul3A_183 : i32 to vector<16xi32>
    %mul3A_185 = arith.muli %iota3A, %mul3A_184 : vector<16xi32>
    %add3A_186 = arith.constant 2 : i32
    %add3A_187 = vector.broadcast %add3A_186 : i32 to vector<16xi32>
    %add3A_188 = arith.addi %mul3A_185, %add3A_187 : vector<16xi32>
    %gather3A_189 = tpu.vector_load_idx %arg12[%add3A_168, %add3A_188] : memref<80x17xf32, #tpu.memory_space<vmem>>[vector<16xi32>, vector<16xi32>], vector<16xf32>,
    %mul3A_190 = arith.constant 0 : i32
    %mul3A_191 = vector.broadcast %mul3A_190 : i32 to vector<16xi32>
    %mul3A_192 = arith.muli %iota3A, %mul3A_191 : vector<16xi32>
    %add3A_193 = arith.constant 3 : i32
    %add3A_194 = vector.broadcast %add3A_193 : i32 to vector<16xi32>
    %add3A_195 = arith.addi %mul3A_192, %add3A_194 : vector<16xi32>
    %gather3A_196 = tpu.vector_load_idx %arg12[%add3A_168, %add3A_195] : memref<80x17xf32, #tpu.memory_space<vmem>>[vector<16xi32>, vector<16xi32>], vector<16xf32>,
    %mul3A_197 = arith.constant 0 : i32
    %mul3A_198 = vector.broadcast %mul3A_197 : i32 to vector<16xi32>
    %mul3A_199 = arith.muli %iota3A, %mul3A_198 : vector<16xi32>
    %add3A_200 = arith.constant 4 : i32
    %add3A_201 = vector.broadcast %add3A_200 : i32 to vector<16xi32>
    %add3A_202 = arith.addi %mul3A_199, %add3A_201 : vector<16xi32>
    %gather3A_203 = tpu.vector_load_idx %arg12[%add3A_168, %add3A_202] : memref<80x17xf32, #tpu.memory_space<vmem>>[vector<16xi32>, vector<16xi32>], vector<16xf32>,
    %mul3A_204 = arith.constant 0 : i32
    %mul3A_205 = vector.broadcast %mul3A_204 : i32 to vector<16xi32>
    %mul3A_206 = arith.muli %iota3A, %mul3A_205 : vector<16xi32>
    %add3A_207 = arith.constant 5 : i32
    %add3A_208 = vector.broadcast %add3A_207 : i32 to vector<16xi32>
    %add3A_209 = arith.addi %mul3A_206, %add3A_208 : vector<16xi32>
    %gather3A_210 = tpu.vector_load_idx %arg12[%add3A_168, %add3A_209] : memref<80x17xf32, #tpu.memory_space<vmem>>[vector<16xi32>, vector<16xi32>], vector<16xf32>,
    %mul3A_211 = arith.constant 0 : i32
    %mul3A_212 = vector.broadcast %mul3A_211 : i32 to vector<16xi32>
    %mul3A_213 = arith.muli %iota3A, %mul3A_212 : vector<16xi32>
    %add3A_214 = arith.constant 6 : i32
    %add3A_215 = vector.broadcast %add3A_214 : i32 to vector<16xi32>
    %add3A_216 = arith.addi %mul3A_213, %add3A_215 : vector<16xi32>
    %gather3A_217 = tpu.vector_load_idx %arg12[%add3A_168, %add3A_216] : memref<80x17xf32, #tpu.memory_space<vmem>>[vector<16xi32>, vector<16xi32>], vector<16xf32>,
    %mul3A_218 = arith.constant 0 : i32
    %mul3A_219 = vector.broadcast %mul3A_218 : i32 to vector<16xi32>
    %mul3A_220 = arith.muli %iota3A, %mul3A_219 : vector<16xi32>
    %add3A_221 = arith.constant 7 : i32
    %add3A_222 = vector.broadcast %add3A_221 : i32 to vector<16xi32>
    %add3A_223 = arith.addi %mul3A_220, %add3A_222 : vector<16xi32>
    %gather3A_224 = tpu.vector_load_idx %arg12[%add3A_168, %add3A_223] : memref<80x17xf32, #tpu.memory_space<vmem>>[vector<16xi32>, vector<16xi32>], vector<16xf32>,
    %mul3A_225 = arith.constant 0 : i32
    %mul3A_226 = vector.broadcast %mul3A_225 : i32 to vector<16xi32>
    %mul3A_227 = arith.muli %iota3A, %mul3A_226 : vector<16xi32>
    %add3A_228 = arith.constant 8 : i32
    %add3A_229 = vector.broadcast %add3A_228 : i32 to vector<16xi32>
    %add3A_230 = arith.addi %mul3A_227, %add3A_229 : vector<16xi32>
    %gather3A_231 = tpu.vector_load_idx %arg12[%add3A_168, %add3A_230] : memref<80x17xf32, #tpu.memory_space<vmem>>[vector<16xi32>, vector<16xi32>], vector<16xf32>,
    %mul3A_232 = arith.constant 0 : i32
    %mul3A_233 = vector.broadcast %mul3A_232 : i32 to vector<16xi32>
    %mul3A_234 = arith.muli %iota3A, %mul3A_233 : vector<16xi32>
    %add3A_235 = arith.constant 9 : i32
    %add3A_236 = vector.broadcast %add3A_235 : i32 to vector<16xi32>
    %add3A_237 = arith.addi %mul3A_234, %add3A_236 : vector<16xi32>
    %gather3A_238 = tpu.vector_load_idx %arg12[%add3A_168, %add3A_237] : memref<80x17xf32, #tpu.memory_space<vmem>>[vector<16xi32>, vector<16xi32>], vector<16xf32>,
    %mul3A_239 = arith.constant 0 : i32
    %mul3A_240 = vector.broadcast %mul3A_239 : i32 to vector<16xi32>
    %mul3A_241 = arith.muli %iota3A, %mul3A_240 : vector<16xi32>
    %add3A_242 = arith.constant 10 : i32
    %add3A_243 = vector.broadcast %add3A_242 : i32 to vector<16xi32>
    %add3A_244 = arith.addi %mul3A_241, %add3A_243 : vector<16xi32>
    %gather3A_245 = tpu.vector_load_idx %arg12[%add3A_168, %add3A_244] : memref<80x17xf32, #tpu.memory_space<vmem>>[vector<16xi32>, vector<16xi32>], vector<16xf32>,
    %mul3A_246 = arith.constant 0 : i32
    %mul3A_247 = vector.broadcast %mul3A_246 : i32 to vector<16xi32>
    %mul3A_248 = arith.muli %iota3A, %mul3A_247 : vector<16xi32>
    %add3A_249 = arith.constant 11 : i32
    %add3A_250 = vector.broadcast %add3A_249 : i32 to vector<16xi32>
    %add3A_251 = arith.addi %mul3A_248, %add3A_250 : vector<16xi32>
    %gather3A_252 = tpu.vector_load_idx %arg12[%add3A_168, %add3A_251] : memref<80x17xf32, #tpu.memory_space<vmem>>[vector<16xi32>, vector<16xi32>], vector<16xf32>,
    %mul3A_253 = arith.constant 0 : i32
    %mul3A_254 = vector.broadcast %mul3A_253 : i32 to vector<16xi32>
    %mul3A_255 = arith.muli %iota3A, %mul3A_254 : vector<16xi32>
    %add3A_256 = arith.constant 12 : i32
    %add3A_257 = vector.broadcast %add3A_256 : i32 to vector<16xi32>
    %add3A_258 = arith.addi %mul3A_255, %add3A_257 : vector<16xi32>
    %gather3A_259 = tpu.vector_load_idx %arg12[%add3A_168, %add3A_258] : memref<80x17xf32, #tpu.memory_space<vmem>>[vector<16xi32>, vector<16xi32>], vector<16xf32>,
    %mul3A_260 = arith.constant 0 : i32
    %mul3A_261 = vector.broadcast %mul3A_260 : i32 to vector<16xi32>
    %mul3A_262 = arith.muli %iota3A, %mul3A_261 : vector<16xi32>
    %add3A_263 = arith.constant 13 : i32
    %add3A_264 = vector.broadcast %add3A_263 : i32 to vector<16xi32>
    %add3A_265 = arith.addi %mul3A_262, %add3A_264 : vector<16xi32>
    %gather3A_266 = tpu.vector_load_idx %arg12[%add3A_168, %add3A_265] : memref<80x17xf32, #tpu.memory_space<vmem>>[vector<16xi32>, vector<16xi32>], vector<16xf32>,
    %mul3A_267 = arith.constant 0 : i32
    %mul3A_268 = vector.broadcast %mul3A_267 : i32 to vector<16xi32>
    %mul3A_269 = arith.muli %iota3A, %mul3A_268 : vector<16xi32>
    %add3A_270 = arith.constant 14 : i32
    %add3A_271 = vector.broadcast %add3A_270 : i32 to vector<16xi32>
    %add3A_272 = arith.addi %mul3A_269, %add3A_271 : vector<16xi32>
    %gather3A_273 = tpu.vector_load_idx %arg12[%add3A_168, %add3A_272] : memref<80x17xf32, #tpu.memory_space<vmem>>[vector<16xi32>, vector<16xi32>], vector<16xf32>,
    %mul3A_274 = arith.constant 0 : i32
    %mul3A_275 = vector.broadcast %mul3A_274 : i32 to vector<16xi32>
    %mul3A_276 = arith.muli %iota3A, %mul3A_275 : vector<16xi32>
    %add3A_277 = arith.constant 15 : i32
    %add3A_278 = vector.broadcast %add3A_277 : i32 to vector<16xi32>
    %add3A_279 = arith.addi %mul3A_276, %add3A_278 : vector<16xi32>
    %gather3A_280 = tpu.vector_load_idx %arg12[%add3A_168, %add3A_279] : memref<80x17xf32, #tpu.memory_space<vmem>>[vector<16xi32>, vector<16xi32>], vector<16xf32>,
    %add3A_281 = arith.addf %gather3A_175, %gather3A_182 : vector<16xf32>
    %add3A_282 = arith.addf %gather3A_189, %gather3A_196 : vector<16xf32>
    %add3A_283 = arith.addf %gather3A_203, %gather3A_210 : vector<16xf32>
    %add3A_284 = arith.addf %gather3A_217, %gather3A_224 : vector<16xf32>
    %add3A_285 = arith.addf %gather3A_231, %gather3A_238 : vector<16xf32>
    %add3A_286 = arith.addf %gather3A_245, %gather3A_252 : vector<16xf32>
    %add3A_287 = arith.addf %gather3A_259, %gather3A_266 : vector<16xf32>
    %add3A_288 = arith.addf %gather3A_273, %gather3A_280 : vector<16xf32>
    %add3A_289 = arith.addf %add3A_281, %add3A_282 : vector<16xf32>
    %add3A_290 = arith.addf %add3A_283, %add3A_284 : vector<16xf32>
    %add3A_291 = arith.addf %add3A_285, %add3A_286 : vector<16xf32>
    %add3A_292 = arith.addf %add3A_287, %add3A_288 : vector<16xf32>
    %add3A_293 = arith.addf %add3A_289, %add3A_290 : vector<16xf32>
    %add3A_294 = arith.addf %add3A_291, %add3A_292 : vector<16xf32>
    %add3A_295 = arith.addf %add3A_293, %add3A_294 : vector<16xf32>
    %neg3A_296 = arith.constant 0.000000e+00 : f32
    %neg3A_297 = vector.broadcast %neg3A_296 : f32 to vector<16xf32>
    %neg3A_298 = arith.subf %neg3A_297, %add3A_295 : vector<16xf32>
    %exp3A_299 = math.exp %neg3A_298 : vector<16xf32>
    %add3A_300 = arith.constant 1.000000e+00 : f32
    %add3A_301 = vector.broadcast %add3A_300 : f32 to vector<16xf32>
    %add3A_302 = arith.addf %add3A_301, %exp3A_299 : vector<16xf32>
    %div3A_303 = arith.constant 1.000000e+00 : f32
    %div3A_304 = vector.broadcast %div3A_303 : f32 to vector<16xf32>
    %div3A_305 = arith.divf %div3A_304, %add3A_302 : vector<16xf32>
    %swap3A_306 = arith.constant 9936 : index
    %swap3A_307 = tpu.vector_load %arg7[%swap3A_306] {strides = array<i32>} : memref<10000xf32, #tpu.memory_space<vmem>>, vector<16xf32>,
    tpu.vector_store %arg7[%swap3A_306], %div3A_305 {strides = array<i32>} : memref<10000xf32, #tpu.memory_space<vmem>>, vector<16xf32>,
    %add3A_308 = arith.constant 32 : i32
    %add3A_309 = vector.broadcast %add3A_308 : i32 to vector<16xi32>
    %add3A_310 = arith.addi %iota3A, %add3A_309 : vector<16xi32>
    %mul3A_311 = arith.constant 0 : i32
    %mul3A_312 = vector.broadcast %mul3A_311 : i32 to vector<16xi32>
    %mul3A_313 = arith.muli %iota3A, %mul3A_312 : vector<16xi32>
    %add3A_314 = arith.constant 0 : i32
    %add3A_315 = vector.broadcast %add3A_314 : i32 to vector<16xi32>
    %add3A_316 = arith.addi %mul3A_313, %add3A_315 : vector<16xi32>
    %gather3A_317 = tpu.vector_load_idx %arg12[%add3A_310, %add3A_316] : memref<80x17xf32, #tpu.memory_space<vmem>>[vector<16xi32>, vector<16xi32>], vector<16xf32>,
    %mul3A_318 = arith.constant 0 : i32
    %mul3A_319 = vector.broadcast %mul3A_318 : i32 to vector<16xi32>
    %mul3A_320 = arith.muli %iota3A, %mul3A_319 : vector<16xi32>
    %add3A_321 = arith.constant 1 : i32
    %add3A_322 = vector.broadcast %add3A_321 : i32 to vector<16xi32>
    %add3A_323 = arith.addi %mul3A_320, %add3A_322 : vector<16xi32>
    %gather3A_324 = tpu.vector_load_idx %arg12[%add3A_310, %add3A_323] : memref<80x17xf32, #tpu.memory_space<vmem>>[vector<16xi32>, vector<16xi32>], vector<16xf32>,
    %mul3A_325 = arith.constant 0 : i32
    %mul3A_326 = vector.broadcast %mul3A_325 : i32 to vector<16xi32>
    %mul3A_327 = arith.muli %iota3A, %mul3A_326 : vector<16xi32>
    %add3A_328 = arith.constant 2 : i32
    %add3A_329 = vector.broadcast %add3A_328 : i32 to vector<16xi32>
    %add3A_330 = arith.addi %mul3A_327, %add3A_329 : vector<16xi32>
    %gather3A_331 = tpu.vector_load_idx %arg12[%add3A_310, %add3A_330] : memref<80x17xf32, #tpu.memory_space<vmem>>[vector<16xi32>, vector<16xi32>], vector<16xf32>,
    %mul3A_332 = arith.constant 0 : i32
    %mul3A_333 = vector.broadcast %mul3A_332 : i32 to vector<16xi32>
    %mul3A_334 = arith.muli %iota3A, %mul3A_333 : vector<16xi32>
    %add3A_335 = arith.constant 3 : i32
    %add3A_336 = vector.broadcast %add3A_335 : i32 to vector<16xi32>
    %add3A_337 = arith.addi %mul3A_334, %add3A_336 : vector<16xi32>
    %gather3A_338 = tpu.vector_load_idx %arg12[%add3A_310, %add3A_337] : memref<80x17xf32, #tpu.memory_space<vmem>>[vector<16xi32>, vector<16xi32>], vector<16xf32>,
    %mul3A_339 = arith.constant 0 : i32
    %mul3A_340 = vector.broadcast %mul3A_339 : i32 to vector<16xi32>
    %mul3A_341 = arith.muli %iota3A, %mul3A_340 : vector<16xi32>
    %add3A_342 = arith.constant 4 : i32
    %add3A_343 = vector.broadcast %add3A_342 : i32 to vector<16xi32>
    %add3A_344 = arith.addi %mul3A_341, %add3A_343 : vector<16xi32>
    %gather3A_345 = tpu.vector_load_idx %arg12[%add3A_310, %add3A_344] : memref<80x17xf32, #tpu.memory_space<vmem>>[vector<16xi32>, vector<16xi32>], vector<16xf32>,
    %mul3A_346 = arith.constant 0 : i32
    %mul3A_347 = vector.broadcast %mul3A_346 : i32 to vector<16xi32>
    %mul3A_348 = arith.muli %iota3A, %mul3A_347 : vector<16xi32>
    %add3A_349 = arith.constant 5 : i32
    %add3A_350 = vector.broadcast %add3A_349 : i32 to vector<16xi32>
    %add3A_351 = arith.addi %mul3A_348, %add3A_350 : vector<16xi32>
    %gather3A_352 = tpu.vector_load_idx %arg12[%add3A_310, %add3A_351] : memref<80x17xf32, #tpu.memory_space<vmem>>[vector<16xi32>, vector<16xi32>], vector<16xf32>,
    %mul3A_353 = arith.constant 0 : i32
    %mul3A_354 = vector.broadcast %mul3A_353 : i32 to vector<16xi32>
    %mul3A_355 = arith.muli %iota3A, %mul3A_354 : vector<16xi32>
    %add3A_356 = arith.constant 6 : i32
    %add3A_357 = vector.broadcast %add3A_356 : i32 to vector<16xi32>
    %add3A_358 = arith.addi %mul3A_355, %add3A_357 : vector<16xi32>
    %gather3A_359 = tpu.vector_load_idx %arg12[%add3A_310, %add3A_358] : memref<80x17xf32, #tpu.memory_space<vmem>>[vector<16xi32>, vector<16xi32>], vector<16xf32>,
    %mul3A_360 = arith.constant 0 : i32
    %mul3A_361 = vector.broadcast %mul3A_360 : i32 to vector<16xi32>
    %mul3A_362 = arith.muli %iota3A, %mul3A_361 : vector<16xi32>
    %add3A_363 = arith.constant 7 : i32
    %add3A_364 = vector.broadcast %add3A_363 : i32 to vector<16xi32>
    %add3A_365 = arith.addi %mul3A_362, %add3A_364 : vector<16xi32>
    %gather3A_366 = tpu.vector_load_idx %arg12[%add3A_310, %add3A_365] : memref<80x17xf32, #tpu.memory_space<vmem>>[vector<16xi32>, vector<16xi32>], vector<16xf32>,
    %mul3A_367 = arith.constant 0 : i32
    %mul3A_368 = vector.broadcast %mul3A_367 : i32 to vector<16xi32>
    %mul3A_369 = arith.muli %iota3A, %mul3A_368 : vector<16xi32>
    %add3A_370 = arith.constant 8 : i32
    %add3A_371 = vector.broadcast %add3A_370 : i32 to vector<16xi32>
    %add3A_372 = arith.addi %mul3A_369, %add3A_371 : vector<16xi32>
    %gather3A_373 = tpu.vector_load_idx %arg12[%add3A_310, %add3A_372] : memref<80x17xf32, #tpu.memory_space<vmem>>[vector<16xi32>, vector<16xi32>], vector<16xf32>,
    %mul3A_374 = arith.constant 0 : i32
    %mul3A_375 = vector.broadcast %mul3A_374 : i32 to vector<16xi32>
    %mul3A_376 = arith.muli %iota3A, %mul3A_375 : vector<16xi32>
    %add3A_377 = arith.constant 9 : i32
    %add3A_378 = vector.broadcast %add3A_377 : i32 to vector<16xi32>
    %add3A_379 = arith.addi %mul3A_376, %add3A_378 : vector<16xi32>
    %gather3A_380 = tpu.vector_load_idx %arg12[%add3A_310, %add3A_379] : memref<80x17xf32, #tpu.memory_space<vmem>>[vector<16xi32>, vector<16xi32>], vector<16xf32>,
    %mul3A_381 = arith.constant 0 : i32
    %mul3A_382 = vector.broadcast %mul3A_381 : i32 to vector<16xi32>
    %mul3A_383 = arith.muli %iota3A, %mul3A_382 : vector<16xi32>
    %add3A_384 = arith.constant 10 : i32
    %add3A_385 = vector.broadcast %add3A_384 : i32 to vector<16xi32>
    %add3A_386 = arith.addi %mul3A_383, %add3A_385 : vector<16xi32>
    %gather3A_387 = tpu.vector_load_idx %arg12[%add3A_310, %add3A_386] : memref<80x17xf32, #tpu.memory_space<vmem>>[vector<16xi32>, vector<16xi32>], vector<16xf32>,
    %mul3A_388 = arith.constant 0 : i32
    %mul3A_389 = vector.broadcast %mul3A_388 : i32 to vector<16xi32>
    %mul3A_390 = arith.muli %iota3A, %mul3A_389 : vector<16xi32>
    %add3A_391 = arith.constant 11 : i32
    %add3A_392 = vector.broadcast %add3A_391 : i32 to vector<16xi32>
    %add3A_393 = arith.addi %mul3A_390, %add3A_392 : vector<16xi32>
    %gather3A_394 = tpu.vector_load_idx %arg12[%add3A_310, %add3A_393] : memref<80x17xf32, #tpu.memory_space<vmem>>[vector<16xi32>, vector<16xi32>], vector<16xf32>,
    %mul3A_395 = arith.constant 0 : i32
    %mul3A_396 = vector.broadcast %mul3A_395 : i32 to vector<16xi32>
    %mul3A_397 = arith.muli %iota3A, %mul3A_396 : vector<16xi32>
    %add3A_398 = arith.constant 12 : i32
    %add3A_399 = vector.broadcast %add3A_398 : i32 to vector<16xi32>
    %add3A_400 = arith.addi %mul3A_397, %add3A_399 : vector<16xi32>
    %gather3A_401 = tpu.vector_load_idx %arg12[%add3A_310, %add3A_400] : memref<80x17xf32, #tpu.memory_space<vmem>>[vector<16xi32>, vector<16xi32>], vector<16xf32>,
    %mul3A_402 = arith.constant 0 : i32
    %mul3A_403 = vector.broadcast %mul3A_402 : i32 to vector<16xi32>
    %mul3A_404 = arith.muli %iota3A, %mul3A_403 : vector<16xi32>
    %add3A_405 = arith.constant 13 : i32
    %add3A_406 = vector.broadcast %add3A_405 : i32 to vector<16xi32>
    %add3A_407 = arith.addi %mul3A_404, %add3A_406 : vector<16xi32>
    %gather3A_408 = tpu.vector_load_idx %arg12[%add3A_310, %add3A_407] : memref<80x17xf32, #tpu.memory_space<vmem>>[vector<16xi32>, vector<16xi32>], vector<16xf32>,
    %mul3A_409 = arith.constant 0 : i32
    %mul3A_410 = vector.broadcast %mul3A_409 : i32 to vector<16xi32>
    %mul3A_411 = arith.muli %iota3A, %mul3A_410 : vector<16xi32>
    %add3A_412 = arith.constant 14 : i32
    %add3A_413 = vector.broadcast %add3A_412 : i32 to vector<16xi32>
    %add3A_414 = arith.addi %mul3A_411, %add3A_413 : vector<16xi32>
    %gather3A_415 = tpu.vector_load_idx %arg12[%add3A_310, %add3A_414] : memref<80x17xf32, #tpu.memory_space<vmem>>[vector<16xi32>, vector<16xi32>], vector<16xf32>,
    %mul3A_416 = arith.constant 0 : i32
    %mul3A_417 = vector.broadcast %mul3A_416 : i32 to vector<16xi32>
    %mul3A_418 = arith.muli %iota3A, %mul3A_417 : vector<16xi32>
    %add3A_419 = arith.constant 15 : i32
    %add3A_420 = vector.broadcast %add3A_419 : i32 to vector<16xi32>
    %add3A_421 = arith.addi %mul3A_418, %add3A_420 : vector<16xi32>
    %gather3A_422 = tpu.vector_load_idx %arg12[%add3A_310, %add3A_421] : memref<80x17xf32, #tpu.memory_space<vmem>>[vector<16xi32>, vector<16xi32>], vector<16xf32>,
    %add3A_423 = arith.addf %gather3A_317, %gather3A_324 : vector<16xf32>
    %add3A_424 = arith.addf %gather3A_331, %gather3A_338 : vector<16xf32>
    %add3A_425 = arith.addf %gather3A_345, %gather3A_352 : vector<16xf32>
    %add3A_426 = arith.addf %gather3A_359, %gather3A_366 : vector<16xf32>
    %add3A_427 = arith.addf %gather3A_373, %gather3A_380 : vector<16xf32>
    %add3A_428 = arith.addf %gather3A_387, %gather3A_394 : vector<16xf32>
    %add3A_429 = arith.addf %gather3A_401, %gather3A_408 : vector<16xf32>
    %add3A_430 = arith.addf %gather3A_415, %gather3A_422 : vector<16xf32>
    %add3A_431 = arith.addf %add3A_423, %add3A_424 : vector<16xf32>
    %add3A_432 = arith.addf %add3A_425, %add3A_426 : vector<16xf32>
    %add3A_433 = arith.addf %add3A_427, %add3A_428 : vector<16xf32>
    %add3A_434 = arith.addf %add3A_429, %add3A_430 : vector<16xf32>
    %add3A_435 = arith.addf %add3A_431, %add3A_432 : vector<16xf32>
    %add3A_436 = arith.addf %add3A_433, %add3A_434 : vector<16xf32>
    %add3A_437 = arith.addf %add3A_435, %add3A_436 : vector<16xf32>
    %neg3A_438 = arith.constant 0.000000e+00 : f32
    %neg3A_439 = vector.broadcast %neg3A_438 : f32 to vector<16xf32>
    %neg3A_440 = arith.subf %neg3A_439, %add3A_437 : vector<16xf32>
    %exp3A_441 = math.exp %neg3A_440 : vector<16xf32>
    %add3A_442 = arith.constant 1.000000e+00 : f32
    %add3A_443 = vector.broadcast %add3A_442 : f32 to vector<16xf32>
    %add3A_444 = arith.addf %add3A_443, %exp3A_441 : vector<16xf32>
    %div3A_445 = arith.constant 1.000000e+00 : f32
    %div3A_446 = vector.broadcast %div3A_445 : f32 to vector<16xf32>
    %div3A_447 = arith.divf %div3A_446, %add3A_444 : vector<16xf32>
    %swap3A_448 = arith.constant 9952 : index
    %swap3A_449 = tpu.vector_load %arg7[%swap3A_448] {strides = array<i32>} : memref<10000xf32, #tpu.memory_space<vmem>>, vector<16xf32>,
    tpu.vector_store %arg7[%swap3A_448], %div3A_447 {strides = array<i32>} : memref<10000xf32, #tpu.memory_space<vmem>>, vector<16xf32>,
    %add3A_450 = arith.constant 48 : i32
    %add3A_451 = vector.broadcast %add3A_450 : i32 to vector<16xi32>
    %add3A_452 = arith.addi %iota3A, %add3A_451 : vector<16xi32>
    %mul3A_453 = arith.constant 0 : i32
    %mul3A_454 = vector.broadcast %mul3A_453 : i32 to vector<16xi32>
    %mul3A_455 = arith.muli %iota3A, %mul3A_454 : vector<16xi32>
    %add3A_456 = arith.constant 0 : i32
    %add3A_457 = vector.broadcast %add3A_456 : i32 to vector<16xi32>
    %add3A_458 = arith.addi %mul3A_455, %add3A_457 : vector<16xi32>
    %gather3A_459 = tpu.vector_load_idx %arg12[%add3A_452, %add3A_458] : memref<80x17xf32, #tpu.memory_space<vmem>>[vector<16xi32>, vector<16xi32>], vector<16xf32>,
    %mul3A_460 = arith.constant 0 : i32
    %mul3A_461 = vector.broadcast %mul3A_460 : i32 to vector<16xi32>
    %mul3A_462 = arith.muli %iota3A, %mul3A_461 : vector<16xi32>
    %add3A_463 = arith.constant 1 : i32
    %add3A_464 = vector.broadcast %add3A_463 : i32 to vector<16xi32>
    %add3A_465 = arith.addi %mul3A_462, %add3A_464 : vector<16xi32>
    %gather3A_466 = tpu.vector_load_idx %arg12[%add3A_452, %add3A_465] : memref<80x17xf32, #tpu.memory_space<vmem>>[vector<16xi32>, vector<16xi32>], vector<16xf32>,
    %mul3A_467 = arith.constant 0 : i32
    %mul3A_468 = vector.broadcast %mul3A_467 : i32 to vector<16xi32>
    %mul3A_469 = arith.muli %iota3A, %mul3A_468 : vector<16xi32>
    %add3A_470 = arith.constant 2 : i32
    %add3A_471 = vector.broadcast %add3A_470 : i32 to vector<16xi32>
    %add3A_472 = arith.addi %mul3A_469, %add3A_471 : vector<16xi32>
    %gather3A_473 = tpu.vector_load_idx %arg12[%add3A_452, %add3A_472] : memref<80x17xf32, #tpu.memory_space<vmem>>[vector<16xi32>, vector<16xi32>], vector<16xf32>,
    %mul3A_474 = arith.constant 0 : i32
    %mul3A_475 = vector.broadcast %mul3A_474 : i32 to vector<16xi32>
    %mul3A_476 = arith.muli %iota3A, %mul3A_475 : vector<16xi32>
    %add3A_477 = arith.constant 3 : i32
    %add3A_478 = vector.broadcast %add3A_477 : i32 to vector<16xi32>
    %add3A_479 = arith.addi %mul3A_476, %add3A_478 : vector<16xi32>
    %gather3A_480 = tpu.vector_load_idx %arg12[%add3A_452, %add3A_479] : memref<80x17xf32, #tpu.memory_space<vmem>>[vector<16xi32>, vector<16xi32>], vector<16xf32>,
    %mul3A_481 = arith.constant 0 : i32
    %mul3A_482 = vector.broadcast %mul3A_481 : i32 to vector<16xi32>
    %mul3A_483 = arith.muli %iota3A, %mul3A_482 : vector<16xi32>
    %add3A_484 = arith.constant 4 : i32
    %add3A_485 = vector.broadcast %add3A_484 : i32 to vector<16xi32>
    %add3A_486 = arith.addi %mul3A_483, %add3A_485 : vector<16xi32>
    %gather3A_487 = tpu.vector_load_idx %arg12[%add3A_452, %add3A_486] : memref<80x17xf32, #tpu.memory_space<vmem>>[vector<16xi32>, vector<16xi32>], vector<16xf32>,
    %mul3A_488 = arith.constant 0 : i32
    %mul3A_489 = vector.broadcast %mul3A_488 : i32 to vector<16xi32>
    %mul3A_490 = arith.muli %iota3A, %mul3A_489 : vector<16xi32>
    %add3A_491 = arith.constant 5 : i32
    %add3A_492 = vector.broadcast %add3A_491 : i32 to vector<16xi32>
    %add3A_493 = arith.addi %mul3A_490, %add3A_492 : vector<16xi32>
    %gather3A_494 = tpu.vector_load_idx %arg12[%add3A_452, %add3A_493] : memref<80x17xf32, #tpu.memory_space<vmem>>[vector<16xi32>, vector<16xi32>], vector<16xf32>,
    %mul3A_495 = arith.constant 0 : i32
    %mul3A_496 = vector.broadcast %mul3A_495 : i32 to vector<16xi32>
    %mul3A_497 = arith.muli %iota3A, %mul3A_496 : vector<16xi32>
    %add3A_498 = arith.constant 6 : i32
    %add3A_499 = vector.broadcast %add3A_498 : i32 to vector<16xi32>
    %add3A_500 = arith.addi %mul3A_497, %add3A_499 : vector<16xi32>
    %gather3A_501 = tpu.vector_load_idx %arg12[%add3A_452, %add3A_500] : memref<80x17xf32, #tpu.memory_space<vmem>>[vector<16xi32>, vector<16xi32>], vector<16xf32>,
    %mul3A_502 = arith.constant 0 : i32
    %mul3A_503 = vector.broadcast %mul3A_502 : i32 to vector<16xi32>
    %mul3A_504 = arith.muli %iota3A, %mul3A_503 : vector<16xi32>
    %add3A_505 = arith.constant 7 : i32
    %add3A_506 = vector.broadcast %add3A_505 : i32 to vector<16xi32>
    %add3A_507 = arith.addi %mul3A_504, %add3A_506 : vector<16xi32>
    %gather3A_508 = tpu.vector_load_idx %arg12[%add3A_452, %add3A_507] : memref<80x17xf32, #tpu.memory_space<vmem>>[vector<16xi32>, vector<16xi32>], vector<16xf32>,
    %mul3A_509 = arith.constant 0 : i32
    %mul3A_510 = vector.broadcast %mul3A_509 : i32 to vector<16xi32>
    %mul3A_511 = arith.muli %iota3A, %mul3A_510 : vector<16xi32>
    %add3A_512 = arith.constant 8 : i32
    %add3A_513 = vector.broadcast %add3A_512 : i32 to vector<16xi32>
    %add3A_514 = arith.addi %mul3A_511, %add3A_513 : vector<16xi32>
    %gather3A_515 = tpu.vector_load_idx %arg12[%add3A_452, %add3A_514] : memref<80x17xf32, #tpu.memory_space<vmem>>[vector<16xi32>, vector<16xi32>], vector<16xf32>,
    %mul3A_516 = arith.constant 0 : i32
    %mul3A_517 = vector.broadcast %mul3A_516 : i32 to vector<16xi32>
    %mul3A_518 = arith.muli %iota3A, %mul3A_517 : vector<16xi32>
    %add3A_519 = arith.constant 9 : i32
    %add3A_520 = vector.broadcast %add3A_519 : i32 to vector<16xi32>
    %add3A_521 = arith.addi %mul3A_518, %add3A_520 : vector<16xi32>
    %gather3A_522 = tpu.vector_load_idx %arg12[%add3A_452, %add3A_521] : memref<80x17xf32, #tpu.memory_space<vmem>>[vector<16xi32>, vector<16xi32>], vector<16xf32>,
    %mul3A_523 = arith.constant 0 : i32
    %mul3A_524 = vector.broadcast %mul3A_523 : i32 to vector<16xi32>
    %mul3A_525 = arith.muli %iota3A, %mul3A_524 : vector<16xi32>
    %add3A_526 = arith.constant 10 : i32
    %add3A_527 = vector.broadcast %add3A_526 : i32 to vector<16xi32>
    %add3A_528 = arith.addi %mul3A_525, %add3A_527 : vector<16xi32>
    %gather3A_529 = tpu.vector_load_idx %arg12[%add3A_452, %add3A_528] : memref<80x17xf32, #tpu.memory_space<vmem>>[vector<16xi32>, vector<16xi32>], vector<16xf32>,
    %mul3A_530 = arith.constant 0 : i32
    %mul3A_531 = vector.broadcast %mul3A_530 : i32 to vector<16xi32>
    %mul3A_532 = arith.muli %iota3A, %mul3A_531 : vector<16xi32>
    %add3A_533 = arith.constant 11 : i32
    %add3A_534 = vector.broadcast %add3A_533 : i32 to vector<16xi32>
    %add3A_535 = arith.addi %mul3A_532, %add3A_534 : vector<16xi32>
    %gather3A_536 = tpu.vector_load_idx %arg12[%add3A_452, %add3A_535] : memref<80x17xf32, #tpu.memory_space<vmem>>[vector<16xi32>, vector<16xi32>], vector<16xf32>,
    %mul3A_537 = arith.constant 0 : i32
    %mul3A_538 = vector.broadcast %mul3A_537 : i32 to vector<16xi32>
    %mul3A_539 = arith.muli %iota3A, %mul3A_538 : vector<16xi32>
    %add3A_540 = arith.constant 12 : i32
    %add3A_541 = vector.broadcast %add3A_540 : i32 to vector<16xi32>
    %add3A_542 = arith.addi %mul3A_539, %add3A_541 : vector<16xi32>
    %gather3A_543 = tpu.vector_load_idx %arg12[%add3A_452, %add3A_542] : memref<80x17xf32, #tpu.memory_space<vmem>>[vector<16xi32>, vector<16xi32>], vector<16xf32>,
    %mul3A_544 = arith.constant 0 : i32
    %mul3A_545 = vector.broadcast %mul3A_544 : i32 to vector<16xi32>
    %mul3A_546 = arith.muli %iota3A, %mul3A_545 : vector<16xi32>
    %add3A_547 = arith.constant 13 : i32
    %add3A_548 = vector.broadcast %add3A_547 : i32 to vector<16xi32>
    %add3A_549 = arith.addi %mul3A_546, %add3A_548 : vector<16xi32>
    %gather3A_550 = tpu.vector_load_idx %arg12[%add3A_452, %add3A_549] : memref<80x17xf32, #tpu.memory_space<vmem>>[vector<16xi32>, vector<16xi32>], vector<16xf32>,
    %mul3A_551 = arith.constant 0 : i32
    %mul3A_552 = vector.broadcast %mul3A_551 : i32 to vector<16xi32>
    %mul3A_553 = arith.muli %iota3A, %mul3A_552 : vector<16xi32>
    %add3A_554 = arith.constant 14 : i32
    %add3A_555 = vector.broadcast %add3A_554 : i32 to vector<16xi32>
    %add3A_556 = arith.addi %mul3A_553, %add3A_555 : vector<16xi32>
    %gather3A_557 = tpu.vector_load_idx %arg12[%add3A_452, %add3A_556] : memref<80x17xf32, #tpu.memory_space<vmem>>[vector<16xi32>, vector<16xi32>], vector<16xf32>,
    %mul3A_558 = arith.constant 0 : i32
    %mul3A_559 = vector.broadcast %mul3A_558 : i32 to vector<16xi32>
    %mul3A_560 = arith.muli %iota3A, %mul3A_559 : vector<16xi32>
    %add3A_561 = arith.constant 15 : i32
    %add3A_562 = vector.broadcast %add3A_561 : i32 to vector<16xi32>
    %add3A_563 = arith.addi %mul3A_560, %add3A_562 : vector<16xi32>
    %gather3A_564 = tpu.vector_load_idx %arg12[%add3A_452, %add3A_563] : memref<80x17xf32, #tpu.memory_space<vmem>>[vector<16xi32>, vector<16xi32>], vector<16xf32>,
    %add3A_565 = arith.addf %gather3A_459, %gather3A_466 : vector<16xf32>
    %add3A_566 = arith.addf %gather3A_473, %gather3A_480 : vector<16xf32>
    %add3A_567 = arith.addf %gather3A_487, %gather3A_494 : vector<16xf32>
    %add3A_568 = arith.addf %gather3A_501, %gather3A_508 : vector<16xf32>
    %add3A_569 = arith.addf %gather3A_515, %gather3A_522 : vector<16xf32>
    %add3A_570 = arith.addf %gather3A_529, %gather3A_536 : vector<16xf32>
    %add3A_571 = arith.addf %gather3A_543, %gather3A_550 : vector<16xf32>
    %add3A_572 = arith.addf %gather3A_557, %gather3A_564 : vector<16xf32>
    %add3A_573 = arith.addf %add3A_565, %add3A_566 : vector<16xf32>
    %add3A_574 = arith.addf %add3A_567, %add3A_568 : vector<16xf32>
    %add3A_575 = arith.addf %add3A_569, %add3A_570 : vector<16xf32>
    %add3A_576 = arith.addf %add3A_571, %add3A_572 : vector<16xf32>
    %add3A_577 = arith.addf %add3A_573, %add3A_574 : vector<16xf32>
    %add3A_578 = arith.addf %add3A_575, %add3A_576 : vector<16xf32>
    %add3A_579 = arith.addf %add3A_577, %add3A_578 : vector<16xf32>
    %neg3A_580 = arith.constant 0.000000e+00 : f32
    %neg3A_581 = vector.broadcast %neg3A_580 : f32 to vector<16xf32>
    %neg3A_582 = arith.subf %neg3A_581, %add3A_579 : vector<16xf32>
    %exp3A_583 = math.exp %neg3A_582 : vector<16xf32>
    %add3A_584 = arith.constant 1.000000e+00 : f32
    %add3A_585 = vector.broadcast %add3A_584 : f32 to vector<16xf32>
    %add3A_586 = arith.addf %add3A_585, %exp3A_583 : vector<16xf32>
    %div3A_587 = arith.constant 1.000000e+00 : f32
    %div3A_588 = vector.broadcast %div3A_587 : f32 to vector<16xf32>
    %div3A_589 = arith.divf %div3A_588, %add3A_586 : vector<16xf32>
    %swap3A_590 = arith.constant 9968 : index
    %swap3A_591 = tpu.vector_load %arg7[%swap3A_590] {strides = array<i32>} : memref<10000xf32, #tpu.memory_space<vmem>>, vector<16xf32>,
    tpu.vector_store %arg7[%swap3A_590], %div3A_589 {strides = array<i32>} : memref<10000xf32, #tpu.memory_space<vmem>>, vector<16xf32>,
    %add3A_592 = arith.constant 64 : i32
    %add3A_593 = vector.broadcast %add3A_592 : i32 to vector<16xi32>
    %add3A_594 = arith.addi %iota3A, %add3A_593 : vector<16xi32>
    %mul3A_595 = arith.constant 0 : i32
    %mul3A_596 = vector.broadcast %mul3A_595 : i32 to vector<16xi32>
    %mul3A_597 = arith.muli %iota3A, %mul3A_596 : vector<16xi32>
    %add3A_598 = arith.constant 0 : i32
    %add3A_599 = vector.broadcast %add3A_598 : i32 to vector<16xi32>
    %add3A_600 = arith.addi %mul3A_597, %add3A_599 : vector<16xi32>
    %gather3A_601 = tpu.vector_load_idx %arg12[%add3A_594, %add3A_600] : memref<80x17xf32, #tpu.memory_space<vmem>>[vector<16xi32>, vector<16xi32>], vector<16xf32>,
    %mul3A_602 = arith.constant 0 : i32
    %mul3A_603 = vector.broadcast %mul3A_602 : i32 to vector<16xi32>
    %mul3A_604 = arith.muli %iota3A, %mul3A_603 : vector<16xi32>
    %add3A_605 = arith.constant 1 : i32
    %add3A_606 = vector.broadcast %add3A_605 : i32 to vector<16xi32>
    %add3A_607 = arith.addi %mul3A_604, %add3A_606 : vector<16xi32>
    %gather3A_608 = tpu.vector_load_idx %arg12[%add3A_594, %add3A_607] : memref<80x17xf32, #tpu.memory_space<vmem>>[vector<16xi32>, vector<16xi32>], vector<16xf32>,
    %mul3A_609 = arith.constant 0 : i32
    %mul3A_610 = vector.broadcast %mul3A_609 : i32 to vector<16xi32>
    %mul3A_611 = arith.muli %iota3A, %mul3A_610 : vector<16xi32>
    %add3A_612 = arith.constant 2 : i32
    %add3A_613 = vector.broadcast %add3A_612 : i32 to vector<16xi32>
    %add3A_614 = arith.addi %mul3A_611, %add3A_613 : vector<16xi32>
    %gather3A_615 = tpu.vector_load_idx %arg12[%add3A_594, %add3A_614] : memref<80x17xf32, #tpu.memory_space<vmem>>[vector<16xi32>, vector<16xi32>], vector<16xf32>,
    %mul3A_616 = arith.constant 0 : i32
    %mul3A_617 = vector.broadcast %mul3A_616 : i32 to vector<16xi32>
    %mul3A_618 = arith.muli %iota3A, %mul3A_617 : vector<16xi32>
    %add3A_619 = arith.constant 3 : i32
    %add3A_620 = vector.broadcast %add3A_619 : i32 to vector<16xi32>
    %add3A_621 = arith.addi %mul3A_618, %add3A_620 : vector<16xi32>
    %gather3A_622 = tpu.vector_load_idx %arg12[%add3A_594, %add3A_621] : memref<80x17xf32, #tpu.memory_space<vmem>>[vector<16xi32>, vector<16xi32>], vector<16xf32>,
    %mul3A_623 = arith.constant 0 : i32
    %mul3A_624 = vector.broadcast %mul3A_623 : i32 to vector<16xi32>
    %mul3A_625 = arith.muli %iota3A, %mul3A_624 : vector<16xi32>
    %add3A_626 = arith.constant 4 : i32
    %add3A_627 = vector.broadcast %add3A_626 : i32 to vector<16xi32>
    %add3A_628 = arith.addi %mul3A_625, %add3A_627 : vector<16xi32>
    %gather3A_629 = tpu.vector_load_idx %arg12[%add3A_594, %add3A_628] : memref<80x17xf32, #tpu.memory_space<vmem>>[vector<16xi32>, vector<16xi32>], vector<16xf32>,
    %mul3A_630 = arith.constant 0 : i32
    %mul3A_631 = vector.broadcast %mul3A_630 : i32 to vector<16xi32>
    %mul3A_632 = arith.muli %iota3A, %mul3A_631 : vector<16xi32>
    %add3A_633 = arith.constant 5 : i32
    %add3A_634 = vector.broadcast %add3A_633 : i32 to vector<16xi32>
    %add3A_635 = arith.addi %mul3A_632, %add3A_634 : vector<16xi32>
    %gather3A_636 = tpu.vector_load_idx %arg12[%add3A_594, %add3A_635] : memref<80x17xf32, #tpu.memory_space<vmem>>[vector<16xi32>, vector<16xi32>], vector<16xf32>,
    %mul3A_637 = arith.constant 0 : i32
    %mul3A_638 = vector.broadcast %mul3A_637 : i32 to vector<16xi32>
    %mul3A_639 = arith.muli %iota3A, %mul3A_638 : vector<16xi32>
    %add3A_640 = arith.constant 6 : i32
    %add3A_641 = vector.broadcast %add3A_640 : i32 to vector<16xi32>
    %add3A_642 = arith.addi %mul3A_639, %add3A_641 : vector<16xi32>
    %gather3A_643 = tpu.vector_load_idx %arg12[%add3A_594, %add3A_642] : memref<80x17xf32, #tpu.memory_space<vmem>>[vector<16xi32>, vector<16xi32>], vector<16xf32>,
    %mul3A_644 = arith.constant 0 : i32
    %mul3A_645 = vector.broadcast %mul3A_644 : i32 to vector<16xi32>
    %mul3A_646 = arith.muli %iota3A, %mul3A_645 : vector<16xi32>
    %add3A_647 = arith.constant 7 : i32
    %add3A_648 = vector.broadcast %add3A_647 : i32 to vector<16xi32>
    %add3A_649 = arith.addi %mul3A_646, %add3A_648 : vector<16xi32>
    %gather3A_650 = tpu.vector_load_idx %arg12[%add3A_594, %add3A_649] : memref<80x17xf32, #tpu.memory_space<vmem>>[vector<16xi32>, vector<16xi32>], vector<16xf32>,
    %mul3A_651 = arith.constant 0 : i32
    %mul3A_652 = vector.broadcast %mul3A_651 : i32 to vector<16xi32>
    %mul3A_653 = arith.muli %iota3A, %mul3A_652 : vector<16xi32>
    %add3A_654 = arith.constant 8 : i32
    %add3A_655 = vector.broadcast %add3A_654 : i32 to vector<16xi32>
    %add3A_656 = arith.addi %mul3A_653, %add3A_655 : vector<16xi32>
    %gather3A_657 = tpu.vector_load_idx %arg12[%add3A_594, %add3A_656] : memref<80x17xf32, #tpu.memory_space<vmem>>[vector<16xi32>, vector<16xi32>], vector<16xf32>,
    %mul3A_658 = arith.constant 0 : i32
    %mul3A_659 = vector.broadcast %mul3A_658 : i32 to vector<16xi32>
    %mul3A_660 = arith.muli %iota3A, %mul3A_659 : vector<16xi32>
    %add3A_661 = arith.constant 9 : i32
    %add3A_662 = vector.broadcast %add3A_661 : i32 to vector<16xi32>
    %add3A_663 = arith.addi %mul3A_660, %add3A_662 : vector<16xi32>
    %gather3A_664 = tpu.vector_load_idx %arg12[%add3A_594, %add3A_663] : memref<80x17xf32, #tpu.memory_space<vmem>>[vector<16xi32>, vector<16xi32>], vector<16xf32>,
    %mul3A_665 = arith.constant 0 : i32
    %mul3A_666 = vector.broadcast %mul3A_665 : i32 to vector<16xi32>
    %mul3A_667 = arith.muli %iota3A, %mul3A_666 : vector<16xi32>
    %add3A_668 = arith.constant 10 : i32
    %add3A_669 = vector.broadcast %add3A_668 : i32 to vector<16xi32>
    %add3A_670 = arith.addi %mul3A_667, %add3A_669 : vector<16xi32>
    %gather3A_671 = tpu.vector_load_idx %arg12[%add3A_594, %add3A_670] : memref<80x17xf32, #tpu.memory_space<vmem>>[vector<16xi32>, vector<16xi32>], vector<16xf32>,
    %mul3A_672 = arith.constant 0 : i32
    %mul3A_673 = vector.broadcast %mul3A_672 : i32 to vector<16xi32>
    %mul3A_674 = arith.muli %iota3A, %mul3A_673 : vector<16xi32>
    %add3A_675 = arith.constant 11 : i32
    %add3A_676 = vector.broadcast %add3A_675 : i32 to vector<16xi32>
    %add3A_677 = arith.addi %mul3A_674, %add3A_676 : vector<16xi32>
    %gather3A_678 = tpu.vector_load_idx %arg12[%add3A_594, %add3A_677] : memref<80x17xf32, #tpu.memory_space<vmem>>[vector<16xi32>, vector<16xi32>], vector<16xf32>,
    %mul3A_679 = arith.constant 0 : i32
    %mul3A_680 = vector.broadcast %mul3A_679 : i32 to vector<16xi32>
    %mul3A_681 = arith.muli %iota3A, %mul3A_680 : vector<16xi32>
    %add3A_682 = arith.constant 12 : i32
    %add3A_683 = vector.broadcast %add3A_682 : i32 to vector<16xi32>
    %add3A_684 = arith.addi %mul3A_681, %add3A_683 : vector<16xi32>
    %gather3A_685 = tpu.vector_load_idx %arg12[%add3A_594, %add3A_684] : memref<80x17xf32, #tpu.memory_space<vmem>>[vector<16xi32>, vector<16xi32>], vector<16xf32>,
    %mul3A_686 = arith.constant 0 : i32
    %mul3A_687 = vector.broadcast %mul3A_686 : i32 to vector<16xi32>
    %mul3A_688 = arith.muli %iota3A, %mul3A_687 : vector<16xi32>
    %add3A_689 = arith.constant 13 : i32
    %add3A_690 = vector.broadcast %add3A_689 : i32 to vector<16xi32>
    %add3A_691 = arith.addi %mul3A_688, %add3A_690 : vector<16xi32>
    %gather3A_692 = tpu.vector_load_idx %arg12[%add3A_594, %add3A_691] : memref<80x17xf32, #tpu.memory_space<vmem>>[vector<16xi32>, vector<16xi32>], vector<16xf32>,
    %mul3A_693 = arith.constant 0 : i32
    %mul3A_694 = vector.broadcast %mul3A_693 : i32 to vector<16xi32>
    %mul3A_695 = arith.muli %iota3A, %mul3A_694 : vector<16xi32>
    %add3A_696 = arith.constant 14 : i32
    %add3A_697 = vector.broadcast %add3A_696 : i32 to vector<16xi32>
    %add3A_698 = arith.addi %mul3A_695, %add3A_697 : vector<16xi32>
    %gather3A_699 = tpu.vector_load_idx %arg12[%add3A_594, %add3A_698] : memref<80x17xf32, #tpu.memory_space<vmem>>[vector<16xi32>, vector<16xi32>], vector<16xf32>,
    %mul3A_700 = arith.constant 0 : i32
    %mul3A_701 = vector.broadcast %mul3A_700 : i32 to vector<16xi32>
    %mul3A_702 = arith.muli %iota3A, %mul3A_701 : vector<16xi32>
    %add3A_703 = arith.constant 15 : i32
    %add3A_704 = vector.broadcast %add3A_703 : i32 to vector<16xi32>
    %add3A_705 = arith.addi %mul3A_702, %add3A_704 : vector<16xi32>
    %gather3A_706 = tpu.vector_load_idx %arg12[%add3A_594, %add3A_705] : memref<80x17xf32, #tpu.memory_space<vmem>>[vector<16xi32>, vector<16xi32>], vector<16xf32>,
    %add3A_707 = arith.addf %gather3A_601, %gather3A_608 : vector<16xf32>
    %add3A_708 = arith.addf %gather3A_615, %gather3A_622 : vector<16xf32>
    %add3A_709 = arith.addf %gather3A_629, %gather3A_636 : vector<16xf32>
    %add3A_710 = arith.addf %gather3A_643, %gather3A_650 : vector<16xf32>
    %add3A_711 = arith.addf %gather3A_657, %gather3A_664 : vector<16xf32>
    %add3A_712 = arith.addf %gather3A_671, %gather3A_678 : vector<16xf32>
    %add3A_713 = arith.addf %gather3A_685, %gather3A_692 : vector<16xf32>
    %add3A_714 = arith.addf %gather3A_699, %gather3A_706 : vector<16xf32>
    %add3A_715 = arith.addf %add3A_707, %add3A_708 : vector<16xf32>
    %add3A_716 = arith.addf %add3A_709, %add3A_710 : vector<16xf32>
    %add3A_717 = arith.addf %add3A_711, %add3A_712 : vector<16xf32>
    %add3A_718 = arith.addf %add3A_713, %add3A_714 : vector<16xf32>
    %add3A_719 = arith.addf %add3A_715, %add3A_716 : vector<16xf32>
    %add3A_720 = arith.addf %add3A_717, %add3A_718 : vector<16xf32>
    %add3A_721 = arith.addf %add3A_719, %add3A_720 : vector<16xf32>
    %neg3A_722 = arith.constant 0.000000e+00 : f32
    %neg3A_723 = vector.broadcast %neg3A_722 : f32 to vector<16xf32>
    %neg3A_724 = arith.subf %neg3A_723, %add3A_721 : vector<16xf32>
    %exp3A_725 = math.exp %neg3A_724 : vector<16xf32>
    %add3A_726 = arith.constant 1.000000e+00 : f32
    %add3A_727 = vector.broadcast %add3A_726 : f32 to vector<16xf32>
    %add3A_728 = arith.addf %add3A_727, %exp3A_725 : vector<16xf32>
    %div3A_729 = arith.constant 1.000000e+00 : f32
    %div3A_730 = vector.broadcast %div3A_729 : f32 to vector<16xf32>
    %div3A_731 = arith.divf %div3A_730, %add3A_728 : vector<16xf32>
    %swap3A_732 = arith.constant 9984 : index
    %swap3A_733 = tpu.vector_load %arg7[%swap3A_732] {strides = array<i32>} : memref<10000xf32, #tpu.memory_space<vmem>>, vector<16xf32>,
    tpu.vector_store %arg7[%swap3A_732], %div3A_731 {strides = array<i32>} : memref<10000xf32, #tpu.memory_space<vmem>>, vector<16xf32>,
    "tpu.region"() ({
      %run_scoped3A_734 = tpu.sem_alloc : memref<!tpu.dma_semaphore, #tpu.memory_space<semaphore_mem>>
      %dma_start3A_735 = tpu.memref_slice %arg4[%mul3A_2] : memref<320000xf32, #tpu.memory_space<hbm>> -> memref<10000xf32, #tpu.memory_space<hbm>>
      %dma_start3A_736 = tpu.memref_slice %arg4[%mul3A_2] : memref<320000xf32, #tpu.memory_space<hbm>> -> memref<10000xf32, #tpu.memory_space<hbm>>
      tpu.enqueue_dma source(%arg7 : memref<10000xf32, #tpu.memory_space<vmem>>) target(%dma_start3A_736 : memref<10000xf32, #tpu.memory_space<hbm>>) target_semaphore(%run_scoped3A_734 : memref<!tpu.dma_semaphore, #tpu.memory_space<semaphore_mem>>)
      %dma_wait3A_737 = tpu.memref_slice %arg4[%mul3A_2] : memref<320000xf32, #tpu.memory_space<hbm>> -> memref<10000xf32, #tpu.memory_space<hbm>>
      %dma_wait3A_738 = tpu.memref_slice %arg4[%mul3A_2] : memref<320000xf32, #tpu.memory_space<hbm>> -> memref<10000xf32, #tpu.memory_space<hbm>>
      tpu.wait_dma2 semaphore(%run_scoped3A_734 : memref<!tpu.dma_semaphore, #tpu.memory_space<semaphore_mem>>) src(%arg7 : memref<10000xf32, #tpu.memory_space<vmem>>) dst(%dma_wait3A_738 : memref<10000xf32, #tpu.memory_space<hbm>>)
      tpu.yield
    }) : () -> ()
    return
  }
}

</mosaic_0001>

<sc_bundles>
// kernel: _run.3.cloned.1.call-start
scs
__scs_entry_jumppad:
0x0: {  	(pc) =	sbr.rel $0x88, $3  }
0x1: {  	(tag) =	ssettag $0x0;
	lr =	simm.s32 $0x1  }
0x2: {  	[smem:$0x3F9F] =	sst lr;
	_ =	strace $0xD0000000  }
0x3: {  	_ = 	snop  }
0x4: {  	_ = 	snop  }
0x5: {  	_ = 	snop  }
0x6: {  	_ = 	snop  }
0x7: {  	_ = 	snop  }
__scs_overlays_trampoline_lowered:
0x8: {  	[smem:$0x3FAE] =	sst s0  }
0x9: {  	[smem:$0x3FAF] =	sst s1  }
0xa: {  	[smem:$0x3FB0] =	sst s2  }
0xb: {  	[smem:$0x3FB1] =	sst s3  }
0xc: {  	[smem:$0x3FB2] =	sst s4  }
0xd: {  	[smem:$0x3FB3] =	sst s5  }
0xe: {  	[smem:$0x3FB4] =	sst s6  }
0xf: {  	[smem:$0x3FB5] =	sst s7  }
0x10: {  	[smem:$0x3FB6] =	sst s8  }
0x11: {  	[smem:$0x3FB7] =	sst s9;
	s0 =	simm.s32 @!p0 $0x0  }
0x12: {  	s1 =	sld [smem:$0x3F9D];
	s0 =	simm.s32 @p0 $0x1  }
0x13: {  	[smem:$0x3FB8] =	sst s0;
	s0 =	simm.s32 @!p1 $0x0  }
0x14: {  	s2 =	sld [smem:$0x3F9C];
	s0 =	simm.s32 @p1 $0x1  }
0x15: {  	[smem:$0x3FB9] =	sst s0;
	s0 =	simm.s32 @!p2 $0x0  }
0x16: {  	s3 =	sld [smem:$0x3FDB];
	s0 =	simm.s32 @p2 $0x1  }
0x17: {  	s4 =	simm.s32 $0x1BF5;
	[smem:$0x3FBB] =	sst s0  }
0x18: {  	s0 =	sld [smem:$0x3F9E];
	_ =	swait.ge [sflag:s4], $0x0  }
0x19: {  	s7 =	sld [smem:$0x3F9F]  }
0x1a: {  	s8 =	sadd.s32 $0xFFFFE003, lr  }
0x1b: {  	s9 =	sadd.s32 $0xFFFFFEF7, lr;
	s5 =	simm.s32 $0xFFFFFFFF;
	p2 =	slt.u32 s8, $0xFFFFF086  }
0x1c: {  	p1 =	slt.u32 s9, $0xF7A;
	s5 =	simm.s32 @!p2 $0x0  }
0x1d: {  	s5 =	simm.s32 @p1 $0x1;
	p0 =	seq.s32 s7, s2  }
0x1e: {  	s7 =	smul.u32 @!p0 $0xF7A, s2;
	p2 =	seq.s32 @!p0 s5, $0x0  }
0x1f: {  	s9 =	smul.u32 $0xF7A, s1;
	s8 =	simm.s32 @!p0 $0x1BF5;
	p2 =	por !p2, p0  }
0x20: {  	[sflag:s8] =	ssyncset.s32 @!p0 $0xFFFFF086;
	s6 =	sadd.s32 @!p0 s3, s7;
	s7 =	simm.s32 @!p0 $0x108  }
0x21: {  	s3 =	sadd.s32 s3, s9;
	s6 =	sadd.s32 @!p0 $0x88, s6;
	s7 =	simm.s32 @p2 $0x1082  }
0x22: {  	[simem:s7], [sflag:s8] =	dma.local @!p0 [hbm:s6], $0xF7A  }
0x23: {  	s9 =	sor.u32 $0xD0000000, s2;
	s6 =	simm.s32 $0x108;
	_ =	swait.ge @!p0 [sflag:s8], $0x0  }
0x24: {  	s3 =	sadd.s32 $0x88, s3;
	s6 =	simm.s32 @!p1 $0x1082;
	[sflag:s4] =	ssyncset.s32 $0xFFFFF086  }
0x25: {  	[simem:s6], [sflag:s4] =	dma.local [hbm:s3], $0xF7A  }
0x26: {  	[smem:$0x3F9F] =	sst s1;
	(tag) =	ssettag s2;
	_ =	strace s9  }
0x27: {  	s1 =	sld [smem:$0x3FAF]  }
0x28: {  	s2 =	sld [smem:$0x3FB0]  }
0x29: {  	s4 =	sld [smem:$0x3FB2]  }
0x2a: {  	p0 =	seq.s32 s5, $0x0;
	s5 =	sld [smem:$0x3FB3]  }
0x2b: {  	s6 =	sld [smem:$0x3FB4]  }
0x2c: {  	s7 =	sld [smem:$0x3FB5]  }
0x2d: {  	s3 =	simm.s32 $0x108;
	s8 =	sld [smem:$0x3FB6]  }
0x2e: {  	s3 =	simm.s32 @!p0 $0x1082;
	s9 =	sld [smem:$0x3FB7]  }
0x2f: {  	lr =	sadd.s32 s0, s3;
	s0 =	sld [smem:$0x3FAE]  }
0x30: {  	s3 =	sld [smem:$0x3FB1]  }
0x31: {  	[smem:$0x3FBA] =	sst s10  }
0x32: {  	s10 =	sld [smem:$0x3FB8];
	_ =	sdelay $0x3  }
0x33: {  	p0 =	seq.s32 s10, $0x1;
	s10 =	sld [smem:$0x3FBA];
	_ =	sdelay $0x3  }
0x34: {  	[smem:$0x3FBA] =	sst s10  }
0x35: {  	s10 =	sld [smem:$0x3FB9];
	_ =	sdelay $0x3  }
0x36: {  	p1 =	seq.s32 s10, $0x1;
	s10 =	sld [smem:$0x3FBA];
	_ =	sdelay $0x3  }
0x37: {  	[smem:$0x3FBA] =	sst s10  }
0x38: {  	s10 =	sld [smem:$0x3FBB]  }
0x39: {  	_ = 	snop;
	(pc) =	sbr.ind lr, $3  }
0x3a: {  	_ = 	snop  }
0x3b: {  	_ = 	snop  }
0x3c: {  	p2 =	seq.s32 s10, $0x1;
	s10 =	sld [smem:$0x3FBA]  }
0x3d: {  	_ =	shalt  }
0x3e: {  	_ =	shalt  }
0x3f: {  	_ =	shalt  }
0x40: {  	_ =	shalt  }
0x41: {  	_ =	shalt  }
0x42: {  	_ =	shalt  }
0x43: {  	_ =	shalt  }
0x44: {  	_ =	shalt  }
0x45: {  	_ =	shalt  }
0x46: {  	_ =	shalt  }
0x47: {  	_ =	shalt  }
0x48: {  	_ =	shalt  }
0x49: {  	_ =	shalt  }
0x4a: {  	_ =	shalt  }
0x4b: {  	_ =	shalt  }
0x4c: {  	_ =	shalt  }
0x4d: {  	_ =	shalt  }
0x4e: {  	_ =	shalt  }
0x4f: {  	_ =	shalt  }
0x50: {  	_ =	shalt  }
0x51: {  	_ =	shalt  }
0x52: {  	_ =	shalt  }
0x53: {  	_ =	shalt  }
0x54: {  	_ =	shalt  }
0x55: {  	_ =	shalt  }
0x56: {  	_ =	shalt  }
0x57: {  	_ =	shalt  }
0x58: {  	_ =	shalt  }
0x59: {  	_ =	shalt  }
0x5a: {  	_ =	shalt  }
0x5b: {  	_ =	shalt  }
0x5c: {  	_ =	shalt  }
0x5d: {  	_ =	shalt  }
0x5e: {  	_ =	shalt  }
0x5f: {  	_ =	shalt  }
0x60: {  	_ =	shalt  }
0x61: {  	_ =	shalt  }
0x62: {  	_ =	shalt  }
0x63: {  	_ =	shalt  }
0x64: {  	_ =	shalt  }
0x65: {  	_ =	shalt  }
0x66: {  	_ =	shalt  }
0x67: {  	_ =	shalt  }
0x68: {  	_ =	shalt  }
0x69: {  	_ =	shalt  }
0x6a: {  	_ =	shalt  }
0x6b: {  	_ =	shalt  }
0x6c: {  	_ =	shalt  }
0x6d: {  	_ =	shalt  }
0x6e: {  	_ =	shalt  }
0x6f: {  	_ =	shalt  }
0x70: {  	_ =	shalt  }
0x71: {  	_ =	shalt  }
0x72: {  	_ =	shalt  }
0x73: {  	_ =	shalt  }
0x74: {  	_ =	shalt  }
0x75: {  	_ =	shalt  }
0x76: {  	_ =	shalt  }
0x77: {  	_ =	shalt  }
0x78: {  	_ =	shalt  }
0x79: {  	_ =	shalt  }
0x7a: {  	_ =	shalt  }
0x7b: {  	_ =	shalt  }
0x7c: {  	_ =	shalt  }
0x7d: {  	_ =	shalt  }
0x7e: {  	_ =	shalt  }
0x7f: {  	_ =	shalt  }
0x80: {  	_ =	shalt  }
0x81: {  	_ =	shalt  }
0x82: {  	_ =	shalt  }
0x83: {  	_ =	shalt  }
0x84: {  	_ =	shalt  }
0x85: {  	_ =	shalt  }
0x86: {  	_ =	shalt  }
0x87: {  	_ =	shalt  }
.Lfunc_end0:
.L_simem_size_0:
called_computation_lowered:
.L_overlay_start_0:
0x88: {  	s2 =	sld [smem:$0x3FD9]  }
0x89: {  	s3 =	sld [smem:$0x3FFE];
	_ =	sdelay $0x1  }
0x8a: {  	s1 =	srdreg.scid  }
0x8b: {  	s0 =	sand.u32 $0x1, s1  }
0x8c: {  	s17 =	sshll.u32 s0, $0xA;
	s2 =	sadd.s32 s3, s2  }
0x8d: {  	s2 =	sadd.s32 s2, s17  }
0x8e: {  	[smem:$0x3FC6] =	sst s2  }
0x8f: {  	_ = 	snop  }
0x90: {  	s2 =	sld [smem:$0x3FD0];
	(tm) =	ssettm $0x1  }
0x91: {  	s18 =	sld [smem:$0x3FFB];
	_ =	sdelay $0x3  }
0x92: {  	_ =	strace s18  }
0x93: {  	s3 =	sld [smem:$0x3FFC];
	_ =	sdelay $0x3  }
0x94: {  	_ =	strace s3  }
0x95: {  	s3 =	sld [smem:$0x3FFD];
	_ =	sdelay $0x3  }
0x96: {  	_ =	strace s3  }
0x97: {  	_ =	strace $0x8FFFFFFF  }
0x98: {  	s19 =	sld [smem:$0x3FDB];
	_ =	sdelay $0x1  }
0x99: {  	s4 =	simm.s32 $_scs_section_size  }
0x9a: {  	s5 =	simm.s32 $_size__tile_overlayer_lowered;
	s6 =	simm.s32 $_tile_overlayer_lowered  }
0x9b: {  	s22 =	simm.s32 $0x1BFF;
	s21 =	sshll.u32 s6, $0x1;
	s3 =	sadd.s32 s4, s19  }
0x9c: {  	s7 =	simm.s32 $0x0;
	s20 =	sshll.u32 s5, $0x1;
	s5 =	sadd.s32 s21, s3  }
0x9d: {  	[timem:s7], [sflag:s22] =	dma.local [hbm:s5], s20  }
0x9e: {  	_ =	swait.ge [sflag:s22], s20  }
0x9f: {  	s4 =	ssub.s32 $0x0, s20;
	[sflag:s22] =	ssyncset.done $0x0  }
0xa0: {  	[sflag:s22] =	ssyncadd.s32 s4;
	_ =	sdelay $0x1  }
0xa1: {  	s23 =	simm.s32 $0x1B8B  }
0xa2: {  	_ =	swait.ge [sflag:s23], $0x1  }
0xa3: {  	[sflag:s23] =	ssyncset.done $0x0  }
0xa4: {  	s25 =	simm.s32 $0x1B8E;
	s24 =	sld [smem:$0x3FFE];
	[sflag:s23] =	ssyncadd.s32 $0xFFFFFFFF  }
0xa5: {  	s26 =	simm.s32 $execute0_lowered;
	[smem:$0x3FD2] =	sst s25  }
0xa6: {  	s5 =	sshll.u32 s26, $0x1;
	_ =	strace $0x80000046;
	[dreg:$0x1] =	wrdreg $0xFFFFFFFF  }
0xa7: {  	s28 =	simm.s32 $_size_execute0_lowered;
	s3 =	sadd.s32 s3, s5;
	[dreg:$0x0] =	wrdreg $0x0  }
0xa8: {  	s5 =	sshll.u32 s28, $0x1;
	[dreg:$0x2] =	wrdreg s3  }
0xa9: {  	[dreg:$0x3] =	wrdreg s5  }
0xaa: {  	[dreg:$0x4] =	wrdreg $0xC0  }
0xab: {  	_ =	task [dreg:s7], $0x5FFFF  }
0xac: {  	[dreg:$0x1] =	wrdreg $0xFFFFFFFF  }
0xad: {  	[dreg:$0x0] =	wrdreg $0x60  }
0xae: {  	[dreg:$0x2] =	wrdreg s24  }
0xaf: {  	[dreg:$0x3] =	wrdreg s2  }
0xb0: {  	[dreg:$0x4] =	wrdreg $0x9  }
0xb1: {  	_ =	task.clear_ibuf [dreg:s7], $0x5FFFF;
	_ =	strace $0x90000046  }
0xb2: {  	s29 =	simm.s32 $0x9;
	_ =	strace $0x80000048  }
0xb3: {  	_ =	swait.ge [sflag:s29], $0x1  }
0xb4: {  	[sflag:s29] =	ssyncadd.s32 $0xFFFFFFFF  }
0xb5: {  	_ =	strace $0x90000048  }
0xb6: {  	_ =	sfence  }
0xb7: {  	s30 =	sld [smem:$0x0];
	_ =	sdelay $0x2  }
0xb8: {  	s31 =	sshll.u32 s1, $0xD;
	s1 =	sshrl.u32 s1, $0x2  }
0xb9: {  	s3 =	sand.u32 $0x4000, s31;
	s1 =	sadd.s32 s1, s30  }
0xba: {  	s0 =	sor.u32 s3, s0;
	s1 =	sshll.u32 s1, $0x11  }
0xbb: {  	s0 =	sor.u32 s1, s0  }
0xbc: {  	s0 =	sadd.s32 $0x8F2B, s0  }
0xbd: {  	[sflag:s0] =	ssyncadd.remote.s32 $0x1  }
0xbe: {  	_ =	sfence.sel $0xFFFF  }
0xbf: {  	[dreg:$0x0] =	wrdreg $0xFFFFFFFF;
	(pc) =	sbr.abs _section_cstart, $3  }
0xc0: {  	[dreg:$0x1] =	wrdreg $0xFFFFFFFF  }
0xc1: {  	_ =	task.clear_ibuf [dreg:s7], $0x2FFFF;
	_ =	strace $0x9FFFFFFF  }
0xc2: {  	(tm) =	ssettm $0x7FFFFFFF  }
0xc3: {  	_ =	shalt  }
tec
execute0_lowered:
.L_overlay_start_1:
0x0: {  	(tag) =	ssettag $0x1  }
0x1: {  	v0 =	vlaneseq.u32  }
0x2: {  	v0 =	vmul.u32 $0x18, v0;
	_ =	sdelay $0x1  }
0x3: {  	v1 =	vor.u32 $0x1, v0  }
0x4: {  	[tilespmem:$0x1FDB0] =	vst v1;
	v1 =	vor.u32 $0x2, v0  }
0x5: {  	[tilespmem:$0x1FDC0] =	vst v1;
	v1 =	vor.u32 $0x3, v0  }
0x6: {  	[tilespmem:$0x1FDD0] =	vst v1;
	v1 =	vor.u32 $0x4, v0  }
0x7: {  	[tilespmem:$0x1FDE0] =	vst v1;
	v1 =	vor.u32 $0x5, v0  }
0x8: {  	[tilespmem:$0x1FDF0] =	vst v1;
	v1 =	vor.u32 $0x6, v0  }
0x9: {  	[tilespmem:$0x1FE00] =	vst v1;
	v1 =	vor.u32 $0x7, v0  }
0xa: {  	[tilespmem:$0x1FE10] =	vst v1;
	v1 =	vadd.s32 $0x8, v0  }
0xb: {  	[tilespmem:$0x1FE20] =	vst v1;
	v1 =	vadd.s32 $0x9, v0  }
0xc: {  	[tilespmem:$0x1FE30] =	vst v1;
	v1 =	vadd.s32 $0xA, v0  }
0xd: {  	[tilespmem:$0x1FE40] =	vst v1;
	v1 =	vadd.s32 $0xB, v0  }
0xe: {  	[tilespmem:$0x1FE50] =	vst v1;
	v1 =	vadd.s32 $0xC, v0  }
0xf: {  	[tilespmem:$0x1FE60] =	vst v1;
	v1 =	vadd.s32 $0xD, v0  }
0x10: {  	[tilespmem:$0x1FE70] =	vst v1;
	v1 =	vadd.s32 $0xE, v0  }
0x11: {  	[tilespmem:$0x1FE80] =	vst v1;
	v1 =	vadd.s32 $0xF, v0  }
0x12: {  	[tilespmem:$0x1FE90] =	vst v1;
	v1 =	vadd.s32 $0x180, v0  }
0x13: {  	[tilespmem:$0x1FEA0] =	vst v1;
	v1 =	vadd.s32 $0x181, v0  }
0x14: {  	[tilespmem:$0x1FEB0] =	vst v1;
	v1 =	vadd.s32 $0x182, v0  }
0x15: {  	[tilespmem:$0x1FEC0] =	vst v1;
	v1 =	vadd.s32 $0x183, v0  }
0x16: {  	[tilespmem:$0x1FED0] =	vst v1;
	v1 =	vadd.s32 $0x184, v0  }
0x17: {  	[tilespmem:$0x1FEE0] =	vst v1;
	v1 =	vadd.s32 $0x185, v0  }
0x18: {  	[tilespmem:$0x1FEF0] =	vst v1;
	v1 =	vadd.s32 $0x186, v0  }
0x19: {  	[tilespmem:$0x1FF00] =	vst v1;
	v1 =	vadd.s32 $0x187, v0  }
0x1a: {  	[tilespmem:$0x1FF10] =	vst v1;
	v1 =	vadd.s32 $0x188, v0  }
0x1b: {  	[tilespmem:$0x1FF20] =	vst v1;
	v1 =	vadd.s32 $0x189, v0  }
0x1c: {  	[tilespmem:$0x1FF30] =	vst v1;
	v1 =	vadd.s32 $0x18A, v0  }
0x1d: {  	[tilespmem:$0x1FF40] =	vst v1;
	v1 =	vadd.s32 $0x18B, v0  }
0x1e: {  	s1 =	srdreg.scid;
	[tilespmem:$0x1FF50] =	vst v1;
	v1 =	vadd.s32 $0x18C, v0  }
0x1f: {  	s0 =	stileid.u32;
	s4 =	rddreg [dreg:$0x0];
	s10 =	simm.s32 $0x50;
	[tilespmem:$0x1FF60] =	vst v1;
	v1 =	vadd.s32 $0x18D, v0  }
0x20: {  	s6 =	rddreg [dreg:$0x1];
	s11 =	simm.s32 $0x7530;
	s12 =	simm.s32 $0x9D30;
	v38 =	vadd.s32 $0x306, v0;
	v39 =	vadd.s32 $0x307, v0;
	[tilespmem:$0x1FF70] =	vst v1;
	v1 =	vadd.s32 $0x18E, v0  }
0x21: {  	s2 =	simm.s32 $0x0;
	s13 =	simm.s32 $0x8930;
	s14 =	simm.s32 $0xB130;
	v40 =	vadd.s32 $0x308, v0;
	v41 =	vadd.s32 $0x309, v0;
	[tilespmem:$0x1FF80] =	vst v1;
	v1 =	vadd.s32 $0x18F, v0  }
0x22: {  	s15 =	simm.s32 $0x1;
	s3 =	sand.u32 $0x1, s1;
	s30 =	sshll.u32 s0, $0x1;
	v42 =	vadd.s32 $0x30A, v0;
	v43 =	vadd.s32 $0x30B, v0;
	[tilespmem:$0x1FF90] =	vst v1;
	v1 =	vadd.s32 $0x300, v0  }
0x23: {  	s16 =	simm.s32 $0xC530;
	s17 =	simm.s32 $0x2;
	s1 =	sor.u32 s3, s30;
	v44 =	vadd.s32 $0x30C, v0;
	v45 =	vadd.s32 $0x30D, v0;
	[tilespmem:$0x1FFA0] =	vst v1;
	v1 =	vadd.s32 $0x301, v0  }
0x24: {  	s18 =	simm.s32 $0x4E20;
	s19 =	simm.s32 $0x0;
	s5 =	smul.u32 $0x2710, s1;
	v46 =	vadd.s32 $0x30E, v0;
	v47 =	vadd.s32 $0x30F, v0;
	[tilespmem:$0x1FFB0] =	vst v1;
	v1 =	vadd.s32 $0x302, v0  }
0x25: {  	[smem:$0x7FF] =	sst s2;
	s31 =	ssub.s32 $0x2, s3;
	s3 =	sadd.s32 $0x600, s4;
	v48 =	vadd.s32 $0x480, v0;
	v49 =	vadd.s32 $0x481, v0;
	[tilespmem:$0x1FFC0] =	vst v1;
	v1 =	vadd.s32 $0x303, v0  }
0x26: {  	s1 =	rddreg [dreg:$0x2];
	s9 =	sshrl.u32 s31, $0x1;
	v50 =	vadd.s32 $0x482, v0;
	v51 =	vadd.s32 $0x483, v0;
	s7 =	sshrl.u32 s5, $0x3;
	[tilespmem:$0x1FFD0] =	vst v1;
	v1 =	vadd.s32 $0x304, v0  }
0x27: {  	v52 =	vadd.s32 $0x484, v0;
	v53 =	vadd.s32 $0x485, v0;
	s9 =	ssub.s32 s31, s9;
	s8 =	sadd.s32 s7, s4;
	s6 =	sadd.s32 s6, s7;
	[tilespmem:$0x1FFE0] =	vst v1;
	v1 =	vadd.s32 $0x305, v0  }
0x28: {  	v54 =	vadd.s32 $0x486, v0;
	v55 =	vadd.s32 $0x487, v0;
	v56 =	vadd.s32 $0x488, v0;
	s7 =	smax.u32 s9, $0x1;
	s9 =	simm.s32 $0x2710;
	s4 =	sadd.s32 $0x14000, s8;
	[tilespmem:$0x1FFF0] =	vst v1  }
0x29: {  	v57 =	vadd.s32 $0x489, v0;
	v58 =	vadd.s32 $0x48A, v0;
	v59 =	vadd.s32 $0x48B, v0;
	s5 =	sadd.s32 $0x1DC40, s8;
	s8 =	simm.s32 $0x3;
	_ =	strace $0x80000047  }
.LBB2_1:
0x2a: {  	[tilespmem:s2], [sflag:$0x3] =	stream.linear.gather [hbm4b:s4+s2], $0x2710, $0x38;
	[tilespmem:$0xCCB0] =	vst v63  }
0x2b: {  	_ =	swait.ge [sflag:s8], $0x2710  }
0x2c: {  	[sflag:s8] =	ssyncset.done $0x0  }
0x2d: {  	[sflag:s8] =	ssyncadd.s32 $0xFFFFD8F0  }
0x2e: {  	[tilespmem:s9], [sflag:$0x3] =	stream.linear.gather [hbm4b:s5+s2], $0x2710, $0x38;
	[tilespmem:$0xCCB0] =	vst v63  }
0x2f: {  	_ =	swait.ge [sflag:s8], $0x2710  }
0x30: {  	[sflag:s8] =	ssyncset.done $0x0  }
0x31: {  	[sflag:s8] =	ssyncadd.s32 $0xFFFFD8F0  }
0x32: {  	[tilespmem:s11], [sflag:$0x1] =	stream.indirect.gather [hbm4b:s3+s10], $0x40, s2, s10, $0xb8;
	[tilespmem:$0xCCB0] =	vst v63  }
0x33: {  	s20 =	simm.s32 $0x0  }
0x34: {  	[tilespmem:s12], [sflag:$0x1] =	stream.indirect.gather [hbm4b:s3+s10], $0x40, s9, s10, $0xb8;
	[tilespmem:$0xCCB0] =	vst v63  }
.LBB2_2:
0x35: {  	s21 =	smul.u32 $0xA0, s20;
	_ =	sdelay $0x1  }
0x36: {  	s22 =	sadd.s32 $0x50, s21  }
0x37: {  	[tilespmem:s13], [sflag:$0x2] =	stream.indirect.gather [hbm4b:s3+s10], $0x40, s22, s10, $0xb8;
	[tilespmem:$0xCCB0] =	vst v63  }
0x38: {  	s23 =	sadd.s32 $0x2760, s21  }
0x39: {  	[tilespmem:s14], [sflag:$0x2] =	stream.indirect.gather [hbm4b:s3+s10], $0x40, s23, s10, $0xb8;
	[tilespmem:$0xCCB0] =	vst v63  }
0x3a: {  	_ =	swait.ge [sflag:s15], $0x1400  }
0x3b: {  	[sflag:s15] =	ssyncset.done $0x0  }
0x3c: {  	[sflag:s15] =	ssyncadd.s32 $0xFFFFEC00  }
0x3d: {  	_ =	swait.ge [sflag:s15], $0x1400  }
0x3e: {  	[sflag:s15] =	ssyncset.done $0x0  }
0x3f: {  	s26 =	simm.s32 $0x75B0;
	[sflag:s15] =	ssyncadd.s32 $0xFFFFEC00  }
0x40: {  	s23 =	simm.s32 $0x9DB0;
	v2 =	vld [tilespmem:s26+$0x40]  }
0x41: {  	v3 =	vld [tilespmem:s23+$0x40]  }
0x42: {  	v4 =	vld [tilespmem:s26+$0x50]  }
0x43: {  	v5 =	vld [tilespmem:s23+$0x50]  }
0x44: {  	v6 =	vld [tilespmem:s26+$0x60]  }
0x45: {  	v7 =	vld [tilespmem:s23+$0x60]  }
0x46: {  	v8 =	vld [tilespmem:s26+$0x70]  }
0x47: {  	v9 =	vld [tilespmem:s23+$0x70]  }
0x48: {  	v1 =	vld [tilespmem:s23+$0xFFFFFF80]  }
0x49: {  	v10 =	vld [tilespmem:s26+$0xFFFFFF90]  }
0x4a: {  	v11 =	vld [tilespmem:s23+$0xFFFFFF90]  }
0x4b: {  	v12 =	vld [tilespmem:s26+$0xFFFFFFA0]  }
0x4c: {  	v13 =	vld [tilespmem:s23+$0xFFFFFFA0]  }
0x4d: {  	v14 =	vld [tilespmem:s26+$0xFFFFFFB0]  }
0x4e: {  	v15 =	vld [tilespmem:s23+$0xFFFFFFB0]  }
0x4f: {  	v16 =	vld [tilespmem:s26+$0xFFFFFFC0]  }
0x50: {  	v17 =	vld [tilespmem:s23+$0xFFFFFFC0]  }
0x51: {  	v18 =	vld [tilespmem:s26+$0xFFFFFFD0]  }
0x52: {  	v19 =	vld [tilespmem:s23+$0xFFFFFFD0]  }
0x53: {  	v20 =	vld [tilespmem:s26+$0xFFFFFFE0]  }
0x54: {  	v2 =	vmul.bf16 v3, v2;
	v3 =	vmul.bf16 v5, v4;
	v4 =	vld [tilespmem:s23+$0xFFFFFFE0]  }
0x55: {  	v5 =	vmul.bf16 v7, v6;
	v6 =	vmul.bf16 v9, v8;
	v7 =	vld [tilespmem:s26+$0xFFFFFFF0]  }
0x56: {  	v8 =	vld [tilespmem:s23+$0xFFFFFFF0]  }
0x57: {  	v21 =	vld [tilespmem:s23+$0x0];
	v2 =	vadd.bf16 v3, v2;
	v3 =	vadd.bf16 v6, v5  }
0x58: {  	v35 =	vld [tilespmem:s26+$0x10]  }
0x59: {  	v37 =	vld [tilespmem:s23+$0x10];
	v5 =	vmul.bf16 v19, v18;
	v2 =	vadd.bf16 v3, v2  }
0x5a: {  	v9 =	vld [tilespmem:s26+$0x0];
	v3 =	vmul.bf16 v17, v16;
	v36 =	vmul.bf16 v4, v20  }
0x5b: {  	v7 =	vmul.bf16 v8, v7;
	v4 =	vld [tilespmem:s26+$0x20];
	v6 =	vunpack.i.u.bf16.f32 v2;
	v2 =	vunpack.i.l.bf16.f32 v2  }
0x5c: {  	v60 =	vmul.bf16 v15, v14;
	v8 =	vmul.bf16 v13, v12;
	v61 =	vadd.f32 v2, v6;
	v6 =	vld [tilespmem:s23+$0x20]  }
0x5d: {  	v62 =	vadd.bf16 v5, v3;
	v5 =	vld [tilespmem:s26+$0x30];
	v63 =	vadd.bf16 v7, v36  }
0x5e: {  	s24 =	simm.s32 $0xC560;
	v2 =	vmul.bf16 v11, v10;
	v3 =	vadd.bf16 v60, v8;
	v7 =	vld [tilespmem:s23+$0x30]  }
0x5f: {  	s25 =	simm.s32 $0x0;
	v10 =	vmul.bf16 v21, v9;
	v8 =	vld [tilespmem:s26+$0xFFFFFF80];
	v11 =	vmul.bf16 v37, v35;
	s26 =	simm.s32 $0x76B0;
	[tilespmem:s24+$0x18] =	vst v61;
	v9 =	vadd.bf16 v63, v62  }
.LBB2_3:
0x60: {  	v12 =	vld [tilespmem:s26+$0x40];
	s23 =	sadd.s32 $0x100, s23  }
0x61: {  	v13 =	vld [tilespmem:s23+$0x40];
	v14 =	vunpack.i.u.bf16.f32 v9;
	v4 =	vmul.bf16 v6, v4;
	v6 =	vadd.bf16 v11, v10  }
0x62: {  	v9 =	vunpack.i.l.bf16.f32 v9;
	v10 =	vld [tilespmem:s26+$0x50]  }
0x63: {  	v9 =	vadd.f32 v9, v14;
	v11 =	vld [tilespmem:s23+$0x50];
	v5 =	vmul.bf16 v7, v5  }
0x64: {  	v7 =	vld [tilespmem:s26+$0x60];
	v1 =	vmul.bf16 v1, v8  }
0x65: {  	v8 =	vld [tilespmem:s23+$0x60];
	[tilespmem:s24+$0xFFFFFFE8] =	vst v9;
	v4 =	vadd.bf16 v5, v4  }
0x66: {  	v5 =	vld [tilespmem:s26+$0x70];
	v2 =	vadd.bf16 v2, v1  }
0x67: {  	s25 =	sadd.s32 $0x4, s25;
	v9 =	vld [tilespmem:s23+$0x70];
	v4 =	vadd.bf16 v4, v6  }
0x68: {  	p0 =	slt.u32 s25, $0x4C;
	v1 =	vld [tilespmem:s23+$0xFFFFFF80];
	v2 =	vadd.bf16 v3, v2  }
0x69: {  	v3 =	vld [tilespmem:s26+$0xFFFFFF90];
	v6 =	vunpack.i.u.bf16.f32 v4;
	v4 =	vunpack.i.l.bf16.f32 v4  }
0x6a: {  	v14 =	vld [tilespmem:s23+$0xFFFFFF90];
	v15 =	vunpack.i.u.bf16.f32 v2;
	v2 =	vunpack.i.l.bf16.f32 v2;
	v4 =	vadd.f32 v4, v6  }
0x6b: {  	v12 =	vmul.bf16 v13, v12;
	v10 =	vmul.bf16 v11, v10;
	v6 =	vld [tilespmem:s26+$0xFFFFFFA0];
	v2 =	vadd.f32 v2, v15  }
0x6c: {  	v7 =	vmul.bf16 v8, v7;
	v11 =	vld [tilespmem:s23+$0xFFFFFFA0];
	v5 =	vmul.bf16 v9, v5;
	[tilespmem:s24+$0x0] =	vst v4  }
0x6d: {  	v4 =	vld [tilespmem:s26+$0xFFFFFFB0];
	[tilespmem:s24+$0xFFFFFFD0] =	vst v2  }
0x6e: {  	v9 =	vadd.bf16 v10, v12;
	v8 =	vld [tilespmem:s23+$0xFFFFFFB0];
	v5 =	vadd.bf16 v5, v7  }
0x6f: {  	v2 =	vmul.bf16 v14, v3;
	v7 =	vld [tilespmem:s26+$0xFFFFFFC0]  }
0x70: {  	v10 =	vld [tilespmem:s23+$0xFFFFFFC0];
	v3 =	vadd.bf16 v5, v9  }
0x71: {  	v5 =	vmul.bf16 v11, v6;
	v6 =	vld [tilespmem:s26+$0xFFFFFFD0]  }
0x72: {  	v9 =	vld [tilespmem:s23+$0xFFFFFFD0];
	v11 =	vunpack.i.u.bf16.f32 v3;
	v3 =	vunpack.i.l.bf16.f32 v3  }
0x73: {  	v4 =	vmul.bf16 v8, v4;
	v8 =	vld [tilespmem:s26+$0xFFFFFFE0];
	v11 =	vadd.f32 v3, v11  }
0x74: {  	s24 =	sadd.s32 $0x60, s24;
	v12 =	vld [tilespmem:s23+$0xFFFFFFE0]  }
0x75: {  	v3 =	vadd.bf16 v4, v5;
	v4 =	vmul.bf16 v10, v7;
	v5 =	vld [tilespmem:s26+$0xFFFFFFF0];
	[tilespmem:s24+$0x18] =	vst v11  }
0x76: {  	v7 =	vld [tilespmem:s23+$0xFFFFFFF0]  }
0x77: {  	v6 =	vmul.bf16 v9, v6;
	v9 =	vld [tilespmem:s26+$0x0]  }
0x78: {  	v10 =	vld [tilespmem:s23+$0x0]  }
0x79: {  	v8 =	vmul.bf16 v12, v8;
	v11 =	vadd.bf16 v6, v4;
	v12 =	vld [tilespmem:s26+$0x10]  }
0x7a: {  	v13 =	vld [tilespmem:s23+$0x10]  }
.Ltmp0:
0x7b: {  	v5 =	vmul.bf16 v7, v5;
	v4 =	vld [tilespmem:s26+$0x20];
	(pc) =	sbr.rel @p0 .LBB2_3-.Ltmp0, $4  }
0x7c: {  	v6 =	vld [tilespmem:s23+$0x20]  }
0x7d: {  	v14 =	vadd.bf16 v5, v8;
	v10 =	vmul.bf16 v10, v9;
	v5 =	vld [tilespmem:s26+$0x30]  }
0x7e: {  	v7 =	vld [tilespmem:s23+$0x30]  }
0x7f: {  	v8 =	vld [tilespmem:s26+$0xFFFFFF80];
	v9 =	vadd.bf16 v14, v11;
	v11 =	vmul.bf16 v13, v12;
	s26 =	sadd.s32 $0x100, s26  }
0x80: {  	_ =	sdelay $0x2  }
0x81: {  	v4 =	vmul.bf16 v6, v4;
	v5 =	vmul.bf16 v7, v5  }
0x82: {  	v1 =	vmul.bf16 v1, v8  }
0x83: {  	v6 =	vadd.bf16 v11, v10;
	v4 =	vadd.bf16 v5, v4  }
0x84: {  	v1 =	vadd.bf16 v2, v1  }
0x85: {  	v2 =	vadd.bf16 v4, v6  }
0x86: {  	v5 =	vunpack.i.l.bf16.f32 v9;
	v4 =	vunpack.i.u.bf16.f32 v9;
	v1 =	vadd.bf16 v3, v1  }
0x87: {  	v3 =	vadd.f32 v5, v4;
	v4 =	vunpack.i.u.bf16.f32 v2;
	v2 =	vunpack.i.l.bf16.f32 v2  }
0x88: {  	v5 =	vunpack.i.u.bf16.f32 v1;
	v1 =	vunpack.i.l.bf16.f32 v1;
	v2 =	vadd.f32 v2, v4  }
0x89: {  	[tilespmem:s24+$0xFFFFFFE8] =	vst v3;
	v1 =	vadd.f32 v1, v5  }
0x8a: {  	[tilespmem:s24+$0x0] =	vst v2  }
0x8b: {  	[tilespmem:s24+$0xFFFFFFD0] =	vst v1  }
0x8c: {  	v1 =	vld.idx.msk [tilespmem:v0+s16+$0x0], $0xffff  }
0x8d: {  	v2 =	vld [tilespmem:$0x1FDB0]  }
0x8e: {  	v3 =	vld [tilespmem:$0x1FDC0]  }
0x8f: {  	v4 =	vld [tilespmem:$0x1FDD0]  }
0x90: {  	v5 =	vld [tilespmem:$0x1FDE0]  }
0x91: {  	v6 =	vld [tilespmem:$0x1FDF0]  }
0x92: {  	v7 =	vld [tilespmem:$0x1FE00]  }
0x93: {  	v8 =	vld [tilespmem:$0x1FE10]  }
0x94: {  	v9 =	vld [tilespmem:$0x1FE20]  }
0x95: {  	v10 =	vld [tilespmem:$0x1FE30]  }
0x96: {  	v11 =	vld [tilespmem:$0x1FE40]  }
0x97: {  	v12 =	vld [tilespmem:$0x1FE50]  }
0x98: {  	v13 =	vld [tilespmem:$0x1FE60]  }
0x99: {  	v14 =	vld [tilespmem:$0x1FE70]  }
0x9a: {  	v15 =	vld [tilespmem:$0x1FE80]  }
0x9b: {  	v16 =	vld [tilespmem:$0x1FE90]  }
0x9c: {  	v2 =	vld.idx.msk [tilespmem:v2+s16+$0x0], $0xffff  }
0x9d: {  	v3 =	vld.idx.msk [tilespmem:v3+s16+$0x0], $0xffff  }
0x9e: {  	v4 =	vld.idx.msk [tilespmem:v4+s16+$0x0], $0xffff  }
0x9f: {  	v5 =	vld.idx.msk [tilespmem:v5+s16+$0x0], $0xffff  }
0xa0: {  	v6 =	vld.idx.msk [tilespmem:v6+s16+$0x0], $0xffff  }
0xa1: {  	v7 =	vld.idx.msk [tilespmem:v7+s16+$0x0], $0xffff  }
0xa2: {  	v8 =	vld.idx.msk [tilespmem:v8+s16+$0x0], $0xffff  }
0xa3: {  	v9 =	vld.idx.msk [tilespmem:v9+s16+$0x0], $0xffff  }
0xa4: {  	v10 =	vld.idx.msk [tilespmem:v10+s16+$0x0], $0xffff  }
0xa5: {  	v11 =	vld.idx.msk [tilespmem:v11+s16+$0x0], $0xffff  }
0xa6: {  	v12 =	vld.idx.msk [tilespmem:v12+s16+$0x0], $0xffff  }
0xa7: {  	v13 =	vld.idx.msk [tilespmem:v13+s16+$0x0], $0xffff  }
0xa8: {  	v14 =	vld.idx.msk [tilespmem:v14+s16+$0x0], $0xffff  }
0xa9: {  	v15 =	vld.idx.msk [tilespmem:v15+s16+$0x0], $0xffff  }
0xaa: {  	v16 =	vld.idx.msk [tilespmem:v16+s16+$0x0], $0xffff;
	_ =	sdelay $0x1  }
0xab: {  	v1 =	vadd.f32 v2, v1;
	v2 =	vadd.f32 v4, v3  }
0xac: {  	v3 =	vadd.f32 v6, v5;
	v4 =	vadd.f32 v8, v7  }
0xad: {  	v5 =	vadd.f32 v10, v9;
	v6 =	vadd.f32 v12, v11  }
0xae: {  	v7 =	vadd.f32 v14, v13;
	v8 =	vadd.f32 v16, v15  }
0xaf: {  	v1 =	vadd.f32 v2, v1;
	v2 =	vadd.f32 v4, v3  }
0xb0: {  	v3 =	vadd.f32 v6, v5;
	v4 =	vadd.f32 v8, v7;
	_ =	sdelay $0x1  }
0xb1: {  	v1 =	vadd.f32 v2, v1;
	v2 =	vadd.f32 v4, v3;
	_ =	sdelay $0x1  }
0xb2: {  	v1 =	vadd.f32 v2, v1;
	_ =	sdelay $0x1  }
0xb3: {  	v1 =	vsub.f32 $0.0e+00, v1;
	_ =	sdelay $0x1  }
0xb4: {  	v1 =	vmul.f32 $1.442695020e+00, v1;
	_ =	sdelay $0x1  }
0xb5: {  	(erf) = vpow2.f32 v1;
	_ =	sdelay $0x6  }
0xb6: {  	v9 =	vld [tilespmem:$0x1FF20]  }
0xb7: {  	v10 =	vld [tilespmem:$0x1FF30]  }
0xb8: {  	v11 =	vld [tilespmem:$0x1FF40];
	v1 =	vpop (erf)  }
0xb9: {  	v12 =	vld [tilespmem:$0x1FF50];
	v1 =	vadd.f32 $1.000000000e+00, v1  }
0xba: {  	v13 =	vld [tilespmem:$0x1FF60]  }
0xbb: {  	v14 =	vld [tilespmem:$0x1FF70];
	(erf) = vrcp.f32 v1  }
0xbc: {  	v15 =	vld [tilespmem:$0x1FF80]  }
0xbd: {  	v16 =	vld [tilespmem:$0x1FF90]  }
0xbe: {  	v2 =	vld [tilespmem:$0x1FEB0]  }
0xbf: {  	v3 =	vld [tilespmem:$0x1FEC0]  }
0xc0: {  	v4 =	vld [tilespmem:$0x1FED0]  }
0xc1: {  	v5 =	vld [tilespmem:$0x1FEE0]  }
0xc2: {  	v6 =	vld [tilespmem:$0x1FEF0]  }
0xc3: {  	v7 =	vld [tilespmem:$0x1FF00]  }
0xc4: {  	v8 =	vld [tilespmem:$0x1FF10];
	v1 =	vpop (erf)  }
0xc5: {  	[tilespmem:s21+$0x4E20] =	vst v1;
	v1 =	vld [tilespmem:$0x1FEA0]  }
0xc6: {  	v2 =	vld.idx.msk [tilespmem:v2+s16+$0x0], $0xffff  }
0xc7: {  	v3 =	vld.idx.msk [tilespmem:v3+s16+$0x0], $0xffff  }
0xc8: {  	v4 =	vld.idx.msk [tilespmem:v4+s16+$0x0], $0xffff  }
0xc9: {  	v5 =	vld.idx.msk [tilespmem:v5+s16+$0x0], $0xffff  }
0xca: {  	v6 =	vld.idx.msk [tilespmem:v6+s16+$0x0], $0xffff  }
0xcb: {  	v7 =	vld.idx.msk [tilespmem:v7+s16+$0x0], $0xffff  }
0xcc: {  	v8 =	vld.idx.msk [tilespmem:v8+s16+$0x0], $0xffff  }
0xcd: {  	v9 =	vld.idx.msk [tilespmem:v9+s16+$0x0], $0xffff  }
0xce: {  	v10 =	vld.idx.msk [tilespmem:v10+s16+$0x0], $0xffff  }
0xcf: {  	v11 =	vld.idx.msk [tilespmem:v11+s16+$0x0], $0xffff  }
0xd0: {  	v12 =	vld.idx.msk [tilespmem:v12+s16+$0x0], $0xffff  }
0xd1: {  	v13 =	vld.idx.msk [tilespmem:v13+s16+$0x0], $0xffff  }
0xd2: {  	v1 =	vld.idx.msk [tilespmem:v1+s16+$0x0], $0xffff  }
0xd3: {  	v14 =	vld.idx.msk [tilespmem:v14+s16+$0x0], $0xffff  }
0xd4: {  	v15 =	vld.idx.msk [tilespmem:v15+s16+$0x0], $0xffff  }
0xd5: {  	v16 =	vld.idx.msk [tilespmem:v16+s16+$0x0], $0xffff;
	_ =	sdelay $0x1  }
0xd6: {  	v1 =	vadd.f32 v2, v1;
	v2 =	vadd.f32 v4, v3  }
0xd7: {  	v3 =	vadd.f32 v6, v5;
	v4 =	vadd.f32 v8, v7  }
0xd8: {  	v5 =	vadd.f32 v10, v9;
	v6 =	vadd.f32 v12, v11  }
0xd9: {  	v7 =	vadd.f32 v14, v13;
	v8 =	vadd.f32 v16, v15  }
0xda: {  	v1 =	vadd.f32 v2, v1;
	v2 =	vadd.f32 v4, v3  }
0xdb: {  	v3 =	vadd.f32 v6, v5;
	v4 =	vadd.f32 v8, v7;
	_ =	sdelay $0x1  }
0xdc: {  	v1 =	vadd.f32 v2, v1;
	v2 =	vadd.f32 v4, v3;
	_ =	sdelay $0x1  }
0xdd: {  	v1 =	vadd.f32 v2, v1;
	_ =	sdelay $0x1  }
0xde: {  	v1 =	vsub.f32 $0.0e+00, v1;
	_ =	sdelay $0x1  }
0xdf: {  	v1 =	vmul.f32 $1.442695020e+00, v1;
	_ =	sdelay $0x1  }
0xe0: {  	(erf) = vpow2.f32 v1;
	_ =	sdelay $0x8  }
0xe1: {  	v1 =	vpop (erf)  }
0xe2: {  	v1 =	vadd.f32 $1.000000000e+00, v1;
	_ =	sdelay $0x1  }
0xe3: {  	(erf) = vrcp.f32 v1;
	_ =	sdelay $0x2  }
0xe4: {  	v2 =	vld [tilespmem:$0x1FFB0]  }
0xe5: {  	v3 =	vld [tilespmem:$0x1FFC0]  }
0xe6: {  	v4 =	vld [tilespmem:$0x1FFD0]  }
0xe7: {  	v5 =	vld [tilespmem:$0x1FFE0]  }
0xe8: {  	v6 =	vld [tilespmem:$0x1FFF0];
	_ =	sdelay $0x1  }
0xe9: {  	v1 =	vpop (erf)  }
0xea: {  	[tilespmem:s21+$0x4E30] =	vst v1;
	v1 =	vld [tilespmem:$0x1FFA0]  }
0xeb: {  	v2 =	vld.idx.msk [tilespmem:v2+s16+$0x0], $0xffff  }
0xec: {  	v3 =	vld.idx.msk [tilespmem:v3+s16+$0x0], $0xffff  }
0xed: {  	v4 =	vld.idx.msk [tilespmem:v4+s16+$0x0], $0xffff  }
0xee: {  	v5 =	vld.idx.msk [tilespmem:v5+s16+$0x0], $0xffff  }
0xef: {  	v6 =	vld.idx.msk [tilespmem:v6+s16+$0x0], $0xffff  }
0xf0: {  	v7 =	vld.idx.msk [tilespmem:v38+s16+$0x0], $0xffff  }
0xf1: {  	v8 =	vld.idx.msk [tilespmem:v39+s16+$0x0], $0xffff  }
0xf2: {  	v9 =	vld.idx.msk [tilespmem:v40+s16+$0x0], $0xffff  }
0xf3: {  	v10 =	vld.idx.msk [tilespmem:v41+s16+$0x0], $0xffff  }
0xf4: {  	v11 =	vld.idx.msk [tilespmem:v42+s16+$0x0], $0xffff  }
0xf5: {  	v12 =	vld.idx.msk [tilespmem:v43+s16+$0x0], $0xffff  }
0xf6: {  	v13 =	vld.idx.msk [tilespmem:v44+s16+$0x0], $0xffff  }
0xf7: {  	v1 =	vld.idx.msk [tilespmem:v1+s16+$0x0], $0xffff  }
0xf8: {  	v14 =	vld.idx.msk [tilespmem:v45+s16+$0x0], $0xffff  }
0xf9: {  	v15 =	vld.idx.msk [tilespmem:v46+s16+$0x0], $0xffff  }
0xfa: {  	v16 =	vld.idx.msk [tilespmem:v47+s16+$0x0], $0xffff;
	_ =	sdelay $0x1  }
0xfb: {  	v1 =	vadd.f32 v2, v1;
	v2 =	vadd.f32 v4, v3  }
0xfc: {  	v3 =	vadd.f32 v6, v5;
	v4 =	vadd.f32 v8, v7  }
0xfd: {  	v5 =	vadd.f32 v10, v9;
	v6 =	vadd.f32 v12, v11  }
0xfe: {  	v7 =	vadd.f32 v14, v13;
	v8 =	vadd.f32 v16, v15  }
0xff: {  	v1 =	vadd.f32 v2, v1;
	v2 =	vadd.f32 v4, v3  }
0x100: {  	v3 =	vadd.f32 v6, v5;
	v4 =	vadd.f32 v8, v7;
	_ =	sdelay $0x1  }
0x101: {  	v1 =	vadd.f32 v2, v1;
	v2 =	vadd.f32 v4, v3;
	_ =	sdelay $0x1  }
0x102: {  	v1 =	vadd.f32 v2, v1;
	_ =	sdelay $0x1  }
0x103: {  	v1 =	vsub.f32 $0.0e+00, v1;
	_ =	sdelay $0x1  }
0x104: {  	v1 =	vmul.f32 $1.442695020e+00, v1;
	_ =	sdelay $0x1  }
0x105: {  	(erf) = vpow2.f32 v1;
	_ =	sdelay $0x8  }
0x106: {  	v1 =	vpop (erf)  }
0x107: {  	v1 =	vadd.f32 $1.000000000e+00, v1;
	_ =	sdelay $0x1  }
0x108: {  	(erf) = vrcp.f32 v1;
	_ =	sdelay $0x8  }
0x109: {  	v1 =	vpop (erf)  }
0x10a: {  	[tilespmem:s21+$0x4E40] =	vst v1  }
0x10b: {  	v1 =	vld.idx.msk [tilespmem:v48+s16+$0x0], $0xffff  }
0x10c: {  	v2 =	vld.idx.msk [tilespmem:v49+s16+$0x0], $0xffff  }
0x10d: {  	v3 =	vld.idx.msk [tilespmem:v50+s16+$0x0], $0xffff  }
0x10e: {  	v4 =	vld.idx.msk [tilespmem:v51+s16+$0x0], $0xffff  }
0x10f: {  	v5 =	vld.idx.msk [tilespmem:v52+s16+$0x0], $0xffff  }
0x110: {  	v6 =	vld.idx.msk [tilespmem:v53+s16+$0x0], $0xffff  }
0x111: {  	v7 =	vld.idx.msk [tilespmem:v54+s16+$0x0], $0xffff  }
0x112: {  	v60 =	vadd.s32 $0x48C, v0;
	v8 =	vld.idx.msk [tilespmem:v55+s16+$0x0], $0xffff  }
0x113: {  	v61 =	vadd.s32 $0x48D, v0;
	v9 =	vld.idx.msk [tilespmem:v56+s16+$0x0], $0xffff  }
0x114: {  	v62 =	vadd.s32 $0x48E, v0;
	v10 =	vld.idx.msk [tilespmem:v57+s16+$0x0], $0xffff  }
0x115: {  	v63 =	vadd.s32 $0x48F, v0;
	v11 =	vld.idx.msk [tilespmem:v58+s16+$0x0], $0xffff  }
0x116: {  	v12 =	vld.idx.msk [tilespmem:v59+s16+$0x0], $0xffff  }
0x117: {  	v13 =	vld.idx.msk [tilespmem:v60+s16+$0x0], $0xffff  }
0x118: {  	v14 =	vld.idx.msk [tilespmem:v61+s16+$0x0], $0xffff  }
0x119: {  	v15 =	vld.idx.msk [tilespmem:v62+s16+$0x0], $0xffff  }
0x11a: {  	v16 =	vld.idx.msk [tilespmem:v63+s16+$0x0], $0xffff;
	_ =	sdelay $0x1  }
0x11b: {  	v1 =	vadd.f32 v2, v1;
	v2 =	vadd.f32 v4, v3  }
0x11c: {  	v3 =	vadd.f32 v6, v5;
	v4 =	vadd.f32 v8, v7  }
0x11d: {  	v5 =	vadd.f32 v10, v9;
	v6 =	vadd.f32 v12, v11  }
0x11e: {  	v7 =	vadd.f32 v14, v13;
	v8 =	vadd.f32 v16, v15  }
0x11f: {  	v1 =	vadd.f32 v2, v1;
	v2 =	vadd.f32 v4, v3  }
0x120: {  	v3 =	vadd.f32 v6, v5;
	v4 =	vadd.f32 v8, v7;
	_ =	sdelay $0x1  }
0x121: {  	v1 =	vadd.f32 v2, v1;
	v2 =	vadd.f32 v4, v3;
	_ =	sdelay $0x1  }
0x122: {  	v1 =	vadd.f32 v2, v1;
	_ =	sdelay $0x1  }
0x123: {  	v1 =	vsub.f32 $0.0e+00, v1;
	_ =	sdelay $0x1  }
0x124: {  	v1 =	vmul.f32 $1.442695020e+00, v1;
	_ =	sdelay $0x1  }
0x125: {  	(erf) = vpow2.f32 v1;
	_ =	sdelay $0x8  }
0x126: {  	v1 =	vpop (erf)  }
0x127: {  	v1 =	vadd.f32 $1.000000000e+00, v1;
	_ =	sdelay $0x1  }
0x128: {  	(erf) = vrcp.f32 v1;
	_ =	sdelay $0x5  }
0x129: {  	v1 =	vor.u32 $0x600, v0  }
0x12a: {  	v2 =	vor.u32 $0x601, v0  }
0x12b: {  	v3 =	vor.u32 $0x602, v0  }
0x12c: {  	v4 =	vor.u32 $0x603, v0;
	v5 =	vpop (erf)  }
0x12d: {  	v6 =	vor.u32 $0x605, v0;
	[tilespmem:s21+$0x4E50] =	vst v5  }
0x12e: {  	v7 =	vor.u32 $0x606, v0;
	v17 =	vld.idx.msk [tilespmem:v1+s16+$0x0], $0xffff  }
0x12f: {  	v8 =	vor.u32 $0x607, v0;
	v18 =	vld.idx.msk [tilespmem:v2+s16+$0x0], $0xffff  }
0x130: {  	v9 =	vadd.s32 $0x608, v0;
	v19 =	vld.idx.msk [tilespmem:v3+s16+$0x0], $0xffff  }
0x131: {  	v10 =	vadd.s32 $0x609, v0;
	v20 =	vld.idx.msk [tilespmem:v4+s16+$0x0], $0xffff  }
0x132: {  	v11 =	vadd.s32 $0x60A, v0;
	v22 =	vld.idx.msk [tilespmem:v6+s16+$0x0], $0xffff  }
0x133: {  	v13 =	vadd.s32 $0x60C, v0;
	v23 =	vld.idx.msk [tilespmem:v7+s16+$0x0], $0xffff  }
0x134: {  	v14 =	vadd.s32 $0x60D, v0;
	v24 =	vld.idx.msk [tilespmem:v8+s16+$0x0], $0xffff  }
0x135: {  	v15 =	vadd.s32 $0x60E, v0;
	v25 =	vld.idx.msk [tilespmem:v9+s16+$0x0], $0xffff  }
0x136: {  	v16 =	vadd.s32 $0x60F, v0;
	v26 =	vld.idx.msk [tilespmem:v10+s16+$0x0], $0xffff  }
0x137: {  	v5 =	vor.u32 $0x604, v0;
	v27 =	vld.idx.msk [tilespmem:v11+s16+$0x0], $0xffff  }
0x138: {  	v12 =	vadd.s32 $0x60B, v0;
	v29 =	vld.idx.msk [tilespmem:v13+s16+$0x0], $0xffff  }
0x139: {  	v30 =	vld.idx.msk [tilespmem:v14+s16+$0x0], $0xffff  }
0x13a: {  	v31 =	vld.idx.msk [tilespmem:v15+s16+$0x0], $0xffff  }
0x13b: {  	v32 =	vld.idx.msk [tilespmem:v16+s16+$0x0], $0xffff  }
0x13c: {  	v21 =	vld.idx.msk [tilespmem:v5+s16+$0x0], $0xffff  }
0x13d: {  	v28 =	vld.idx.msk [tilespmem:v12+s16+$0x0], $0xffff;
	_ =	sdelay $0x1  }
0x13e: {  	v17 =	vadd.f32 v18, v17;
	v18 =	vadd.f32 v20, v19  }
0x13f: {  	v20 =	vadd.f32 v24, v23;
	v23 =	vadd.f32 v30, v29  }
0x140: {  	v24 =	vadd.f32 v32, v31;
	v19 =	vadd.f32 v22, v21  }
0x141: {  	v21 =	vadd.f32 v26, v25;
	v22 =	vadd.f32 v28, v27  }
0x142: {  	v17 =	vadd.f32 v18, v17;
	v18 =	vadd.f32 v20, v19  }
0x143: {  	v19 =	vadd.f32 v22, v21;
	v20 =	vadd.f32 v24, v23;
	_ =	sdelay $0x1  }
0x144: {  	v17 =	vadd.f32 v18, v17;
	v18 =	vadd.f32 v20, v19;
	_ =	sdelay $0x1  }
0x145: {  	v17 =	vadd.f32 v18, v17;
	_ =	sdelay $0x1  }
0x146: {  	v17 =	vsub.f32 $0.0e+00, v17;
	_ =	sdelay $0x1  }
0x147: {  	v17 =	vmul.f32 $1.442695020e+00, v17;
	_ =	sdelay $0x1  }
0x148: {  	(erf) = vpow2.f32 v17;
	_ =	sdelay $0x8  }
0x149: {  	v17 =	vpop (erf)  }
0x14a: {  	v17 =	vadd.f32 $1.000000000e+00, v17;
	_ =	sdelay $0x1  }
0x14b: {  	(erf) = vrcp.f32 v17;
	_ =	sdelay $0x8  }
0x14c: {  	v17 =	vpop (erf)  }
0x14d: {  	s23 =	sadd.s32 $0xA0, s21;
	[tilespmem:s21+$0x4E60] =	vst v17  }
0x14e: {  	[tilespmem:s11], [sflag:$0x1] =	stream.indirect.gather [hbm4b:s3+s10], $0x40, s23, s10, $0xb8;
	[tilespmem:$0xCCB0] =	vst v63  }
0x14f: {  	s31 =	sadd.s32 $0x27B0, s21  }
0x150: {  	[tilespmem:s12], [sflag:$0x1] =	stream.indirect.gather [hbm4b:s3+s10], $0x40, s31, s10, $0xb8;
	[tilespmem:$0xCCB0] =	vst v63  }
0x151: {  	_ =	swait.ge [sflag:s17], $0x1400  }
0x152: {  	[sflag:s17] =	ssyncset.done $0x0  }
0x153: {  	[sflag:s17] =	ssyncadd.s32 $0xFFFFEC00  }
0x154: {  	_ =	swait.ge [sflag:s17], $0x1400  }
0x155: {  	[sflag:s17] =	ssyncset.done $0x0  }
0x156: {  	s26 =	simm.s32 $0x89B0;
	[sflag:s17] =	ssyncadd.s32 $0xFFFFEC00  }
0x157: {  	s23 =	simm.s32 $0xB1B0;
	v18 =	vld [tilespmem:s26+$0x40]  }
0x158: {  	v19 =	vld [tilespmem:s23+$0x40]  }
0x159: {  	v20 =	vld [tilespmem:s26+$0x50]  }
0x15a: {  	v21 =	vld [tilespmem:s23+$0x50]  }
0x15b: {  	v22 =	vld [tilespmem:s26+$0x60]  }
0x15c: {  	v23 =	vld [tilespmem:s23+$0x60]  }
0x15d: {  	v24 =	vld [tilespmem:s26+$0x70]  }
0x15e: {  	v25 =	vld [tilespmem:s23+$0x70]  }
0x15f: {  	v17 =	vld [tilespmem:s23+$0xFFFFFF80]  }
0x160: {  	v26 =	vld [tilespmem:s26+$0xFFFFFF90]  }
0x161: {  	v27 =	vld [tilespmem:s23+$0xFFFFFF90]  }
0x162: {  	v28 =	vld [tilespmem:s26+$0xFFFFFFA0]  }
0x163: {  	v29 =	vld [tilespmem:s23+$0xFFFFFFA0]  }
0x164: {  	v30 =	vld [tilespmem:s26+$0xFFFFFFB0]  }
0x165: {  	v31 =	vld [tilespmem:s23+$0xFFFFFFB0]  }
0x166: {  	v32 =	vld [tilespmem:s26+$0xFFFFFFC0]  }
0x167: {  	v33 =	vld [tilespmem:s23+$0xFFFFFFC0]  }
0x168: {  	v34 =	vld [tilespmem:s26+$0xFFFFFFD0]  }
0x169: {  	v35 =	vld [tilespmem:s23+$0xFFFFFFD0]  }
0x16a: {  	v36 =	vld [tilespmem:s26+$0xFFFFFFE0]  }
0x16b: {  	v18 =	vmul.bf16 v19, v18;
	v19 =	vmul.bf16 v21, v20;
	v20 =	vld [tilespmem:s23+$0xFFFFFFE0]  }
0x16c: {  	v21 =	vmul.bf16 v23, v22;
	v22 =	vmul.bf16 v25, v24;
	v23 =	vld [tilespmem:s26+$0xFFFFFFF0]  }
0x16d: {  	v24 =	vld [tilespmem:s23+$0xFFFFFFF0]  }
0x16e: {  	v37 =	vld [tilespmem:s23+$0x0];
	v18 =	vadd.bf16 v19, v18;
	v19 =	vadd.bf16 v22, v21  }
0x16f: {  	v25 =	vld [tilespmem:s26+$0x0]  }
0x170: {  	v21 =	vmul.bf16 v35, v34;
	v34 =	vld [tilespmem:s23+$0x10];
	v18 =	vadd.bf16 v19, v18  }
0x171: {  	v19 =	vmul.bf16 v33, v32;
	v32 =	vld [tilespmem:s26+$0x10];
	v36 =	vmul.bf16 v20, v36  }
0x172: {  	v23 =	vmul.bf16 v24, v23;
	v20 =	vld [tilespmem:s26+$0x20];
	v22 =	vunpack.i.u.bf16.f32 v18;
	v18 =	vunpack.i.l.bf16.f32 v18  }
0x173: {  	v24 =	vmul.bf16 v29, v28;
	v29 =	vadd.f32 v18, v22;
	v22 =	vld [tilespmem:s23+$0x20]  }
0x174: {  	v28 =	vmul.bf16 v31, v30;
	v35 =	vadd.bf16 v21, v19;
	v21 =	vld [tilespmem:s26+$0x30];
	v36 =	vadd.bf16 v23, v36  }
0x175: {  	s24 =	simm.s32 $0xC560;
	v25 =	vmul.bf16 v37, v25;
	v18 =	vmul.bf16 v27, v26;
	v23 =	vld [tilespmem:s23+$0x30]  }
0x176: {  	s25 =	simm.s32 $0x0;
	v19 =	vadd.bf16 v28, v24;
	v26 =	vld [tilespmem:s26+$0xFFFFFF80];
	s26 =	simm.s32 $0x8AB0;
	[tilespmem:s24+$0x18] =	vst v29;
	v24 =	vadd.bf16 v36, v35;
	v27 =	vmul.bf16 v34, v32  }
.LBB2_5:
0x177: {  	v28 =	vld [tilespmem:s26+$0x40];
	s23 =	sadd.s32 $0x100, s23  }
0x178: {  	v29 =	vld [tilespmem:s23+$0x40];
	v30 =	vunpack.i.u.bf16.f32 v24;
	v20 =	vmul.bf16 v22, v20;
	v22 =	vadd.bf16 v27, v25  }
0x179: {  	v24 =	vunpack.i.l.bf16.f32 v24;
	v25 =	vld [tilespmem:s26+$0x50]  }
0x17a: {  	v24 =	vadd.f32 v24, v30;
	v27 =	vld [tilespmem:s23+$0x50];
	v21 =	vmul.bf16 v23, v21  }
0x17b: {  	v23 =	vld [tilespmem:s26+$0x60];
	v17 =	vmul.bf16 v17, v26  }
0x17c: {  	v26 =	vld [tilespmem:s23+$0x60];
	[tilespmem:s24+$0xFFFFFFE8] =	vst v24;
	v20 =	vadd.bf16 v21, v20  }
0x17d: {  	v21 =	vld [tilespmem:s26+$0x70];
	v18 =	vadd.bf16 v18, v17  }
0x17e: {  	s25 =	sadd.s32 $0x4, s25;
	v24 =	vld [tilespmem:s23+$0x70];
	v20 =	vadd.bf16 v20, v22  }
0x17f: {  	p0 =	slt.u32 s25, $0x4C;
	v17 =	vld [tilespmem:s23+$0xFFFFFF80];
	v18 =	vadd.bf16 v19, v18  }
0x180: {  	v19 =	vld [tilespmem:s26+$0xFFFFFF90];
	v22 =	vunpack.i.u.bf16.f32 v20;
	v20 =	vunpack.i.l.bf16.f32 v20  }
0x181: {  	v30 =	vld [tilespmem:s23+$0xFFFFFF90];
	v31 =	vunpack.i.u.bf16.f32 v18;
	v18 =	vunpack.i.l.bf16.f32 v18;
	v20 =	vadd.f32 v20, v22  }
0x182: {  	v28 =	vmul.bf16 v29, v28;
	v25 =	vmul.bf16 v27, v25;
	v22 =	vld [tilespmem:s26+$0xFFFFFFA0];
	v18 =	vadd.f32 v18, v31  }
0x183: {  	v23 =	vmul.bf16 v26, v23;
	v27 =	vld [tilespmem:s23+$0xFFFFFFA0];
	v21 =	vmul.bf16 v24, v21;
	[tilespmem:s24+$0x0] =	vst v20  }
0x184: {  	v20 =	vld [tilespmem:s26+$0xFFFFFFB0];
	[tilespmem:s24+$0xFFFFFFD0] =	vst v18  }
0x185: {  	v25 =	vadd.bf16 v25, v28;
	v24 =	vld [tilespmem:s23+$0xFFFFFFB0];
	v21 =	vadd.bf16 v21, v23  }
0x186: {  	v18 =	vmul.bf16 v30, v19;
	v23 =	vld [tilespmem:s26+$0xFFFFFFC0]  }
0x187: {  	v26 =	vld [tilespmem:s23+$0xFFFFFFC0];
	v19 =	vadd.bf16 v21, v25  }
0x188: {  	v21 =	vmul.bf16 v27, v22;
	v22 =	vld [tilespmem:s26+$0xFFFFFFD0]  }
0x189: {  	v25 =	vld [tilespmem:s23+$0xFFFFFFD0];
	v27 =	vunpack.i.u.bf16.f32 v19;
	v19 =	vunpack.i.l.bf16.f32 v19  }
0x18a: {  	v20 =	vmul.bf16 v24, v20;
	v24 =	vld [tilespmem:s26+$0xFFFFFFE0];
	v27 =	vadd.f32 v19, v27  }
0x18b: {  	s24 =	sadd.s32 $0x60, s24;
	v28 =	vld [tilespmem:s23+$0xFFFFFFE0]  }
0x18c: {  	v19 =	vadd.bf16 v20, v21;
	v20 =	vmul.bf16 v26, v23;
	v21 =	vld [tilespmem:s26+$0xFFFFFFF0];
	[tilespmem:s24+$0x18] =	vst v27  }
0x18d: {  	v23 =	vld [tilespmem:s23+$0xFFFFFFF0]  }
0x18e: {  	v22 =	vmul.bf16 v25, v22;
	v25 =	vld [tilespmem:s26+$0x0]  }
0x18f: {  	v26 =	vld [tilespmem:s23+$0x0]  }
0x190: {  	v24 =	vmul.bf16 v28, v24;
	v27 =	vadd.bf16 v22, v20;
	v28 =	vld [tilespmem:s26+$0x10]  }
0x191: {  	v29 =	vld [tilespmem:s23+$0x10]  }
.Ltmp1:
0x192: {  	v21 =	vmul.bf16 v23, v21;
	v20 =	vld [tilespmem:s26+$0x20];
	(pc) =	sbr.rel @p0 .LBB2_5-.Ltmp1, $4  }
0x193: {  	v22 =	vld [tilespmem:s23+$0x20]  }
0x194: {  	v24 =	vadd.bf16 v21, v24;
	v25 =	vmul.bf16 v26, v25;
	v21 =	vld [tilespmem:s26+$0x30]  }
0x195: {  	v23 =	vld [tilespmem:s23+$0x30]  }
0x196: {  	v26 =	vld [tilespmem:s26+$0xFFFFFF80];
	v24 =	vadd.bf16 v24, v27;
	v27 =	vmul.bf16 v29, v28;
	s26 =	sadd.s32 $0x100, s26  }
0x197: {  	_ =	sdelay $0x2  }
0x198: {  	v20 =	vmul.bf16 v22, v20;
	v21 =	vmul.bf16 v23, v21  }
0x199: {  	v17 =	vmul.bf16 v17, v26  }
0x19a: {  	v34 =	vadd.bf16 v27, v25;
	v20 =	vadd.bf16 v21, v20  }
0x19b: {  	v17 =	vadd.bf16 v18, v17  }
0x19c: {  	v18 =	vadd.bf16 v20, v34  }
0x19d: {  	v35 =	vunpack.i.u.bf16.f32 v24;
	v36 =	vunpack.i.l.bf16.f32 v24;
	v17 =	vadd.bf16 v19, v17  }
0x19e: {  	v19 =	vadd.f32 v36, v35;
	v37 =	vunpack.i.u.bf16.f32 v18;
	v18 =	vunpack.i.l.bf16.f32 v18  }
0x19f: {  	v24 =	vunpack.i.u.bf16.f32 v17;
	v17 =	vunpack.i.l.bf16.f32 v17;
	v18 =	vadd.f32 v18, v37  }
0x1a0: {  	[tilespmem:s24+$0xFFFFFFE8] =	vst v19;
	v17 =	vadd.f32 v17, v24  }
0x1a1: {  	[tilespmem:s24+$0x0] =	vst v18  }
0x1a2: {  	[tilespmem:s24+$0xFFFFFFD0] =	vst v17  }
0x1a3: {  	v18 =	vld [tilespmem:$0x1FDB0]  }
0x1a4: {  	v19 =	vld [tilespmem:$0x1FDC0]  }
0x1a5: {  	v25 =	vld [tilespmem:$0x1FDD0]  }
0x1a6: {  	v26 =	vld [tilespmem:$0x1FDE0]  }
0x1a7: {  	v27 =	vld [tilespmem:$0x1FDF0]  }
0x1a8: {  	v28 =	vld [tilespmem:$0x1FE00]  }
0x1a9: {  	v29 =	vld [tilespmem:$0x1FE10]  }
0x1aa: {  	v30 =	vld [tilespmem:$0x1FE20]  }
0x1ab: {  	v31 =	vld [tilespmem:$0x1FE30]  }
0x1ac: {  	v32 =	vld [tilespmem:$0x1FE40]  }
0x1ad: {  	v20 =	vld.idx.msk [tilespmem:v25+s16+$0x0], $0xffff  }
0x1ae: {  	v21 =	vld.idx.msk [tilespmem:v26+s16+$0x0], $0xffff  }
0x1af: {  	v22 =	vld.idx.msk [tilespmem:v27+s16+$0x0], $0xffff  }
0x1b0: {  	v23 =	vld.idx.msk [tilespmem:v28+s16+$0x0], $0xffff  }
0x1b1: {  	v24 =	vld.idx.msk [tilespmem:v29+s16+$0x0], $0xffff  }
0x1b2: {  	v25 =	vld.idx.msk [tilespmem:v30+s16+$0x0], $0xffff  }
0x1b3: {  	v26 =	vld.idx.msk [tilespmem:v31+s16+$0x0], $0xffff  }
0x1b4: {  	v27 =	vld.idx.msk [tilespmem:v32+s16+$0x0], $0xffff  }
0x1b5: {  	v28 =	vld [tilespmem:$0x1FE50]  }
0x1b6: {  	v29 =	vld [tilespmem:$0x1FE60]  }
0x1b7: {  	v30 =	vld [tilespmem:$0x1FE70]  }
0x1b8: {  	v31 =	vld [tilespmem:$0x1FE80]  }
0x1b9: {  	v32 =	vld [tilespmem:$0x1FE90]  }
0x1ba: {  	v17 =	vld.idx.msk [tilespmem:v0+s16+$0x0], $0xffff  }
0x1bb: {  	v18 =	vld.idx.msk [tilespmem:v18+s16+$0x0], $0xffff  }
0x1bc: {  	v19 =	vld.idx.msk [tilespmem:v19+s16+$0x0], $0xffff  }
0x1bd: {  	v28 =	vld.idx.msk [tilespmem:v28+s16+$0x0], $0xffff  }
0x1be: {  	v29 =	vld.idx.msk [tilespmem:v29+s16+$0x0], $0xffff  }
0x1bf: {  	v30 =	vld.idx.msk [tilespmem:v30+s16+$0x0], $0xffff  }
0x1c0: {  	v31 =	vld.idx.msk [tilespmem:v31+s16+$0x0], $0xffff  }
0x1c1: {  	v32 =	vld.idx.msk [tilespmem:v32+s16+$0x0], $0xffff;
	_ =	sdelay $0x1  }
0x1c2: {  	v17 =	vadd.f32 v18, v17;
	v18 =	vadd.f32 v20, v19  }
0x1c3: {  	v19 =	vadd.f32 v22, v21;
	v33 =	vadd.f32 v24, v23  }
0x1c4: {  	v34 =	vadd.f32 v26, v25;
	v35 =	vadd.f32 v28, v27  }
0x1c5: {  	v36 =	vadd.f32 v30, v29;
	v37 =	vadd.f32 v32, v31  }
0x1c6: {  	v17 =	vadd.f32 v18, v17;
	v18 =	vadd.f32 v33, v19  }
0x1c7: {  	v19 =	vadd.f32 v35, v34;
	v24 =	vadd.f32 v37, v36;
	_ =	sdelay $0x1  }
0x1c8: {  	v17 =	vadd.f32 v18, v17;
	v18 =	vadd.f32 v24, v19;
	_ =	sdelay $0x1  }
0x1c9: {  	v17 =	vadd.f32 v18, v17;
	_ =	sdelay $0x1  }
0x1ca: {  	v17 =	vsub.f32 $0.0e+00, v17;
	_ =	sdelay $0x1  }
0x1cb: {  	v17 =	vmul.f32 $1.442695020e+00, v17;
	_ =	sdelay $0x1  }
0x1cc: {  	(erf) = vpow2.f32 v17;
	_ =	sdelay $0x6  }
0x1cd: {  	v25 =	vld [tilespmem:$0x1FED0]  }
0x1ce: {  	v26 =	vld [tilespmem:$0x1FEE0]  }
0x1cf: {  	v33 =	vld [tilespmem:$0x1FF50];
	v17 =	vpop (erf)  }
0x1d0: {  	v27 =	vld [tilespmem:$0x1FEF0];
	v17 =	vadd.f32 $1.000000000e+00, v17  }
0x1d1: {  	v28 =	vld [tilespmem:$0x1FF00]  }
0x1d2: {  	v29 =	vld [tilespmem:$0x1FF10];
	(erf) = vrcp.f32 v17  }
0x1d3: {  	v30 =	vld [tilespmem:$0x1FF20]  }
0x1d4: {  	v31 =	vld [tilespmem:$0x1FF30]  }
0x1d5: {  	v18 =	vld [tilespmem:$0x1FEB0]  }
0x1d6: {  	v19 =	vld [tilespmem:$0x1FEC0]  }
0x1d7: {  	v32 =	vld [tilespmem:$0x1FF40]  }
0x1d8: {  	v34 =	vld [tilespmem:$0x1FF60]  }
0x1d9: {  	v35 =	vld [tilespmem:$0x1FF70]  }
0x1da: {  	v36 =	vld [tilespmem:$0x1FF80]  }
0x1db: {  	v37 =	vld [tilespmem:$0x1FF90];
	v17 =	vpop (erf)  }
0x1dc: {  	[tilespmem:s22+$0x4E20] =	vst v17;
	v17 =	vld [tilespmem:$0x1FEA0]  }
0x1dd: {  	v18 =	vld.idx.msk [tilespmem:v18+s16+$0x0], $0xffff  }
0x1de: {  	v19 =	vld.idx.msk [tilespmem:v19+s16+$0x0], $0xffff  }
0x1df: {  	v20 =	vld.idx.msk [tilespmem:v25+s16+$0x0], $0xffff  }
0x1e0: {  	v21 =	vld.idx.msk [tilespmem:v26+s16+$0x0], $0xffff  }
0x1e1: {  	v22 =	vld.idx.msk [tilespmem:v27+s16+$0x0], $0xffff  }
0x1e2: {  	v23 =	vld.idx.msk [tilespmem:v28+s16+$0x0], $0xffff  }
0x1e3: {  	v24 =	vld.idx.msk [tilespmem:v29+s16+$0x0], $0xffff  }
0x1e4: {  	v25 =	vld.idx.msk [tilespmem:v30+s16+$0x0], $0xffff  }
0x1e5: {  	v26 =	vld.idx.msk [tilespmem:v31+s16+$0x0], $0xffff  }
0x1e6: {  	v27 =	vld.idx.msk [tilespmem:v32+s16+$0x0], $0xffff  }
0x1e7: {  	v29 =	vld.idx.msk [tilespmem:v34+s16+$0x0], $0xffff  }
0x1e8: {  	v30 =	vld.idx.msk [tilespmem:v35+s16+$0x0], $0xffff  }
0x1e9: {  	v31 =	vld.idx.msk [tilespmem:v36+s16+$0x0], $0xffff  }
0x1ea: {  	v32 =	vld.idx.msk [tilespmem:v37+s16+$0x0], $0xffff  }
0x1eb: {  	v17 =	vld.idx.msk [tilespmem:v17+s16+$0x0], $0xffff  }
0x1ec: {  	v28 =	vld.idx.msk [tilespmem:v33+s16+$0x0], $0xffff;
	_ =	sdelay $0x1  }
0x1ed: {  	v36 =	vadd.f32 v24, v23;
	v37 =	vadd.f32 v26, v25  }
0x1ee: {  	v30 =	vadd.f32 v30, v29;
	v31 =	vadd.f32 v32, v31  }
0x1ef: {  	v17 =	vadd.f32 v18, v17;
	v18 =	vadd.f32 v20, v19  }
0x1f0: {  	v28 =	vadd.f32 v28, v27;
	v19 =	vadd.f32 v22, v21  }
0x1f1: {  	v32 =	vadd.f32 v31, v30;
	v17 =	vadd.f32 v18, v17  }
0x1f2: {  	v18 =	vadd.f32 v36, v19;
	v19 =	vadd.f32 v28, v37;
	_ =	sdelay $0x1  }
0x1f3: {  	v17 =	vadd.f32 v18, v17;
	v18 =	vadd.f32 v32, v19;
	_ =	sdelay $0x1  }
0x1f4: {  	v17 =	vadd.f32 v18, v17;
	_ =	sdelay $0x1  }
0x1f5: {  	v17 =	vsub.f32 $0.0e+00, v17;
	_ =	sdelay $0x1  }
0x1f6: {  	v17 =	vmul.f32 $1.442695020e+00, v17;
	_ =	sdelay $0x1  }
0x1f7: {  	(erf) = vpow2.f32 v17;
	_ =	sdelay $0x8  }
0x1f8: {  	v17 =	vpop (erf)  }
0x1f9: {  	v17 =	vadd.f32 $1.000000000e+00, v17;
	_ =	sdelay $0x1  }
0x1fa: {  	(erf) = vrcp.f32 v17;
	_ =	sdelay $0x2  }
0x1fb: {  	v18 =	vld [tilespmem:$0x1FFB0]  }
0x1fc: {  	v19 =	vld [tilespmem:$0x1FFC0]  }
0x1fd: {  	v33 =	vld [tilespmem:$0x1FFD0]  }
0x1fe: {  	v34 =	vld [tilespmem:$0x1FFE0]  }
0x1ff: {  	v35 =	vld [tilespmem:$0x1FFF0];
	_ =	sdelay $0x1  }
0x200: {  	v17 =	vpop (erf)  }
0x201: {  	[tilespmem:s21+$0x4E80] =	vst v17;
	v17 =	vld [tilespmem:$0x1FFA0]  }
0x202: {  	v18 =	vld.idx.msk [tilespmem:v18+s16+$0x0], $0xffff  }
0x203: {  	v19 =	vld.idx.msk [tilespmem:v19+s16+$0x0], $0xffff  }
0x204: {  	v20 =	vld.idx.msk [tilespmem:v33+s16+$0x0], $0xffff  }
0x205: {  	v21 =	vld.idx.msk [tilespmem:v34+s16+$0x0], $0xffff  }
0x206: {  	v22 =	vld.idx.msk [tilespmem:v35+s16+$0x0], $0xffff  }
0x207: {  	v23 =	vld.idx.msk [tilespmem:v38+s16+$0x0], $0xffff  }
0x208: {  	v36 =	vld.idx.msk [tilespmem:v39+s16+$0x0], $0xffff  }
0x209: {  	v25 =	vld.idx.msk [tilespmem:v40+s16+$0x0], $0xffff  }
0x20a: {  	v37 =	vld.idx.msk [tilespmem:v41+s16+$0x0], $0xffff  }
0x20b: {  	v27 =	vld.idx.msk [tilespmem:v42+s16+$0x0], $0xffff  }
0x20c: {  	v29 =	vld.idx.msk [tilespmem:v44+s16+$0x0], $0xffff  }
0x20d: {  	v30 =	vld.idx.msk [tilespmem:v45+s16+$0x0], $0xffff  }
0x20e: {  	v31 =	vld.idx.msk [tilespmem:v46+s16+$0x0], $0xffff  }
0x20f: {  	v32 =	vld.idx.msk [tilespmem:v47+s16+$0x0], $0xffff  }
0x210: {  	v17 =	vld.idx.msk [tilespmem:v17+s16+$0x0], $0xffff  }
0x211: {  	v28 =	vld.idx.msk [tilespmem:v43+s16+$0x0], $0xffff;
	_ =	sdelay $0x1  }
0x212: {  	v36 =	vadd.f32 v36, v23;
	v37 =	vadd.f32 v37, v25  }
0x213: {  	v33 =	vadd.f32 v30, v29;
	v34 =	vadd.f32 v32, v31  }
0x214: {  	v17 =	vadd.f32 v18, v17;
	v18 =	vadd.f32 v20, v19  }
0x215: {  	v28 =	vadd.f32 v28, v27;
	v19 =	vadd.f32 v22, v21  }
0x216: {  	v35 =	vadd.f32 v34, v33;
	v17 =	vadd.f32 v18, v17  }
0x217: {  	v18 =	vadd.f32 v36, v19;
	v19 =	vadd.f32 v28, v37;
	_ =	sdelay $0x1  }
0x218: {  	v17 =	vadd.f32 v18, v17;
	v18 =	vadd.f32 v35, v19;
	_ =	sdelay $0x1  }
0x219: {  	v17 =	vadd.f32 v18, v17;
	_ =	sdelay $0x1  }
0x21a: {  	v17 =	vsub.f32 $0.0e+00, v17;
	_ =	sdelay $0x1  }
0x21b: {  	v17 =	vmul.f32 $1.442695020e+00, v17;
	_ =	sdelay $0x1  }
0x21c: {  	(erf) = vpow2.f32 v17;
	_ =	sdelay $0x8  }
0x21d: {  	v17 =	vpop (erf)  }
0x21e: {  	v17 =	vadd.f32 $1.000000000e+00, v17;
	_ =	sdelay $0x1  }
0x21f: {  	(erf) = vrcp.f32 v17;
	_ =	sdelay $0x8  }
0x220: {  	v17 =	vpop (erf)  }
0x221: {  	[tilespmem:s21+$0x4E90] =	vst v17  }
0x222: {  	v17 =	vld.idx.msk [tilespmem:v48+s16+$0x0], $0xffff  }
0x223: {  	v18 =	vld.idx.msk [tilespmem:v49+s16+$0x0], $0xffff  }
0x224: {  	v19 =	vld.idx.msk [tilespmem:v50+s16+$0x0], $0xffff  }
0x225: {  	v20 =	vld.idx.msk [tilespmem:v51+s16+$0x0], $0xffff  }
0x226: {  	v21 =	vld.idx.msk [tilespmem:v52+s16+$0x0], $0xffff  }
0x227: {  	v22 =	vld.idx.msk [tilespmem:v53+s16+$0x0], $0xffff  }
0x228: {  	v23 =	vld.idx.msk [tilespmem:v54+s16+$0x0], $0xffff  }
0x229: {  	v36 =	vld.idx.msk [tilespmem:v55+s16+$0x0], $0xffff  }
0x22a: {  	v25 =	vld.idx.msk [tilespmem:v56+s16+$0x0], $0xffff  }
0x22b: {  	v37 =	vld.idx.msk [tilespmem:v57+s16+$0x0], $0xffff  }
0x22c: {  	v27 =	vld.idx.msk [tilespmem:v58+s16+$0x0], $0xffff  }
0x22d: {  	v28 =	vld.idx.msk [tilespmem:v59+s16+$0x0], $0xffff  }
0x22e: {  	v29 =	vld.idx.msk [tilespmem:v60+s16+$0x0], $0xffff  }
0x22f: {  	v30 =	vld.idx.msk [tilespmem:v61+s16+$0x0], $0xffff  }
0x230: {  	v31 =	vld.idx.msk [tilespmem:v62+s16+$0x0], $0xffff  }
0x231: {  	v32 =	vld.idx.msk [tilespmem:v63+s16+$0x0], $0xffff;
	_ =	sdelay $0x1  }
0x232: {  	v17 =	vadd.f32 v18, v17;
	v18 =	vadd.f32 v20, v19  }
0x233: {  	v19 =	vadd.f32 v22, v21;
	v36 =	vadd.f32 v36, v23  }
0x234: {  	v37 =	vadd.f32 v37, v25;
	v33 =	vadd.f32 v28, v27  }
0x235: {  	v34 =	vadd.f32 v30, v29;
	v35 =	vadd.f32 v32, v31  }
0x236: {  	v17 =	vadd.f32 v18, v17;
	v18 =	vadd.f32 v36, v19  }
0x237: {  	v19 =	vadd.f32 v33, v37;
	v36 =	vadd.f32 v35, v34;
	_ =	sdelay $0x1  }
0x238: {  	v17 =	vadd.f32 v18, v17;
	v18 =	vadd.f32 v36, v19;
	_ =	sdelay $0x1  }
0x239: {  	v17 =	vadd.f32 v18, v17;
	_ =	sdelay $0x1  }
0x23a: {  	v17 =	vsub.f32 $0.0e+00, v17;
	_ =	sdelay $0x1  }
0x23b: {  	v17 =	vmul.f32 $1.442695020e+00, v17;
	_ =	sdelay $0x1  }
0x23c: {  	(erf) = vpow2.f32 v17;
	_ =	sdelay $0x8  }
0x23d: {  	v17 =	vpop (erf)  }
0x23e: {  	v17 =	vadd.f32 $1.000000000e+00, v17;
	_ =	sdelay $0x1  }
0x23f: {  	(erf) = vrcp.f32 v17;
	_ =	sdelay $0x8  }
0x240: {  	v17 =	vpop (erf)  }
0x241: {  	[tilespmem:s21+$0x4EA0] =	vst v17  }
0x242: {  	v17 =	vld.idx.msk [tilespmem:v1+s16+$0x0], $0xffff  }
0x243: {  	v18 =	vld.idx.msk [tilespmem:v2+s16+$0x0], $0xffff  }
0x244: {  	v19 =	vld.idx.msk [tilespmem:v3+s16+$0x0], $0xffff  }
0x245: {  	v20 =	vld.idx.msk [tilespmem:v4+s16+$0x0], $0xffff  }
0x246: {  	v21 =	vld.idx.msk [tilespmem:v5+s16+$0x0], $0xffff  }
0x247: {  	v22 =	vld.idx.msk [tilespmem:v6+s16+$0x0], $0xffff  }
0x248: {  	v23 =	vld.idx.msk [tilespmem:v7+s16+$0x0], $0xffff  }
0x249: {  	v37 =	vld.idx.msk [tilespmem:v8+s16+$0x0], $0xffff  }
0x24a: {  	v25 =	vld.idx.msk [tilespmem:v9+s16+$0x0], $0xffff  }
0x24b: {  	v26 =	vld.idx.msk [tilespmem:v10+s16+$0x0], $0xffff  }
0x24c: {  	v27 =	vld.idx.msk [tilespmem:v11+s16+$0x0], $0xffff  }
0x24d: {  	v28 =	vld.idx.msk [tilespmem:v12+s16+$0x0], $0xffff  }
0x24e: {  	v29 =	vld.idx.msk [tilespmem:v13+s16+$0x0], $0xffff  }
0x24f: {  	v30 =	vld.idx.msk [tilespmem:v14+s16+$0x0], $0xffff  }
0x250: {  	v31 =	vld.idx.msk [tilespmem:v15+s16+$0x0], $0xffff  }
0x251: {  	v36 =	vld.idx.msk [tilespmem:v16+s16+$0x0], $0xffff;
	_ =	sdelay $0x1  }
0x252: {  	v17 =	vadd.f32 v18, v17;
	v18 =	vadd.f32 v20, v19  }
0x253: {  	v19 =	vadd.f32 v22, v21;
	v37 =	vadd.f32 v37, v23  }
0x254: {  	v33 =	vadd.f32 v26, v25;
	v34 =	vadd.f32 v28, v27  }
0x255: {  	v35 =	vadd.f32 v30, v29;
	v36 =	vadd.f32 v36, v31  }
0x256: {  	v17 =	vadd.f32 v18, v17;
	v18 =	vadd.f32 v37, v19  }
0x257: {  	v19 =	vadd.f32 v34, v33;
	v37 =	vadd.f32 v36, v35;
	_ =	sdelay $0x1  }
0x258: {  	v17 =	vadd.f32 v18, v17;
	v18 =	vadd.f32 v37, v19;
	_ =	sdelay $0x1  }
0x259: {  	v17 =	vadd.f32 v18, v17;
	_ =	sdelay $0x1  }
0x25a: {  	v17 =	vsub.f32 $0.0e+00, v17;
	_ =	sdelay $0x1  }
0x25b: {  	v17 =	vmul.f32 $1.442695020e+00, v17;
	_ =	sdelay $0x1  }
0x25c: {  	(erf) = vpow2.f32 v17;
	_ =	sdelay $0x8  }
0x25d: {  	v17 =	vpop (erf)  }
0x25e: {  	v17 =	vadd.f32 $1.000000000e+00, v17;
	_ =	sdelay $0x1  }
0x25f: {  	(erf) = vrcp.f32 v17;
	_ =	sdelay $0x3  }
0x260: {  	s20 =	sadd.s32 $0x1, s20  }
0x261: {  	p0 =	sne.s32 s20, $0x3E  }
.Ltmp2:
0x262: {  	_ = 	snop;
	(pc) =	sbr.rel @p0 .LBB2_2-.Ltmp2, $3  }
0x263: {  	_ =	sdelay $0x1  }
0x264: {  	v17 =	vpop (erf)  }
0x265: {  	[tilespmem:s21+$0x4EB0] =	vst v17  }
0x266: {  	_ =	swait.ge [sflag:s15], $0x1400  }
0x267: {  	[sflag:s15] =	ssyncset.done $0x0  }
0x268: {  	[sflag:s15] =	ssyncadd.s32 $0xFFFFEC00  }
0x269: {  	_ =	swait.ge [sflag:s15], $0x1400  }
0x26a: {  	[sflag:s15] =	ssyncset.done $0x0  }
0x26b: {  	s23 =	simm.s32 $0x75B0;
	[sflag:s15] =	ssyncadd.s32 $0xFFFFEC00  }
0x26c: {  	s20 =	simm.s32 $0x9DB0;
	v18 =	vld [tilespmem:s23+$0x40]  }
0x26d: {  	v19 =	vld [tilespmem:s20+$0x40]  }
0x26e: {  	v20 =	vld [tilespmem:s23+$0x50]  }
0x26f: {  	v21 =	vld [tilespmem:s20+$0x50]  }
0x270: {  	v22 =	vld [tilespmem:s23+$0x60]  }
0x271: {  	v23 =	vld [tilespmem:s20+$0x60]  }
0x272: {  	v24 =	vld [tilespmem:s23+$0x70]  }
0x273: {  	v25 =	vld [tilespmem:s20+$0x70]  }
0x274: {  	v17 =	vld [tilespmem:s20+$0xFFFFFF80]  }
0x275: {  	v26 =	vld [tilespmem:s23+$0xFFFFFF90]  }
0x276: {  	v27 =	vld [tilespmem:s20+$0xFFFFFF90]  }
0x277: {  	v28 =	vld [tilespmem:s23+$0xFFFFFFA0]  }
0x278: {  	v29 =	vld [tilespmem:s20+$0xFFFFFFA0]  }
0x279: {  	v30 =	vld [tilespmem:s23+$0xFFFFFFB0]  }
0x27a: {  	v31 =	vld [tilespmem:s20+$0xFFFFFFB0]  }
0x27b: {  	v32 =	vld [tilespmem:s23+$0xFFFFFFC0]  }
0x27c: {  	v33 =	vld [tilespmem:s20+$0xFFFFFFC0]  }
0x27d: {  	v34 =	vld [tilespmem:s23+$0xFFFFFFD0]  }
0x27e: {  	v35 =	vld [tilespmem:s20+$0xFFFFFFD0]  }
0x27f: {  	v36 =	vld [tilespmem:s23+$0xFFFFFFE0]  }
0x280: {  	v18 =	vmul.bf16 v19, v18;
	v19 =	vmul.bf16 v21, v20;
	v20 =	vld [tilespmem:s20+$0xFFFFFFE0]  }
0x281: {  	v21 =	vmul.bf16 v23, v22;
	v22 =	vmul.bf16 v25, v24;
	v23 =	vld [tilespmem:s23+$0xFFFFFFF0]  }
0x282: {  	v24 =	vld [tilespmem:s20+$0xFFFFFFF0]  }
0x283: {  	v37 =	vld [tilespmem:s20+$0x0];
	v18 =	vadd.bf16 v19, v18;
	v19 =	vadd.bf16 v22, v21  }
0x284: {  	v25 =	vld [tilespmem:s23+$0x0]  }
0x285: {  	v21 =	vmul.bf16 v35, v34;
	v34 =	vld [tilespmem:s20+$0x10];
	v18 =	vadd.bf16 v19, v18  }
0x286: {  	v19 =	vmul.bf16 v33, v32;
	v32 =	vld [tilespmem:s23+$0x10];
	v36 =	vmul.bf16 v20, v36  }
0x287: {  	v23 =	vmul.bf16 v24, v23;
	v20 =	vld [tilespmem:s23+$0x20];
	v22 =	vunpack.i.u.bf16.f32 v18;
	v18 =	vunpack.i.l.bf16.f32 v18  }
0x288: {  	v24 =	vmul.bf16 v29, v28;
	v28 =	vmul.bf16 v31, v30;
	v29 =	vadd.f32 v18, v22;
	v22 =	vld [tilespmem:s20+$0x20]  }
0x289: {  	v35 =	vadd.bf16 v21, v19;
	v21 =	vld [tilespmem:s23+$0x30];
	v36 =	vadd.bf16 v23, v36  }
0x28a: {  	s21 =	simm.s32 $0xC560;
	v18 =	vmul.bf16 v27, v26;
	v19 =	vadd.bf16 v28, v24;
	v23 =	vld [tilespmem:s20+$0x30]  }
0x28b: {  	s22 =	simm.s32 $0x0;
	v26 =	vmul.bf16 v37, v25;
	v24 =	vld [tilespmem:s23+$0xFFFFFF80];
	s23 =	simm.s32 $0x76B0;
	[tilespmem:s21+$0x18] =	vst v29;
	v25 =	vadd.bf16 v36, v35;
	v27 =	vmul.bf16 v34, v32  }
.LBB2_8:
0x28c: {  	v28 =	vld [tilespmem:s23+$0x40];
	s20 =	sadd.s32 $0x100, s20  }
0x28d: {  	v29 =	vld [tilespmem:s20+$0x40];
	v30 =	vunpack.i.u.bf16.f32 v25;
	v20 =	vmul.bf16 v22, v20;
	v22 =	vadd.bf16 v27, v26  }
0x28e: {  	v25 =	vunpack.i.l.bf16.f32 v25;
	v26 =	vld [tilespmem:s23+$0x50]  }
0x28f: {  	v25 =	vadd.f32 v25, v30;
	v27 =	vld [tilespmem:s20+$0x50];
	v21 =	vmul.bf16 v23, v21  }
0x290: {  	v23 =	vld [tilespmem:s23+$0x60];
	v17 =	vmul.bf16 v17, v24  }
0x291: {  	v24 =	vld [tilespmem:s20+$0x60];
	[tilespmem:s21+$0xFFFFFFE8] =	vst v25;
	v20 =	vadd.bf16 v21, v20  }
0x292: {  	v21 =	vld [tilespmem:s23+$0x70];
	v18 =	vadd.bf16 v18, v17  }
0x293: {  	s22 =	sadd.s32 $0x4, s22;
	v25 =	vld [tilespmem:s20+$0x70];
	v20 =	vadd.bf16 v20, v22  }
0x294: {  	p0 =	slt.u32 s22, $0x4C;
	v17 =	vld [tilespmem:s20+$0xFFFFFF80];
	v18 =	vadd.bf16 v19, v18  }
0x295: {  	v19 =	vld [tilespmem:s23+$0xFFFFFF90];
	v22 =	vunpack.i.u.bf16.f32 v20;
	v20 =	vunpack.i.l.bf16.f32 v20  }
0x296: {  	v30 =	vld [tilespmem:s20+$0xFFFFFF90];
	v31 =	vunpack.i.u.bf16.f32 v18;
	v18 =	vunpack.i.l.bf16.f32 v18;
	v20 =	vadd.f32 v20, v22  }
0x297: {  	v28 =	vmul.bf16 v29, v28;
	v26 =	vmul.bf16 v27, v26;
	v22 =	vld [tilespmem:s23+$0xFFFFFFA0];
	v18 =	vadd.f32 v18, v31  }
0x298: {  	v23 =	vmul.bf16 v24, v23;
	v27 =	vld [tilespmem:s20+$0xFFFFFFA0];
	v21 =	vmul.bf16 v25, v21;
	[tilespmem:s21+$0x0] =	vst v20  }
0x299: {  	v20 =	vld [tilespmem:s23+$0xFFFFFFB0];
	[tilespmem:s21+$0xFFFFFFD0] =	vst v18  }
0x29a: {  	v25 =	vadd.bf16 v26, v28;
	v24 =	vld [tilespmem:s20+$0xFFFFFFB0];
	v21 =	vadd.bf16 v21, v23  }
0x29b: {  	v18 =	vmul.bf16 v30, v19;
	v23 =	vld [tilespmem:s23+$0xFFFFFFC0]  }
0x29c: {  	v26 =	vld [tilespmem:s20+$0xFFFFFFC0];
	v19 =	vadd.bf16 v21, v25  }
0x29d: {  	v21 =	vmul.bf16 v27, v22;
	v22 =	vld [tilespmem:s23+$0xFFFFFFD0]  }
0x29e: {  	v25 =	vld [tilespmem:s20+$0xFFFFFFD0];
	v27 =	vunpack.i.u.bf16.f32 v19;
	v19 =	vunpack.i.l.bf16.f32 v19  }
0x29f: {  	v20 =	vmul.bf16 v24, v20;
	v24 =	vld [tilespmem:s23+$0xFFFFFFE0];
	v27 =	vadd.f32 v19, v27  }
0x2a0: {  	s21 =	sadd.s32 $0x60, s21;
	v28 =	vld [tilespmem:s20+$0xFFFFFFE0]  }
0x2a1: {  	v19 =	vadd.bf16 v20, v21;
	v20 =	vmul.bf16 v26, v23;
	v21 =	vld [tilespmem:s23+$0xFFFFFFF0];
	[tilespmem:s21+$0x18] =	vst v27  }
0x2a2: {  	v23 =	vld [tilespmem:s20+$0xFFFFFFF0]  }
0x2a3: {  	v22 =	vmul.bf16 v25, v22;
	v25 =	vld [tilespmem:s23+$0x0]  }
0x2a4: {  	v26 =	vld [tilespmem:s20+$0x0]  }
0x2a5: {  	v24 =	vmul.bf16 v28, v24;
	v27 =	vadd.bf16 v22, v20;
	v28 =	vld [tilespmem:s23+$0x10]  }
0x2a6: {  	v29 =	vld [tilespmem:s20+$0x10]  }
.Ltmp3:
0x2a7: {  	v21 =	vmul.bf16 v23, v21;
	v20 =	vld [tilespmem:s23+$0x20];
	(pc) =	sbr.rel @p0 .LBB2_8-.Ltmp3, $4  }
0x2a8: {  	v22 =	vld [tilespmem:s20+$0x20]  }
0x2a9: {  	v30 =	vadd.bf16 v21, v24;
	v26 =	vmul.bf16 v26, v25;
	v21 =	vld [tilespmem:s23+$0x30]  }
0x2aa: {  	v23 =	vld [tilespmem:s20+$0x30]  }
0x2ab: {  	v24 =	vld [tilespmem:s23+$0xFFFFFF80];
	v25 =	vadd.bf16 v30, v27;
	v27 =	vmul.bf16 v29, v28;
	s23 =	sadd.s32 $0x100, s23  }
0x2ac: {  	_ =	sdelay $0x2  }
0x2ad: {  	v20 =	vmul.bf16 v22, v20;
	v21 =	vmul.bf16 v23, v21  }
0x2ae: {  	v17 =	vmul.bf16 v17, v24  }
0x2af: {  	v34 =	vadd.bf16 v27, v26;
	v20 =	vadd.bf16 v21, v20  }
0x2b0: {  	v17 =	vadd.bf16 v18, v17  }
0x2b1: {  	v35 =	vadd.bf16 v20, v34  }
0x2b2: {  	v36 =	vunpack.i.u.bf16.f32 v25;
	v37 =	vunpack.i.l.bf16.f32 v25;
	v17 =	vadd.bf16 v19, v17  }
0x2b3: {  	v24 =	vadd.f32 v37, v36;
	v25 =	vunpack.i.u.bf16.f32 v35;
	v18 =	vunpack.i.l.bf16.f32 v35  }
0x2b4: {  	v26 =	vunpack.i.u.bf16.f32 v17;
	v17 =	vunpack.i.l.bf16.f32 v17;
	v18 =	vadd.f32 v18, v25  }
0x2b5: {  	[tilespmem:s21+$0xFFFFFFE8] =	vst v24;
	v17 =	vadd.f32 v17, v26  }
0x2b6: {  	[tilespmem:s21+$0x0] =	vst v18  }
0x2b7: {  	[tilespmem:s21+$0xFFFFFFD0] =	vst v17  }
0x2b8: {  	v17 =	vld.idx.msk [tilespmem:v0+s16+$0x0], $0xffff  }
0x2b9: {  	v18 =	vld [tilespmem:$0x1FDB0]  }
0x2ba: {  	v19 =	vld [tilespmem:$0x1FDC0]  }
0x2bb: {  	v27 =	vld [tilespmem:$0x1FDD0]  }
0x2bc: {  	v28 =	vld [tilespmem:$0x1FDE0]  }
0x2bd: {  	v29 =	vld [tilespmem:$0x1FDF0]  }
0x2be: {  	v30 =	vld [tilespmem:$0x1FE00]  }
0x2bf: {  	v31 =	vld [tilespmem:$0x1FE10]  }
0x2c0: {  	v32 =	vld [tilespmem:$0x1FE20]  }
0x2c1: {  	v33 =	vld [tilespmem:$0x1FE30]  }
0x2c2: {  	v34 =	vld [tilespmem:$0x1FE40]  }
0x2c3: {  	v18 =	vld.idx.msk [tilespmem:v18+s16+$0x0], $0xffff  }
0x2c4: {  	v19 =	vld.idx.msk [tilespmem:v19+s16+$0x0], $0xffff  }
0x2c5: {  	v21 =	vld.idx.msk [tilespmem:v28+s16+$0x0], $0xffff  }
0x2c6: {  	v22 =	vld.idx.msk [tilespmem:v29+s16+$0x0], $0xffff  }
0x2c7: {  	v23 =	vld.idx.msk [tilespmem:v30+s16+$0x0], $0xffff  }
0x2c8: {  	v24 =	vld.idx.msk [tilespmem:v31+s16+$0x0], $0xffff  }
0x2c9: {  	v25 =	vld.idx.msk [tilespmem:v32+s16+$0x0], $0xffff  }
0x2ca: {  	v28 =	vld [tilespmem:$0x1FE50]  }
0x2cb: {  	v29 =	vld [tilespmem:$0x1FE60]  }
0x2cc: {  	v30 =	vld [tilespmem:$0x1FE70]  }
0x2cd: {  	v31 =	vld [tilespmem:$0x1FE80]  }
0x2ce: {  	v32 =	vld [tilespmem:$0x1FE90]  }
0x2cf: {  	v20 =	vld.idx.msk [tilespmem:v27+s16+$0x0], $0xffff  }
0x2d0: {  	v26 =	vld.idx.msk [tilespmem:v33+s16+$0x0], $0xffff  }
0x2d1: {  	v27 =	vld.idx.msk [tilespmem:v34+s16+$0x0], $0xffff  }
0x2d2: {  	v28 =	vld.idx.msk [tilespmem:v28+s16+$0x0], $0xffff  }
0x2d3: {  	v29 =	vld.idx.msk [tilespmem:v29+s16+$0x0], $0xffff  }
0x2d4: {  	v30 =	vld.idx.msk [tilespmem:v30+s16+$0x0], $0xffff  }
0x2d5: {  	v31 =	vld.idx.msk [tilespmem:v31+s16+$0x0], $0xffff  }
0x2d6: {  	v32 =	vld.idx.msk [tilespmem:v32+s16+$0x0], $0xffff;
	_ =	sdelay $0x1  }
0x2d7: {  	v17 =	vadd.f32 v18, v17;
	v18 =	vadd.f32 v20, v19  }
0x2d8: {  	v35 =	vadd.f32 v22, v21;
	v36 =	vadd.f32 v24, v23  }
0x2d9: {  	v37 =	vadd.f32 v26, v25;
	v28 =	vadd.f32 v28, v27  }
0x2da: {  	v33 =	vadd.f32 v30, v29;
	v34 =	vadd.f32 v32, v31  }
0x2db: {  	v17 =	vadd.f32 v18, v17;
	v35 =	vadd.f32 v36, v35  }
0x2dc: {  	v36 =	vadd.f32 v28, v37;
	v37 =	vadd.f32 v34, v33;
	_ =	sdelay $0x1  }
0x2dd: {  	v17 =	vadd.f32 v35, v17;
	v21 =	vadd.f32 v37, v36;
	_ =	sdelay $0x1  }
0x2de: {  	v17 =	vadd.f32 v21, v17;
	_ =	sdelay $0x1  }
0x2df: {  	v17 =	vsub.f32 $0.0e+00, v17;
	_ =	sdelay $0x1  }
0x2e0: {  	v17 =	vmul.f32 $1.442695020e+00, v17;
	_ =	sdelay $0x1  }
0x2e1: {  	(erf) = vpow2.f32 v17;
	_ =	sdelay $0x6  }
0x2e2: {  	v22 =	vld [tilespmem:$0x1FEA0]  }
0x2e3: {  	v23 =	vld [tilespmem:$0x1FEB0]  }
0x2e4: {  	v24 =	vld [tilespmem:$0x1FEC0];
	v17 =	vpop (erf)  }
0x2e5: {  	v25 =	vld [tilespmem:$0x1FED0];
	v17 =	vadd.f32 $1.000000000e+00, v17  }
0x2e6: {  	v26 =	vld [tilespmem:$0x1FEE0]  }
0x2e7: {  	v35 =	vld [tilespmem:$0x1FF70];
	(erf) = vrcp.f32 v17  }
0x2e8: {  	v27 =	vld [tilespmem:$0x1FEF0]  }
0x2e9: {  	v29 =	vld [tilespmem:$0x1FF10]  }
0x2ea: {  	v30 =	vld [tilespmem:$0x1FF20]  }
0x2eb: {  	v31 =	vld [tilespmem:$0x1FF30]  }
0x2ec: {  	v32 =	vld [tilespmem:$0x1FF40]  }
0x2ed: {  	v28 =	vld [tilespmem:$0x1FF00]  }
0x2ee: {  	v33 =	vld [tilespmem:$0x1FF50]  }
0x2ef: {  	v34 =	vld [tilespmem:$0x1FF60]  }
0x2f0: {  	v36 =	vld [tilespmem:$0x1FF80];
	v17 =	vpop (erf)  }
0x2f1: {  	v37 =	vld [tilespmem:$0x1FF90];
	[tilespmem:$0x74E0] =	vst v17  }
0x2f2: {  	v17 =	vld.idx.msk [tilespmem:v22+s16+$0x0], $0xffff  }
0x2f3: {  	v18 =	vld.idx.msk [tilespmem:v23+s16+$0x0], $0xffff  }
0x2f4: {  	v19 =	vld.idx.msk [tilespmem:v24+s16+$0x0], $0xffff  }
0x2f5: {  	v20 =	vld.idx.msk [tilespmem:v25+s16+$0x0], $0xffff  }
0x2f6: {  	v21 =	vld.idx.msk [tilespmem:v26+s16+$0x0], $0xffff  }
0x2f7: {  	v22 =	vld.idx.msk [tilespmem:v27+s16+$0x0], $0xffff  }
0x2f8: {  	v23 =	vld.idx.msk [tilespmem:v28+s16+$0x0], $0xffff  }
0x2f9: {  	v24 =	vld.idx.msk [tilespmem:v29+s16+$0x0], $0xffff  }
0x2fa: {  	v25 =	vld.idx.msk [tilespmem:v30+s16+$0x0], $0xffff  }
0x2fb: {  	v26 =	vld.idx.msk [tilespmem:v31+s16+$0x0], $0xffff  }
0x2fc: {  	v27 =	vld.idx.msk [tilespmem:v32+s16+$0x0], $0xffff  }
0x2fd: {  	v28 =	vld.idx.msk [tilespmem:v33+s16+$0x0], $0xffff  }
0x2fe: {  	v29 =	vld.idx.msk [tilespmem:v34+s16+$0x0], $0xffff  }
0x2ff: {  	v30 =	vld.idx.msk [tilespmem:v35+s16+$0x0], $0xffff  }
0x300: {  	v31 =	vld.idx.msk [tilespmem:v36+s16+$0x0], $0xffff  }
0x301: {  	v32 =	vld.idx.msk [tilespmem:v37+s16+$0x0], $0xffff;
	_ =	sdelay $0x1  }
0x302: {  	v17 =	vadd.f32 v18, v17;
	v18 =	vadd.f32 v20, v19  }
0x303: {  	v19 =	vadd.f32 v22, v21;
	v33 =	vadd.f32 v24, v23  }
0x304: {  	v34 =	vadd.f32 v26, v25;
	v35 =	vadd.f32 v28, v27  }
0x305: {  	v36 =	vadd.f32 v30, v29;
	v37 =	vadd.f32 v32, v31  }
0x306: {  	v17 =	vadd.f32 v18, v17;
	v26 =	vadd.f32 v33, v19  }
0x307: {  	v27 =	vadd.f32 v35, v34;
	v28 =	vadd.f32 v37, v36;
	_ =	sdelay $0x1  }
0x308: {  	v17 =	vadd.f32 v26, v17;
	v29 =	vadd.f32 v28, v27;
	_ =	sdelay $0x1  }
0x309: {  	v17 =	vadd.f32 v29, v17;
	_ =	sdelay $0x1  }
0x30a: {  	v17 =	vsub.f32 $0.0e+00, v17;
	_ =	sdelay $0x1  }
0x30b: {  	v17 =	vmul.f32 $1.442695020e+00, v17;
	_ =	sdelay $0x1  }
0x30c: {  	(erf) = vpow2.f32 v17;
	_ =	sdelay $0x8  }
0x30d: {  	v17 =	vpop (erf)  }
0x30e: {  	v17 =	vadd.f32 $1.000000000e+00, v17;
	_ =	sdelay $0x1  }
0x30f: {  	(erf) = vrcp.f32 v17;
	_ =	sdelay $0x2  }
0x310: {  	v30 =	vld [tilespmem:$0x1FFA0]  }
0x311: {  	v31 =	vld [tilespmem:$0x1FFB0]  }
0x312: {  	v32 =	vld [tilespmem:$0x1FFC0]  }
0x313: {  	v33 =	vld [tilespmem:$0x1FFD0]  }
0x314: {  	v34 =	vld [tilespmem:$0x1FFE0]  }
0x315: {  	v35 =	vld [tilespmem:$0x1FFF0]  }
0x316: {  	v17 =	vpop (erf)  }
0x317: {  	[tilespmem:$0x74F0] =	vst v17  }
0x318: {  	v17 =	vld.idx.msk [tilespmem:v30+s16+$0x0], $0xffff  }
0x319: {  	v18 =	vld.idx.msk [tilespmem:v31+s16+$0x0], $0xffff  }
0x31a: {  	v19 =	vld.idx.msk [tilespmem:v32+s16+$0x0], $0xffff  }
0x31b: {  	v20 =	vld.idx.msk [tilespmem:v33+s16+$0x0], $0xffff  }
0x31c: {  	v21 =	vld.idx.msk [tilespmem:v34+s16+$0x0], $0xffff  }
0x31d: {  	v22 =	vld.idx.msk [tilespmem:v35+s16+$0x0], $0xffff  }
0x31e: {  	v23 =	vld.idx.msk [tilespmem:v38+s16+$0x0], $0xffff  }
0x31f: {  	v36 =	vld.idx.msk [tilespmem:v39+s16+$0x0], $0xffff  }
0x320: {  	v25 =	vld.idx.msk [tilespmem:v40+s16+$0x0], $0xffff  }
0x321: {  	v37 =	vld.idx.msk [tilespmem:v41+s16+$0x0], $0xffff  }
0x322: {  	v27 =	vld.idx.msk [tilespmem:v42+s16+$0x0], $0xffff  }
0x323: {  	v28 =	vld.idx.msk [tilespmem:v43+s16+$0x0], $0xffff  }
0x324: {  	v29 =	vld.idx.msk [tilespmem:v44+s16+$0x0], $0xffff  }
0x325: {  	v30 =	vld.idx.msk [tilespmem:v45+s16+$0x0], $0xffff  }
0x326: {  	v31 =	vld.idx.msk [tilespmem:v46+s16+$0x0], $0xffff  }
0x327: {  	v32 =	vld.idx.msk [tilespmem:v47+s16+$0x0], $0xffff;
	_ =	sdelay $0x1  }
0x328: {  	v17 =	vadd.f32 v18, v17;
	v34 =	vadd.f32 v20, v19  }
0x329: {  	v35 =	vadd.f32 v22, v21;
	v36 =	vadd.f32 v36, v23  }
0x32a: {  	v37 =	vadd.f32 v37, v25;
	v28 =	vadd.f32 v28, v27  }
0x32b: {  	v30 =	vadd.f32 v30, v29;
	v31 =	vadd.f32 v32, v31  }
0x32c: {  	v17 =	vadd.f32 v34, v17;
	v32 =	vadd.f32 v36, v35  }
0x32d: {  	v33 =	vadd.f32 v28, v37;
	v34 =	vadd.f32 v31, v30;
	_ =	sdelay $0x1  }
0x32e: {  	v17 =	vadd.f32 v32, v17;
	v35 =	vadd.f32 v34, v33;
	_ =	sdelay $0x1  }
0x32f: {  	v17 =	vadd.f32 v35, v17;
	_ =	sdelay $0x1  }
0x330: {  	v17 =	vsub.f32 $0.0e+00, v17;
	_ =	sdelay $0x1  }
0x331: {  	v17 =	vmul.f32 $1.442695020e+00, v17;
	_ =	sdelay $0x1  }
0x332: {  	(erf) = vpow2.f32 v17;
	_ =	sdelay $0x8  }
0x333: {  	v17 =	vpop (erf)  }
0x334: {  	v17 =	vadd.f32 $1.000000000e+00, v17;
	_ =	sdelay $0x1  }
0x335: {  	(erf) = vrcp.f32 v17;
	_ =	sdelay $0x8  }
0x336: {  	v17 =	vpop (erf)  }
0x337: {  	[tilespmem:$0x7500] =	vst v17  }
0x338: {  	v17 =	vld.idx.msk [tilespmem:v48+s16+$0x0], $0xffff  }
0x339: {  	v18 =	vld.idx.msk [tilespmem:v49+s16+$0x0], $0xffff  }
0x33a: {  	v19 =	vld.idx.msk [tilespmem:v50+s16+$0x0], $0xffff  }
0x33b: {  	v20 =	vld.idx.msk [tilespmem:v51+s16+$0x0], $0xffff  }
0x33c: {  	v21 =	vld.idx.msk [tilespmem:v52+s16+$0x0], $0xffff  }
0x33d: {  	v22 =	vld.idx.msk [tilespmem:v53+s16+$0x0], $0xffff  }
0x33e: {  	v23 =	vld.idx.msk [tilespmem:v54+s16+$0x0], $0xffff  }
0x33f: {  	v24 =	vld.idx.msk [tilespmem:v55+s16+$0x0], $0xffff  }
0x340: {  	v25 =	vld.idx.msk [tilespmem:v56+s16+$0x0], $0xffff  }
0x341: {  	v26 =	vld.idx.msk [tilespmem:v57+s16+$0x0], $0xffff  }
0x342: {  	v27 =	vld.idx.msk [tilespmem:v58+s16+$0x0], $0xffff  }
0x343: {  	v28 =	vld.idx.msk [tilespmem:v59+s16+$0x0], $0xffff  }
0x344: {  	v29 =	vld.idx.msk [tilespmem:v60+s16+$0x0], $0xffff  }
0x345: {  	v30 =	vld.idx.msk [tilespmem:v61+s16+$0x0], $0xffff  }
0x346: {  	v36 =	vld.idx.msk [tilespmem:v62+s16+$0x0], $0xffff  }
0x347: {  	v37 =	vld.idx.msk [tilespmem:v63+s16+$0x0], $0xffff;
	_ =	sdelay $0x1  }
0x348: {  	v17 =	vadd.f32 v18, v17;
	v60 =	vadd.f32 v20, v19  }
0x349: {  	v61 =	vadd.f32 v22, v21;
	v62 =	vadd.f32 v24, v23  }
0x34a: {  	v63 =	vadd.f32 v26, v25;
	v28 =	vadd.f32 v28, v27  }
0x34b: {  	v30 =	vadd.f32 v30, v29;
	v31 =	vadd.f32 v37, v36  }
0x34c: {  	v17 =	vadd.f32 v60, v17;
	v32 =	vadd.f32 v62, v61  }
0x34d: {  	v33 =	vadd.f32 v28, v63;
	v34 =	vadd.f32 v31, v30;
	_ =	sdelay $0x1  }
0x34e: {  	v17 =	vadd.f32 v32, v17;
	v35 =	vadd.f32 v34, v33;
	_ =	sdelay $0x1  }
0x34f: {  	v17 =	vadd.f32 v35, v17;
	_ =	sdelay $0x1  }
0x350: {  	v17 =	vsub.f32 $0.0e+00, v17;
	_ =	sdelay $0x1  }
0x351: {  	v17 =	vmul.f32 $1.442695020e+00, v17;
	_ =	sdelay $0x1  }
0x352: {  	(erf) = vpow2.f32 v17;
	_ =	sdelay $0x8  }
0x353: {  	v17 =	vpop (erf)  }
0x354: {  	v17 =	vadd.f32 $1.000000000e+00, v17;
	_ =	sdelay $0x1  }
0x355: {  	(erf) = vrcp.f32 v17;
	_ =	sdelay $0x8  }
0x356: {  	v17 =	vpop (erf)  }
0x357: {  	[tilespmem:$0x7510] =	vst v17  }
0x358: {  	v1 =	vld.idx.msk [tilespmem:v1+s16+$0x0], $0xffff  }
0x359: {  	v2 =	vld.idx.msk [tilespmem:v2+s16+$0x0], $0xffff  }
0x35a: {  	v3 =	vld.idx.msk [tilespmem:v3+s16+$0x0], $0xffff  }
0x35b: {  	v4 =	vld.idx.msk [tilespmem:v4+s16+$0x0], $0xffff  }
0x35c: {  	v5 =	vld.idx.msk [tilespmem:v5+s16+$0x0], $0xffff  }
0x35d: {  	v6 =	vld.idx.msk [tilespmem:v6+s16+$0x0], $0xffff  }
0x35e: {  	v7 =	vld.idx.msk [tilespmem:v7+s16+$0x0], $0xffff  }
0x35f: {  	v8 =	vld.idx.msk [tilespmem:v8+s16+$0x0], $0xffff  }
0x360: {  	v9 =	vld.idx.msk [tilespmem:v9+s16+$0x0], $0xffff  }
0x361: {  	v10 =	vld.idx.msk [tilespmem:v10+s16+$0x0], $0xffff  }
0x362: {  	v11 =	vld.idx.msk [tilespmem:v11+s16+$0x0], $0xffff  }
0x363: {  	v12 =	vld.idx.msk [tilespmem:v12+s16+$0x0], $0xffff  }
0x364: {  	v13 =	vld.idx.msk [tilespmem:v13+s16+$0x0], $0xffff  }
0x365: {  	v14 =	vld.idx.msk [tilespmem:v14+s16+$0x0], $0xffff  }
0x366: {  	v15 =	vld.idx.msk [tilespmem:v15+s16+$0x0], $0xffff  }
0x367: {  	v16 =	vld.idx.msk [tilespmem:v16+s16+$0x0], $0xffff;
	_ =	sdelay $0x1  }
0x368: {  	v1 =	vadd.f32 v2, v1;
	v2 =	vadd.f32 v4, v3  }
0x369: {  	v3 =	vadd.f32 v6, v5;
	v36 =	vadd.f32 v8, v7  }
0x36a: {  	v37 =	vadd.f32 v10, v9;
	v60 =	vadd.f32 v12, v11  }
0x36b: {  	v61 =	vadd.f32 v14, v13;
	v62 =	vadd.f32 v16, v15  }
0x36c: {  	v1 =	vadd.f32 v2, v1;
	v2 =	vadd.f32 v36, v3  }
0x36d: {  	v3 =	vadd.f32 v60, v37;
	v63 =	vadd.f32 v62, v61;
	_ =	sdelay $0x1  }
0x36e: {  	v1 =	vadd.f32 v2, v1;
	v2 =	vadd.f32 v63, v3;
	_ =	sdelay $0x1  }
0x36f: {  	v1 =	vadd.f32 v2, v1;
	_ =	sdelay $0x1  }
0x370: {  	v1 =	vsub.f32 $0.0e+00, v1;
	_ =	sdelay $0x1  }
0x371: {  	v1 =	vmul.f32 $1.442695020e+00, v1;
	_ =	sdelay $0x1  }
0x372: {  	(erf) = vpow2.f32 v1;
	_ =	sdelay $0x8  }
0x373: {  	v1 =	vpop (erf)  }
0x374: {  	v1 =	vadd.f32 $1.000000000e+00, v1;
	_ =	sdelay $0x1  }
0x375: {  	(erf) = vrcp.f32 v1;
	_ =	sdelay $0x7  }
0x376: {  	s19 =	sadd.s32 $0x1, s19  }
0x377: {  	p0 =	sne.s32 s19, s7;
	v1 =	vpop (erf)  }
.Ltmp4:
0x378: {  	[tilespmem:$0x7520] =	vst v1;
	(pc) =	sbr.rel @p0 .LBB2_1-.Ltmp4, $4  }
0x379: {  	[hbm4b:s6+s2] =	stream.linear.scatter [tilespmem:s18], [sflag:$0x3], $0x2710, $0x38;
	[tilespmem:$0xCCB0] =	vst v63  }
0x37a: {  	_ =	swait.ge [sflag:s8], $0x2710  }
0x37b: {  	[sflag:s8] =	ssyncset.done $0x0  }
0x37c: {  	[sflag:s8] =	ssyncadd.s32 $0xFFFFD8F0  }
0x37d: {  	_ =	sfence.sel $0x180000  }
0x37e: {  	[bflag:$0x0] =	sbarrier.arrive $0xFFFF  }
0x37f: {  	p0 =	sne.s32 s0, $0x0;
	_ =	strace $0x90000047  }
0x380: {  	s0 =	sadd.s32 @!p0 $0x100000, s1;
	[bflag:$0x2] =	sbarrier.arrive $0xFFFF  }
0x381: {  	[sflag:s0] =	ssyncadd.tile.s32 @!p0 $0x1;
	_ =	shalt  }
.Lfunc_end2:
_tile_overlayer_lowered:
.L_overlay_start_2:
0x382: {  	(tag) =	ssettag $0x2  }
0x383: {  	s0 =	rddreg [dreg:$0x0];
	s2 =	stileid.u32  }
0x384: {  	s1 =	rddreg [dreg:$0x1];
	p0 =	sne.s32 s2, $0x0  }
0x385: {  	s3 =	rddreg [dreg:$0x2];
	[bflag:$0x3] =	sbarrier.arrive $0xFFFF;
	s2 =	simm.s32 @!p0 $0x1C03  }
0x386: {  	[timem:s3], [sflag:s2] =	dma.local @!p0 [hbm:s0], s1  }
0x387: {  	s0 =	simm.s32 @!p0 $0x3  }
0x388: {  	_ =	swait.ge @!p0 [sflag:s0], s1  }
0x389: {  	s1 =	ssub.s32 @!p0 $0x0, s1;
	[sflag:s0] =	ssyncset.done @!p0 $0x0  }
0x38a: {  	[sflag:s0] =	ssyncadd.s32 @!p0 s1  }
0x38b: {  	[bflag:$0x3] =	sbarrier.arrive $0xFFFF  }
0x38c: {  	_ =	shalt  }

</sc_bundles>
